<compile_context>
chip_gen: v7x
topology: tpu7x:2x2x1
jax: 0.10.2.dev20260603
libtpu: 0.0.44.dev20260713+nightly
codegen_flags: <defaults>
</compile_context>

<pallas_src>
import functools

import jax
import jax.numpy as jnp
from jax import lax
from jax.experimental import pallas as pl
from jax.experimental.pallas import tpu as pltpu
from jax.experimental.pallas import tpu_sc as plsc

NC = 2
NS = 16
NW = NC * NS

CHUNK = 128


def _seg_sum_sc(embeddings, adj_src, adj_dst, zeros):
    N, D = embeddings.shape
    R, E = adj_src.shape
    NCHT = E // CHUNK
    rel_per_core = R // NC
    npt = (N // NS) // 8 * 8
    npt_last = N - (NS - 1) * npt
    NCH = -(-NCHT // NS)
    NCH_LAST = NCHT - (NS - 1) * NCH
    assert 0 < NCH_LAST <= NCH
    NRB = 3
    NIB = 4

    mesh = plsc.VectorSubcoreMesh(core_axis_name="c", subcore_axis_name="s")

    @functools.partial(
        pl.kernel,
        out_type=jax.ShapeDtypeStruct((R, N, D), jnp.float32),
        mesh=mesh,
        scratch_types=[
            pltpu.VMEM((NIB, CHUNK), jnp.int32),
            pltpu.VMEM((NIB, CHUNK), jnp.int32),
            pltpu.VMEM((NRB, CHUNK, D), jnp.float32),
            pltpu.VMEM_SHARED((N, D), jnp.float32),
            pltpu.SemaphoreType.DMA,
            pltpu.SemaphoreType.DMA,
            pltpu.SemaphoreType.DMA,
        ],
    )
    def seg_sum(emb, asrc, adst, zer, out, isrc, idst, rows, acc,
                sem_i, sem_g, sem_s):
        c = lax.axis_index("c")
        s = lax.axis_index("s")

        def fire_idx(r, base, j):
            b = lax.rem(j, NIB)
            off = (base + j) * CHUNK
            pltpu.async_copy(asrc.at[r, pl.ds(off, CHUNK)], isrc.at[b],
                             sem_i)
            pltpu.async_copy(adst.at[r, pl.ds(off, CHUNK)], idst.at[b],
                             sem_i)

        def wait_idx():
            pltpu.make_async_copy(asrc.at[0, pl.ds(0, CHUNK)], isrc.at[0],
                                  sem_i).wait()
            pltpu.make_async_copy(adst.at[0, pl.ds(0, CHUNK)], idst.at[0],
                                  sem_i).wait()

        def fire_gather(j):
            pltpu.async_copy(emb.at[isrc.at[lax.rem(j, NIB)]],
                             rows.at[lax.rem(j, NRB)], sem_g)

        def wait_gather():
            pltpu.make_async_copy(emb.at[isrc.at[0]], rows.at[0],
                                  sem_g).wait()

        def fire_scatter(j):
            pltpu.async_copy(rows.at[lax.rem(j, NRB)],
                             acc.at[idst.at[lax.rem(j, NIB)]], sem_s,
                             add=True)

        def wait_scatter():
            pltpu.make_async_copy(rows.at[0], acc.at[pl.ds(0, CHUNK)],
                                  sem_s).wait()

        for rloc in range(rel_per_core):
            r = c * rel_per_core + rloc
            base = s * NCH
            nch_t = jnp.where(s < NS - 1, NCH, NCH_LAST)

            fire_idx(r, base, 0)
            fire_idx(r, base, 1)

            @pl.when(s < NS - 1)
            def _():
                pltpu.sync_copy(zer.at[pl.ds(0, npt)],
                                acc.at[pl.ds(s * npt, npt)])

            @pl.when(s == NS - 1)
            def _():
                pltpu.sync_copy(zer.at[pl.ds(0, npt_last)],
                                acc.at[pl.ds((NS - 1) * npt, npt_last)])

            wait_idx()
            fire_gather(0)
            plsc.subcore_barrier()

            @pl.loop(0, nch_t)
            def _(j):
                @pl.when(j >= 2)
                def _():
                    wait_scatter()

                @pl.when(j + 2 < nch_t)
                def _():
                    fire_idx(r, base, j + 2)

                @pl.when(j + 1 < nch_t)
                def _():
                    wait_idx()
                    fire_gather(j + 1)

                wait_gather()
                fire_scatter(j)

            wait_scatter()

            @pl.when(nch_t >= 2)
            def _():
                wait_scatter()

            plsc.subcore_barrier()

            @pl.when(s < NS - 1)
            def _():
                pltpu.sync_copy(acc.at[pl.ds(s * npt, npt)],
                                out.at[r, pl.ds(s * npt, npt)])

            @pl.when(s == NS - 1)
            def _():
                pltpu.sync_copy(acc.at[pl.ds((NS - 1) * npt, npt_last)],
                                out.at[r, pl.ds((NS - 1) * npt, npt_last)])

            plsc.subcore_barrier()

    return seg_sum(embeddings, adj_src, adj_dst, zeros)


def _gather_sc(node_out, ht_idx):
    N, D = node_out.shape
    dt = node_out.dtype
    ncht = ht_idx.shape[0] // CHUNK
    B = ncht * CHUNK // 2
    nch = ncht // NW
    assert nch * NW == ncht

    mesh = plsc.VectorSubcoreMesh(core_axis_name="c", subcore_axis_name="s")
    NB = 4

    @functools.partial(
        pl.kernel,
        out_type=jax.ShapeDtypeStruct((2 * B, D), dt),
        mesh=mesh,
        scratch_types=[
            pltpu.VMEM((nch * CHUNK,), jnp.int32),
            pltpu.VMEM((NB, CHUNK, D), dt),
            pltpu.SemaphoreType.DMA,
            pltpu.SemaphoreType.DMA,
        ],
    )
    def gat(node, htidx, o, idx_v, rows, sem, sem_st):
        c = lax.axis_index("c")
        s = lax.axis_index("s")
        w = s * NC + c

        pltpu.sync_copy(htidx.at[pl.ds(w * nch * CHUNK, nch * CHUNK)],
                        idx_v)

        def idx_chunk(j):
            return idx_v.at[pl.ds(j * CHUNK, CHUNK)]

        gd = [None] * nch
        std = [None] * nch
        for k in range(min(NB - 1, nch)):
            gd[k] = pltpu.async_copy(node.at[idx_chunk(k)], rows.at[k], sem)
        for j in range(nch):
            gd[j].wait()
            std[j] = pltpu.async_copy(
                rows.at[j % NB],
                o.at[pl.ds((w * nch + j) * CHUNK, CHUNK)], sem_st)
            nxt = j + NB - 1
            if nxt < nch:
                if j >= 1:
                    std[j - 1].wait()
                    std[j - 1] = None
                gd[nxt] = pltpu.async_copy(
                    node.at[idx_chunk(nxt)], rows.at[nxt % NB], sem)
        for j in range(nch):
            if std[j] is not None:
                std[j].wait()

    return gat(node_out, ht_idx)


def _relation_matmul_tc(S, relation_kernel):
    R, N, D = S.shape
    OUT = relation_kernel.shape[-1]
    BN = 2000

    def mm(s_ref, w_ref, o_ref):
        acc = jnp.dot(s_ref[0], w_ref[0], preferred_element_type=jnp.float32)
        for r in range(1, R):
            acc += jnp.dot(s_ref[r], w_ref[r],
                           preferred_element_type=jnp.float32)
        o_ref[...] = acc

    return pl.pallas_call(
        mm,
        grid=(N // BN,),
        in_specs=[
            pl.BlockSpec((R, BN, D), lambda i: (0, i, 0)),
            pl.BlockSpec((R, D, OUT), lambda i: (0, 0, 0)),
        ],
        out_specs=pl.BlockSpec((BN, OUT), lambda i: (i, 0)),
        out_shape=jax.ShapeDtypeStruct((N, OUT), jnp.float32),
    )(S, relation_kernel)


def _final_tc(head_e, tail_e, gath_ht, self_kernel):
    B, D = head_e.shape
    OUT = self_kernel.shape[-1]
    BB = 2048
    nblk = B // BB

    def fin(he, te, gh, gt, sk, oh, ot):
        oh[...] = jax.nn.sigmoid(
            jnp.dot(he[...], sk[...], preferred_element_type=jnp.float32)
            + gh[...])
        ot[...] = jax.nn.sigmoid(
            jnp.dot(te[...], sk[...], preferred_element_type=jnp.float32)
            + gt[...])

    return pl.pallas_call(
        fin,
        grid=(nblk,),
        in_specs=[
            pl.BlockSpec((BB, D), lambda i: (i, 0)),
            pl.BlockSpec((BB, D), lambda i: (i, 0)),
            pl.BlockSpec((BB, OUT), lambda i: (i, 0)),
            pl.BlockSpec((BB, OUT), lambda i: (i + nblk, 0)),
            pl.BlockSpec((D, OUT), lambda i: (0, 0)),
        ],
        out_specs=(pl.BlockSpec((BB, OUT), lambda i: (i, 0)),
                   pl.BlockSpec((BB, OUT), lambda i: (i, 0))),
        out_shape=(jax.ShapeDtypeStruct((B, OUT), jnp.float32),
                   jax.ShapeDtypeStruct((B, OUT), jnp.float32)),
    )(head_e, tail_e, gath_ht, gath_ht, self_kernel)


def kernel(embeddings, head_idx, head_e, tail_idx, tail_e, adj_src, adj_dst,
           relation_kernel, self_kernel):
    N, D = embeddings.shape
    R, E = adj_src.shape
    zeros = jnp.zeros((N - (NS - 1) * ((N // NS) // 8 * 8), D), jnp.float32)
    S = _seg_sum_sc(embeddings, adj_src, adj_dst, zeros)
    node_out = _relation_matmul_tc(S, relation_kernel)
    ht_idx = jnp.concatenate([head_idx, tail_idx])
    gath_ht = _gather_sc(node_out, ht_idx)
    return _final_tc(head_e, tail_e, gath_ht, self_kernel)

# --- scband reference (transcript-rebuilt; emitter-appended) ---
"""Pipeline reference for scband-rgcn-layer-24550033063975 (READ-ONLY COPY).

The authoritative reference and input builder live on the scoring server;
editing this copy changes nothing except your own understanding.
"""

import jax, jax.numpy as jnp
import numpy as np

N = 10000   # num_entities
R = 4       # num_relations
D = 128     # input feature dim
OUT = 128   # output_dim
B = 16384   # number of head/tail triples
E = 80000   # edges per relation


def setup_inputs(seed: int = 0) -> dict:
    key = jax.random.key(seed)
    ks = jax.random.split(key, 9)
    return {
        "embeddings": jax.random.normal(ks[0], (N, D), dtype=jnp.float32),
        "head_idx": jax.random.randint(ks[1], (B,), 0, N, dtype=jnp.int32),
        "head_e": jax.random.normal(ks[2], (B, D), dtype=jnp.float32),
        "tail_idx": jax.random.randint(ks[3], (B,), 0, N, dtype=jnp.int32),
        "tail_e": jax.random.normal(ks[4], (B, D), dtype=jnp.float32),
        "adj_src": jax.random.randint(ks[5], (R, E), 0, N, dtype=jnp.int32),
        "adj_dst": jax.random.randint(ks[6], (R, E), 0, N, dtype=jnp.int32),
        "relation_kernel": jax.random.normal(ks[7], (R, D, OUT), dtype=jnp.float32),
        "self_kernel": jax.random.normal(ks[8], (D, OUT), dtype=jnp.float32),
    }


def reference(embeddings, head_idx, head_e, tail_idx, tail_e, adj_src, adj_dst, relation_kernel, self_kernel):
    # self connection (tf.matmul(head_e, self_kernel))
    head_output = head_e @ self_kernel
    tail_output = tail_e @ self_kernel
    for i in range(R):
        # sparse_dense_matmul(adj_i, embeddings) with binary adjacency:
        # out[dst] += embeddings[src] for each nnz (dst, src)
        msgs = jnp.take(embeddings, adj_src[i], axis=0)
        sum_embeddings = jax.ops.segment_sum(msgs, adj_dst[i], num_segments=N)
        # embedding_lookup on the aggregated node states
        head_update = jnp.take(sum_embeddings, head_idx, axis=0)
        tail_update = jnp.take(sum_embeddings, tail_idx, axis=0)
        head_output = head_output + head_update @ relation_kernel[i]
        tail_output = tail_output + tail_update @ relation_kernel[i]
    return jax.nn.sigmoid(head_output), jax.nn.sigmoid(tail_output)

if __name__ == "__main__":
    import jax
    _d = setup_inputs()
    print(jax.jit(kernel)(*tuple(_d.values())))

</pallas_src>

<mosaic_0001>
#map = affine_map<(d0, d1) -> (0, 0)>
#map1 = affine_map<(d0, d1) -> (0, 0, 0)>
module attributes {stable_mosaic.version = 14 : i64} {
  func.func @seg_sum(%arg0: i32, %arg1: i32, %arg2: memref<10000x128xf32, #tpu.memory_space<hbm>>, %arg3: memref<4x80000xi32, #tpu.memory_space<hbm>>, %arg4: memref<4x80000xi32, #tpu.memory_space<hbm>>, %arg5: memref<640x128xf32, #tpu.memory_space<hbm>>, %arg6: memref<4x10000x128xf32, #tpu.memory_space<hbm>>, %arg7: memref<4x128xi32, #tpu.memory_space<vmem>>, %arg8: memref<4x128xi32, #tpu.memory_space<vmem>>, %arg9: memref<3x128x128xf32, #tpu.memory_space<vmem>>, %arg10: memref<10000x128xf32, #tpu.memory_space<vmem_shared>>, %arg11: memref<!tpu.dma_semaphore, #tpu.memory_space<semaphore_mem>>, %arg12: memref<!tpu.dma_semaphore, #tpu.memory_space<semaphore_mem>>, %arg13: memref<!tpu.dma_semaphore, #tpu.memory_space<semaphore_mem>>) attributes {dimension_semantics = [#tpu.dimension_semantics<core_parallel>, #tpu.dimension_semantics<subcore_parallel>], iteration_bounds = array<i64: 2, 16>, scalar_prefetch = 0 : i64, scratch_operands = 7 : i64, tpu.core_type = #tpu.core_type<sc_vector_subcore>, window_params = [{transform_indices = #map}, {transform_indices = #map}, {transform_indices = #map}, {transform_indices = #map}, {transform_indices = #map1}]} {
    %mul3A = arith.constant 2 : i32
    %mul3A_0 = arith.muli %arg0, %mul3A : i32
    %add3A = arith.constant 0 : i32
    %add3A_1 = arith.addi %mul3A_0, %add3A : i32
    %mul3A_2 = arith.constant 40 : i32
    %mul3A_3 = arith.muli %arg1, %mul3A_2 : i32
    %lt3A = arith.constant 15 : i32
    %lt3A_4 = arith.cmpi slt, %arg1, %lt3A : i32
    %jit3A = arith.constant 40 : i32
    %jit3A_5 = arith.constant 25 : i32
    %select_n3A = arith.select %lt3A_4, %jit3A, %jit3A_5 : i32
    %rem3A = arith.constant 0 : i32
    %rem3A_6 = arith.constant 4 : i32
    %rem3A_7 = arith.remsi %rem3A, %rem3A_6 : i32
    %add3A_8 = arith.constant 0 : i32
    %add3A_9 = arith.addi %mul3A_3, %add3A_8 : i32
    %mul3A_10 = arith.constant 128 : i32
    %mul3A_11 = arith.muli %add3A_9, %mul3A_10 : i32
    %dma_start3A = arith.constant 0 : i32
    %dma_start3A_12 = tpu.memref_slice %arg7[%rem3A_7, %dma_start3A] : memref<4x128xi32, #tpu.memory_space<vmem>> -> memref<1x128xi32, #tpu.memory_space<vmem>>
    %dma_start3A_13 = tpu.memref_squeeze %dma_start3A_12 : memref<1x128xi32, #tpu.memory_space<vmem>> -> memref<128xi32, #tpu.memory_space<vmem>>
    %dma_start3A_14 = tpu.memref_slice %arg3[%add3A_1, %mul3A_11] : memref<4x80000xi32, #tpu.memory_space<hbm>> -> memref<1x128xi32, #tpu.memory_space<hbm>>
    %dma_start3A_15 = tpu.memref_squeeze %dma_start3A_14 : memref<1x128xi32, #tpu.memory_space<hbm>> -> memref<128xi32, #tpu.memory_space<hbm>>
    %dma_start3A_16 = arith.constant 0 : i32
    %dma_start3A_17 = tpu.memref_slice %arg7[%rem3A_7, %dma_start3A_16] : memref<4x128xi32, #tpu.memory_space<vmem>> -> memref<1x128xi32, #tpu.memory_space<vmem>>
    %dma_start3A_18 = tpu.memref_squeeze %dma_start3A_17 : memref<1x128xi32, #tpu.memory_space<vmem>> -> memref<128xi32, #tpu.memory_space<vmem>>
    %dma_start3A_19 = tpu.memref_slice %arg3[%add3A_1, %mul3A_11] : memref<4x80000xi32, #tpu.memory_space<hbm>> -> memref<1x128xi32, #tpu.memory_space<hbm>>
    %dma_start3A_20 = tpu.memref_squeeze %dma_start3A_19 : memref<1x128xi32, #tpu.memory_space<hbm>> -> memref<128xi32, #tpu.memory_space<hbm>>
    tpu.enqueue_dma source(%dma_start3A_20 : memref<128xi32, #tpu.memory_space<hbm>>) target(%dma_start3A_18 : memref<128xi32, #tpu.memory_space<vmem>>) target_semaphore(%arg11 : memref<!tpu.dma_semaphore, #tpu.memory_space<semaphore_mem>>)
    %dma_start3A_21 = arith.constant 0 : i32
    %dma_start3A_22 = tpu.memref_slice %arg8[%rem3A_7, %dma_start3A_21] : memref<4x128xi32, #tpu.memory_space<vmem>> -> memref<1x128xi32, #tpu.memory_space<vmem>>
    %dma_start3A_23 = tpu.memref_squeeze %dma_start3A_22 : memref<1x128xi32, #tpu.memory_space<vmem>> -> memref<128xi32, #tpu.memory_space<vmem>>
    %dma_start3A_24 = tpu.memref_slice %arg4[%add3A_1, %mul3A_11] : memref<4x80000xi32, #tpu.memory_space<hbm>> -> memref<1x128xi32, #tpu.memory_space<hbm>>
    %dma_start3A_25 = tpu.memref_squeeze %dma_start3A_24 : memref<1x128xi32, #tpu.memory_space<hbm>> -> memref<128xi32, #tpu.memory_space<hbm>>
    %dma_start3A_26 = arith.constant 0 : i32
    %dma_start3A_27 = tpu.memref_slice %arg8[%rem3A_7, %dma_start3A_26] : memref<4x128xi32, #tpu.memory_space<vmem>> -> memref<1x128xi32, #tpu.memory_space<vmem>>
    %dma_start3A_28 = tpu.memref_squeeze %dma_start3A_27 : memref<1x128xi32, #tpu.memory_space<vmem>> -> memref<128xi32, #tpu.memory_space<vmem>>
    %dma_start3A_29 = tpu.memref_slice %arg4[%add3A_1, %mul3A_11] : memref<4x80000xi32, #tpu.memory_space<hbm>> -> memref<1x128xi32, #tpu.memory_space<hbm>>
    %dma_start3A_30 = tpu.memref_squeeze %dma_start3A_29 : memref<1x128xi32, #tpu.memory_space<hbm>> -> memref<128xi32, #tpu.memory_space<hbm>>
    tpu.enqueue_dma source(%dma_start3A_30 : memref<128xi32, #tpu.memory_space<hbm>>) target(%dma_start3A_28 : memref<128xi32, #tpu.memory_space<vmem>>) target_semaphore(%arg11 : memref<!tpu.dma_semaphore, #tpu.memory_space<semaphore_mem>>)
    %rem3A_31 = arith.constant 1 : i32
    %rem3A_32 = arith.constant 4 : i32
    %rem3A_33 = arith.remsi %rem3A_31, %rem3A_32 : i32
    %add3A_34 = arith.constant 1 : i32
    %add3A_35 = arith.addi %mul3A_3, %add3A_34 : i32
    %mul3A_36 = arith.constant 128 : i32
    %mul3A_37 = arith.muli %add3A_35, %mul3A_36 : i32
    %dma_start3A_38 = arith.constant 0 : i32
    %dma_start3A_39 = tpu.memref_slice %arg7[%rem3A_33, %dma_start3A_38] : memref<4x128xi32, #tpu.memory_space<vmem>> -> memref<1x128xi32, #tpu.memory_space<vmem>>
    %dma_start3A_40 = tpu.memref_squeeze %dma_start3A_39 : memref<1x128xi32, #tpu.memory_space<vmem>> -> memref<128xi32, #tpu.memory_space<vmem>>
    %dma_start3A_41 = tpu.memref_slice %arg3[%add3A_1, %mul3A_37] : memref<4x80000xi32, #tpu.memory_space<hbm>> -> memref<1x128xi32, #tpu.memory_space<hbm>>
    %dma_start3A_42 = tpu.memref_squeeze %dma_start3A_41 : memref<1x128xi32, #tpu.memory_space<hbm>> -> memref<128xi32, #tpu.memory_space<hbm>>
    %dma_start3A_43 = arith.constant 0 : i32
    %dma_start3A_44 = tpu.memref_slice %arg7[%rem3A_33, %dma_start3A_43] : memref<4x128xi32, #tpu.memory_space<vmem>> -> memref<1x128xi32, #tpu.memory_space<vmem>>
    %dma_start3A_45 = tpu.memref_squeeze %dma_start3A_44 : memref<1x128xi32, #tpu.memory_space<vmem>> -> memref<128xi32, #tpu.memory_space<vmem>>
    %dma_start3A_46 = tpu.memref_slice %arg3[%add3A_1, %mul3A_37] : memref<4x80000xi32, #tpu.memory_space<hbm>> -> memref<1x128xi32, #tpu.memory_space<hbm>>
    %dma_start3A_47 = tpu.memref_squeeze %dma_start3A_46 : memref<1x128xi32, #tpu.memory_space<hbm>> -> memref<128xi32, #tpu.memory_space<hbm>>
    tpu.enqueue_dma source(%dma_start3A_47 : memref<128xi32, #tpu.memory_space<hbm>>) target(%dma_start3A_45 : memref<128xi32, #tpu.memory_space<vmem>>) target_semaphore(%arg11 : memref<!tpu.dma_semaphore, #tpu.memory_space<semaphore_mem>>)
    %dma_start3A_48 = arith.constant 0 : i32
    %dma_start3A_49 = tpu.memref_slice %arg8[%rem3A_33, %dma_start3A_48] : memref<4x128xi32, #tpu.memory_space<vmem>> -> memref<1x128xi32, #tpu.memory_space<vmem>>
    %dma_start3A_50 = tpu.memref_squeeze %dma_start3A_49 : memref<1x128xi32, #tpu.memory_space<vmem>> -> memref<128xi32, #tpu.memory_space<vmem>>
    %dma_start3A_51 = tpu.memref_slice %arg4[%add3A_1, %mul3A_37] : memref<4x80000xi32, #tpu.memory_space<hbm>> -> memref<1x128xi32, #tpu.memory_space<hbm>>
    %dma_start3A_52 = tpu.memref_squeeze %dma_start3A_51 : memref<1x128xi32, #tpu.memory_space<hbm>> -> memref<128xi32, #tpu.memory_space<hbm>>
    %dma_start3A_53 = arith.constant 0 : i32
    %dma_start3A_54 = tpu.memref_slice %arg8[%rem3A_33, %dma_start3A_53] : memref<4x128xi32, #tpu.memory_space<vmem>> -> memref<1x128xi32, #tpu.memory_space<vmem>>
    %dma_start3A_55 = tpu.memref_squeeze %dma_start3A_54 : memref<1x128xi32, #tpu.memory_space<vmem>> -> memref<128xi32, #tpu.memory_space<vmem>>
    %dma_start3A_56 = tpu.memref_slice %arg4[%add3A_1, %mul3A_37] : memref<4x80000xi32, #tpu.memory_space<hbm>> -> memref<1x128xi32, #tpu.memory_space<hbm>>
    %dma_start3A_57 = tpu.memref_squeeze %dma_start3A_56 : memref<1x128xi32, #tpu.memory_space<hbm>> -> memref<128xi32, #tpu.memory_space<hbm>>
    tpu.enqueue_dma source(%dma_start3A_57 : memref<128xi32, #tpu.memory_space<hbm>>) target(%dma_start3A_55 : memref<128xi32, #tpu.memory_space<vmem>>) target_semaphore(%arg11 : memref<!tpu.dma_semaphore, #tpu.memory_space<semaphore_mem>>)
    %lt3A_58 = arith.constant 15 : i32
    %lt3A_59 = arith.cmpi slt, %arg1, %lt3A_58 : i32
    %convert_element_type3A = arith.extui %lt3A_59 : i1 to i32
    %cond3A = arith.constant 0 : i32
    %cond3A_60 = arith.cmpi ne, %convert_element_type3A, %cond3A : i32
    scf.if %cond3A_60 {
      %mul3A_326 = arith.constant 624 : i32
      %mul3A_327 = arith.muli %arg1, %mul3A_326 : i32
      "tpu.region"() ({
        %run_scoped3A = tpu.sem_alloc : memref<!tpu.dma_semaphore, #tpu.memory_space<semaphore_mem>>
        %dma_start3A_328 = arith.constant 0 : i32
        %dma_start3A_329 = tpu.memref_slice %arg10[%mul3A_327, %dma_start3A_328] : memref<10000x128xf32, #tpu.memory_space<vmem_shared>> -> memref<624x128xf32, #tpu.memory_space<vmem_shared>>
        %dma_start3A_330 = arith.constant 0 : i32
        %dma_start3A_331 = arith.constant 0 : i32
        %dma_start3A_332 = tpu.memref_slice %arg5[%dma_start3A_330, %dma_start3A_331] : memref<640x128xf32, #tpu.memory_space<hbm>> -> memref<624x128xf32, #tpu.memory_space<hbm>>
        tpu.enqueue_dma source(%dma_start3A_332 : memref<624x128xf32, #tpu.memory_space<hbm>>) target(%dma_start3A_329 : memref<624x128xf32, #tpu.memory_space<vmem_shared>>) target_semaphore(%run_scoped3A : memref<!tpu.dma_semaphore, #tpu.memory_space<semaphore_mem>>)
        %dma_wait3A_333 = arith.constant 0 : i32
        %dma_wait3A_334 = tpu.memref_slice %arg10[%mul3A_327, %dma_wait3A_333] : memref<10000x128xf32, #tpu.memory_space<vmem_shared>> -> memref<624x128xf32, #tpu.memory_space<vmem_shared>>
        %dma_wait3A_335 = arith.constant 0 : i32
        %dma_wait3A_336 = arith.constant 0 : i32
        %dma_wait3A_337 = tpu.memref_slice %arg5[%dma_wait3A_335, %dma_wait3A_336] : memref<640x128xf32, #tpu.memory_space<hbm>> -> memref<624x128xf32, #tpu.memory_space<hbm>>
        tpu.wait_dma2 semaphore(%run_scoped3A : memref<!tpu.dma_semaphore, #tpu.memory_space<semaphore_mem>>) src(%dma_wait3A_337 : memref<624x128xf32, #tpu.memory_space<hbm>>) dst(%dma_wait3A_334 : memref<624x128xf32, #tpu.memory_space<vmem_shared>>)
        tpu.yield
      }) : () -> ()
    } else {
    }
    %eq3A = arith.constant 15 : i32
    %eq3A_61 = arith.cmpi eq, %arg1, %eq3A : i32
    %convert_element_type3A_62 = arith.extui %eq3A_61 : i1 to i32
    %cond3A_63 = arith.constant 0 : i32
    %cond3A_64 = arith.cmpi ne, %convert_element_type3A_62, %cond3A_63 : i32
    scf.if %cond3A_64 {
      "tpu.region"() ({
        %run_scoped3A = tpu.sem_alloc : memref<!tpu.dma_semaphore, #tpu.memory_space<semaphore_mem>>
        %dma_start3A_326 = arith.constant 9360 : i32
        %dma_start3A_327 = arith.constant 0 : i32
        %dma_start3A_328 = tpu.memref_slice %arg10[%dma_start3A_326, %dma_start3A_327] : memref<10000x128xf32, #tpu.memory_space<vmem_shared>> -> memref<640x128xf32, #tpu.memory_space<vmem_shared>>
        %dma_start3A_329 = arith.constant 0 : i32
        %dma_start3A_330 = arith.constant 0 : i32
        %dma_start3A_331 = tpu.memref_slice %arg5[%dma_start3A_329, %dma_start3A_330] : memref<640x128xf32, #tpu.memory_space<hbm>> -> memref<640x128xf32, #tpu.memory_space<hbm>>
        tpu.enqueue_dma source(%dma_start3A_331 : memref<640x128xf32, #tpu.memory_space<hbm>>) target(%dma_start3A_328 : memref<640x128xf32, #tpu.memory_space<vmem_shared>>) target_semaphore(%run_scoped3A : memref<!tpu.dma_semaphore, #tpu.memory_space<semaphore_mem>>)
        %dma_wait3A_332 = arith.constant 9360 : i32
        %dma_wait3A_333 = arith.constant 0 : i32
        %dma_wait3A_334 = tpu.memref_slice %arg10[%dma_wait3A_332, %dma_wait3A_333] : memref<10000x128xf32, #tpu.memory_space<vmem_shared>> -> memref<640x128xf32, #tpu.memory_space<vmem_shared>>
        %dma_wait3A_335 = arith.constant 0 : i32
        %dma_wait3A_336 = arith.constant 0 : i32
        %dma_wait3A_337 = tpu.memref_slice %arg5[%dma_wait3A_335, %dma_wait3A_336] : memref<640x128xf32, #tpu.memory_space<hbm>> -> memref<640x128xf32, #tpu.memory_space<hbm>>
        tpu.wait_dma2 semaphore(%run_scoped3A : memref<!tpu.dma_semaphore, #tpu.memory_space<semaphore_mem>>) src(%dma_wait3A_337 : memref<640x128xf32, #tpu.memory_space<hbm>>) dst(%dma_wait3A_334 : memref<640x128xf32, #tpu.memory_space<vmem_shared>>)
        tpu.yield
      }) : () -> ()
    } else {
    }
    %dma_wait3A = arith.constant 0 : i32
    %dma_wait3A_65 = arith.constant 0 : i32
    %dma_wait3A_66 = arith.constant 0 : i32
    %dma_wait3A_67 = tpu.memref_slice %arg7[%dma_wait3A_65, %dma_wait3A_66] : memref<4x128xi32, #tpu.memory_space<vmem>> -> memref<1x128xi32, #tpu.memory_space<vmem>>
    %dma_wait3A_68 = tpu.memref_squeeze %dma_wait3A_67 : memref<1x128xi32, #tpu.memory_space<vmem>> -> memref<128xi32, #tpu.memory_space<vmem>>
    %dma_wait3A_69 = arith.constant 0 : i32
    %dma_wait3A_70 = tpu.memref_slice %arg3[%dma_wait3A, %dma_wait3A_69] : memref<4x80000xi32, #tpu.memory_space<hbm>> -> memref<1x128xi32, #tpu.memory_space<hbm>>
    %dma_wait3A_71 = tpu.memref_squeeze %dma_wait3A_70 : memref<1x128xi32, #tpu.memory_space<hbm>> -> memref<128xi32, #tpu.memory_space<hbm>>
    %dma_wait3A_72 = arith.constant 0 : i32
    %dma_wait3A_73 = tpu.memref_slice %arg7[%dma_wait3A_65, %dma_wait3A_72] : memref<4x128xi32, #tpu.memory_space<vmem>> -> memref<1x128xi32, #tpu.memory_space<vmem>>
    %dma_wait3A_74 = tpu.memref_squeeze %dma_wait3A_73 : memref<1x128xi32, #tpu.memory_space<vmem>> -> memref<128xi32, #tpu.memory_space<vmem>>
    %dma_wait3A_75 = arith.constant 0 : i32
    %dma_wait3A_76 = tpu.memref_slice %arg3[%dma_wait3A, %dma_wait3A_75] : memref<4x80000xi32, #tpu.memory_space<hbm>> -> memref<1x128xi32, #tpu.memory_space<hbm>>
    %dma_wait3A_77 = tpu.memref_squeeze %dma_wait3A_76 : memref<1x128xi32, #tpu.memory_space<hbm>> -> memref<128xi32, #tpu.memory_space<hbm>>
    tpu.wait_dma2 semaphore(%arg11 : memref<!tpu.dma_semaphore, #tpu.memory_space<semaphore_mem>>) src(%dma_wait3A_77 : memref<128xi32, #tpu.memory_space<hbm>>) dst(%dma_wait3A_74 : memref<128xi32, #tpu.memory_space<vmem>>)
    %dma_wait3A_78 = arith.constant 0 : i32
    %dma_wait3A_79 = arith.constant 0 : i32
    %dma_wait3A_80 = arith.constant 0 : i32
    %dma_wait3A_81 = tpu.memref_slice %arg8[%dma_wait3A_79, %dma_wait3A_80] : memref<4x128xi32, #tpu.memory_space<vmem>> -> memref<1x128xi32, #tpu.memory_space<vmem>>
    %dma_wait3A_82 = tpu.memref_squeeze %dma_wait3A_81 : memref<1x128xi32, #tpu.memory_space<vmem>> -> memref<128xi32, #tpu.memory_space<vmem>>
    %dma_wait3A_83 = arith.constant 0 : i32
    %dma_wait3A_84 = tpu.memref_slice %arg4[%dma_wait3A_78, %dma_wait3A_83] : memref<4x80000xi32, #tpu.memory_space<hbm>> -> memref<1x128xi32, #tpu.memory_space<hbm>>
    %dma_wait3A_85 = tpu.memref_squeeze %dma_wait3A_84 : memref<1x128xi32, #tpu.memory_space<hbm>> -> memref<128xi32, #tpu.memory_space<hbm>>
    %dma_wait3A_86 = arith.constant 0 : i32
    %dma_wait3A_87 = tpu.memref_slice %arg8[%dma_wait3A_79, %dma_wait3A_86] : memref<4x128xi32, #tpu.memory_space<vmem>> -> memref<1x128xi32, #tpu.memory_space<vmem>>
    %dma_wait3A_88 = tpu.memref_squeeze %dma_wait3A_87 : memref<1x128xi32, #tpu.memory_space<vmem>> -> memref<128xi32, #tpu.memory_space<vmem>>
    %dma_wait3A_89 = arith.constant 0 : i32
    %dma_wait3A_90 = tpu.memref_slice %arg4[%dma_wait3A_78, %dma_wait3A_89] : memref<4x80000xi32, #tpu.memory_space<hbm>> -> memref<1x128xi32, #tpu.memory_space<hbm>>
    %dma_wait3A_91 = tpu.memref_squeeze %dma_wait3A_90 : memref<1x128xi32, #tpu.memory_space<hbm>> -> memref<128xi32, #tpu.memory_space<hbm>>
    tpu.wait_dma2 semaphore(%arg11 : memref<!tpu.dma_semaphore, #tpu.memory_space<semaphore_mem>>) src(%dma_wait3A_91 : memref<128xi32, #tpu.memory_space<hbm>>) dst(%dma_wait3A_88 : memref<128xi32, #tpu.memory_space<vmem>>)
    %rem3A_92 = arith.constant 0 : i32
    %rem3A_93 = arith.constant 4 : i32
    %rem3A_94 = arith.remsi %rem3A_92, %rem3A_93 : i32
    %rem3A_95 = arith.constant 0 : i32
    %rem3A_96 = arith.constant 3 : i32
    %rem3A_97 = arith.remsi %rem3A_95, %rem3A_96 : i32
    %dma_start3A_98 = arith.constant 0 : i32
    %dma_start3A_99 = arith.constant 0 : i32
    %dma_start3A_100 = tpu.memref_slice %arg9[%rem3A_97, %dma_start3A_98, %dma_start3A_99] : memref<3x128x128xf32, #tpu.memory_space<vmem>> -> memref<1x128x128xf32, #tpu.memory_space<vmem>>
    %dma_start3A_101 = tpu.memref_squeeze %dma_start3A_100 : memref<1x128x128xf32, #tpu.memory_space<vmem>> -> memref<128x128xf32, #tpu.memory_space<vmem>>
    %dma_start3A_102 = arith.constant 0 : i32
    %dma_start3A_103 = tpu.memref_slice %arg7[%rem3A_94, %dma_start3A_102] : memref<4x128xi32, #tpu.memory_space<vmem>> -> memref<1x128xi32, #tpu.memory_space<vmem>>
    %dma_start3A_104 = tpu.memref_squeeze %dma_start3A_103 : memref<1x128xi32, #tpu.memory_space<vmem>> -> memref<128xi32, #tpu.memory_space<vmem>>
    %dma_start3A_105 = arith.constant 0 : i32
    %dma_start3A_106 = arith.constant 0 : i32
    %dma_start3A_107 = tpu.memref_slice %arg2[%dma_start3A_105, %dma_start3A_106] : memref<10000x128xf32, #tpu.memory_space<hbm>> -> memref<10000x128xf32, #tpu.memory_space<hbm>>
    tpu.enqueue_indirect_dma source(%dma_start3A_107 : memref<10000x128xf32, #tpu.memory_space<hbm>>) target(%dma_start3A_101 : memref<128x128xf32, #tpu.memory_space<vmem>>) offsets(%dma_start3A_104 : memref<128xi32, #tpu.memory_space<vmem>>) semaphore(%arg12 : memref<!tpu.dma_semaphore, #tpu.memory_space<semaphore_mem>>)
    %barrier3A = arith.constant 0 : index
    tpu.barrier barrier_id(%barrier3A)
    %sub3A = arith.constant 0 : i32
    %sub3A_108 = arith.subi %select_n3A, %sub3A : i32
    %sub3A_109 = arith.constant 1 : i32
    %sub3A_110 = arith.constant 1 : i32
    %sub3A_111 = arith.subi %sub3A_109, %sub3A_110 : i32
    %add3A_112 = arith.addi %sub3A_108, %sub3A_111 : i32
    %div3A = arith.constant 1 : i32
    %div3A_113 = arith.divsi %add3A_112, %div3A : i32
    %while3A = arith.constant 1 : i32
    %while3A_114 = arith.constant 0 : i32
    %while3A_115 = arith.constant 0 : i32
    %while3A_116 = arith.subi %div3A_113, %while3A_115 : i32
    %while3A_117 = arith.addi %while3A_115, %while3A_116 : i32
    %while3A_118 = arith.constant 1 : i32
    %while3A_119 = arith.divsi %while3A_116, %while3A_118 : i32
    %while3A_120 = arith.muli %while3A_119, %while3A_118 : i32
    %while3A_121 = arith.addi %while3A_115, %while3A_120 : i32
    %while3A_122 = arith.constant 1 : i32
    scf.for %while3A_326 = %while3A_115 to %while3A_121 step %while3A_122  : i32 {
      %mul3A_327 = arith.muli %while3A_326, %while3A : i32
      %add3A_328 = arith.addi %while3A_114, %mul3A_327 : i32
      %ge3A_329 = arith.constant 2 : i32
      %ge3A_330 = arith.cmpi sge, %add3A_328, %ge3A_329 : i32
      %convert_element_type3A_331 = arith.extui %ge3A_330 : i1 to i32
      %cond3A_332 = arith.constant 0 : i32
      %cond3A_333 = arith.cmpi ne, %convert_element_type3A_331, %cond3A_332 : i32
      scf.if %cond3A_333 {
        %dma_wait3A_372 = arith.constant 0 : i32
        %dma_wait3A_373 = arith.constant 0 : i32
        %dma_wait3A_374 = arith.constant 0 : i32
        %dma_wait3A_375 = tpu.memref_slice %arg9[%dma_wait3A_372, %dma_wait3A_373, %dma_wait3A_374] : memref<3x128x128xf32, #tpu.memory_space<vmem>> -> memref<1x128x128xf32, #tpu.memory_space<vmem>>
        %dma_wait3A_376 = tpu.memref_squeeze %dma_wait3A_375 : memref<1x128x128xf32, #tpu.memory_space<vmem>> -> memref<128x128xf32, #tpu.memory_space<vmem>>
        %dma_wait3A_377 = arith.constant 0 : i32
        %dma_wait3A_378 = arith.constant 0 : i32
        %dma_wait3A_379 = tpu.memref_slice %arg10[%dma_wait3A_377, %dma_wait3A_378] : memref<10000x128xf32, #tpu.memory_space<vmem_shared>> -> memref<128x128xf32, #tpu.memory_space<vmem_shared>>
        %dma_wait3A_380 = arith.constant 0 : i32
        %dma_wait3A_381 = arith.constant 0 : i32
        %dma_wait3A_382 = tpu.memref_slice %arg10[%dma_wait3A_380, %dma_wait3A_381] : memref<10000x128xf32, #tpu.memory_space<vmem_shared>> -> memref<128x128xf32, #tpu.memory_space<vmem_shared>>
        %dma_wait3A_383 = arith.constant 0 : i32
        %dma_wait3A_384 = arith.constant 0 : i32
        %dma_wait3A_385 = tpu.memref_slice %arg9[%dma_wait3A_372, %dma_wait3A_383, %dma_wait3A_384] : memref<3x128x128xf32, #tpu.memory_space<vmem>> -> memref<1x128x128xf32, #tpu.memory_space<vmem>>
        %dma_wait3A_386 = tpu.memref_squeeze %dma_wait3A_385 : memref<1x128x128xf32, #tpu.memory_space<vmem>> -> memref<128x128xf32, #tpu.memory_space<vmem>>
        tpu.wait_dma2 semaphore(%arg13 : memref<!tpu.dma_semaphore, #tpu.memory_space<semaphore_mem>>) src(%dma_wait3A_386 : memref<128x128xf32, #tpu.memory_space<vmem>>) dst(%dma_wait3A_382 : memref<128x128xf32, #tpu.memory_space<vmem_shared>>)
      } else {
      }
      %add3A_334 = arith.constant 2 : i32
      %add3A_335 = arith.addi %add3A_328, %add3A_334 : i32
      %lt3A_336 = arith.cmpi slt, %add3A_335, %select_n3A : i32
      %convert_element_type3A_337 = arith.extui %lt3A_336 : i1 to i32
      %cond3A_338 = arith.constant 0 : i32
      %cond3A_339 = arith.cmpi ne, %convert_element_type3A_337, %cond3A_338 : i32
      scf.if %cond3A_339 {
        %add3A_372 = arith.constant 2 : i32
        %add3A_373 = arith.addi %add3A_328, %add3A_372 : i32
        %rem3A_374 = arith.constant 4 : i32
        %rem3A_375 = arith.remsi %add3A_373, %rem3A_374 : i32
        %add3A_376 = arith.addi %mul3A_3, %add3A_373 : i32
        %mul3A_377 = arith.constant 128 : i32
        %mul3A_378 = arith.muli %add3A_376, %mul3A_377 : i32
        %dma_start3A_379 = arith.constant 0 : i32
        %dma_start3A_380 = tpu.memref_slice %arg7[%rem3A_375, %dma_start3A_379] : memref<4x128xi32, #tpu.memory_space<vmem>> -> memref<1x128xi32, #tpu.memory_space<vmem>>
        %dma_start3A_381 = tpu.memref_squeeze %dma_start3A_380 : memref<1x128xi32, #tpu.memory_space<vmem>> -> memref<128xi32, #tpu.memory_space<vmem>>
        %dma_start3A_382 = tpu.memref_slice %arg3[%add3A_1, %mul3A_378] : memref<4x80000xi32, #tpu.memory_space<hbm>> -> memref<1x128xi32, #tpu.memory_space<hbm>>
        %dma_start3A_383 = tpu.memref_squeeze %dma_start3A_382 : memref<1x128xi32, #tpu.memory_space<hbm>> -> memref<128xi32, #tpu.memory_space<hbm>>
        %dma_start3A_384 = arith.constant 0 : i32
        %dma_start3A_385 = tpu.memref_slice %arg7[%rem3A_375, %dma_start3A_384] : memref<4x128xi32, #tpu.memory_space<vmem>> -> memref<1x128xi32, #tpu.memory_space<vmem>>
        %dma_start3A_386 = tpu.memref_squeeze %dma_start3A_385 : memref<1x128xi32, #tpu.memory_space<vmem>> -> memref<128xi32, #tpu.memory_space<vmem>>
        %dma_start3A_387 = tpu.memref_slice %arg3[%add3A_1, %mul3A_378] : memref<4x80000xi32, #tpu.memory_space<hbm>> -> memref<1x128xi32, #tpu.memory_space<hbm>>
        %dma_start3A_388 = tpu.memref_squeeze %dma_start3A_387 : memref<1x128xi32, #tpu.memory_space<hbm>> -> memref<128xi32, #tpu.memory_space<hbm>>
        tpu.enqueue_dma source(%dma_start3A_388 : memref<128xi32, #tpu.memory_space<hbm>>) target(%dma_start3A_386 : memref<128xi32, #tpu.memory_space<vmem>>) target_semaphore(%arg11 : memref<!tpu.dma_semaphore, #tpu.memory_space<semaphore_mem>>)
        %dma_start3A_389 = arith.constant 0 : i32
        %dma_start3A_390 = tpu.memref_slice %arg8[%rem3A_375, %dma_start3A_389] : memref<4x128xi32, #tpu.memory_space<vmem>> -> memref<1x128xi32, #tpu.memory_space<vmem>>
        %dma_start3A_391 = tpu.memref_squeeze %dma_start3A_390 : memref<1x128xi32, #tpu.memory_space<vmem>> -> memref<128xi32, #tpu.memory_space<vmem>>
        %dma_start3A_392 = tpu.memref_slice %arg4[%add3A_1, %mul3A_378] : memref<4x80000xi32, #tpu.memory_space<hbm>> -> memref<1x128xi32, #tpu.memory_space<hbm>>
        %dma_start3A_393 = tpu.memref_squeeze %dma_start3A_392 : memref<1x128xi32, #tpu.memory_space<hbm>> -> memref<128xi32, #tpu.memory_space<hbm>>
        %dma_start3A_394 = arith.constant 0 : i32
        %dma_start3A_395 = tpu.memref_slice %arg8[%rem3A_375, %dma_start3A_394] : memref<4x128xi32, #tpu.memory_space<vmem>> -> memref<1x128xi32, #tpu.memory_space<vmem>>
        %dma_start3A_396 = tpu.memref_squeeze %dma_start3A_395 : memref<1x128xi32, #tpu.memory_space<vmem>> -> memref<128xi32, #tpu.memory_space<vmem>>
        %dma_start3A_397 = tpu.memref_slice %arg4[%add3A_1, %mul3A_378] : memref<4x80000xi32, #tpu.memory_space<hbm>> -> memref<1x128xi32, #tpu.memory_space<hbm>>
        %dma_start3A_398 = tpu.memref_squeeze %dma_start3A_397 : memref<1x128xi32, #tpu.memory_space<hbm>> -> memref<128xi32, #tpu.memory_space<hbm>>
        tpu.enqueue_dma source(%dma_start3A_398 : memref<128xi32, #tpu.memory_space<hbm>>) target(%dma_start3A_396 : memref<128xi32, #tpu.memory_space<vmem>>) target_semaphore(%arg11 : memref<!tpu.dma_semaphore, #tpu.memory_space<semaphore_mem>>)
      } else {
      }
      %add3A_340 = arith.constant 1 : i32
      %add3A_341 = arith.addi %add3A_328, %add3A_340 : i32
      %lt3A_342 = arith.cmpi slt, %add3A_341, %select_n3A : i32
      %convert_element_type3A_343 = arith.extui %lt3A_342 : i1 to i32
      %cond3A_344 = arith.constant 0 : i32
      %cond3A_345 = arith.cmpi ne, %convert_element_type3A_343, %cond3A_344 : i32
      scf.if %cond3A_345 {
        %dma_wait3A_372 = arith.constant 0 : i32
        %dma_wait3A_373 = arith.constant 0 : i32
        %dma_wait3A_374 = arith.constant 0 : i32
        %dma_wait3A_375 = tpu.memref_slice %arg7[%dma_wait3A_373, %dma_wait3A_374] : memref<4x128xi32, #tpu.memory_space<vmem>> -> memref<1x128xi32, #tpu.memory_space<vmem>>
        %dma_wait3A_376 = tpu.memref_squeeze %dma_wait3A_375 : memref<1x128xi32, #tpu.memory_space<vmem>> -> memref<128xi32, #tpu.memory_space<vmem>>
        %dma_wait3A_377 = arith.constant 0 : i32
        %dma_wait3A_378 = tpu.memref_slice %arg3[%dma_wait3A_372, %dma_wait3A_377] : memref<4x80000xi32, #tpu.memory_space<hbm>> -> memref<1x128xi32, #tpu.memory_space<hbm>>
        %dma_wait3A_379 = tpu.memref_squeeze %dma_wait3A_378 : memref<1x128xi32, #tpu.memory_space<hbm>> -> memref<128xi32, #tpu.memory_space<hbm>>
        %dma_wait3A_380 = arith.constant 0 : i32
        %dma_wait3A_381 = tpu.memref_slice %arg7[%dma_wait3A_373, %dma_wait3A_380] : memref<4x128xi32, #tpu.memory_space<vmem>> -> memref<1x128xi32, #tpu.memory_space<vmem>>
        %dma_wait3A_382 = tpu.memref_squeeze %dma_wait3A_381 : memref<1x128xi32, #tpu.memory_space<vmem>> -> memref<128xi32, #tpu.memory_space<vmem>>
        %dma_wait3A_383 = arith.constant 0 : i32
        %dma_wait3A_384 = tpu.memref_slice %arg3[%dma_wait3A_372, %dma_wait3A_383] : memref<4x80000xi32, #tpu.memory_space<hbm>> -> memref<1x128xi32, #tpu.memory_space<hbm>>
        %dma_wait3A_385 = tpu.memref_squeeze %dma_wait3A_384 : memref<1x128xi32, #tpu.memory_space<hbm>> -> memref<128xi32, #tpu.memory_space<hbm>>
        tpu.wait_dma2 semaphore(%arg11 : memref<!tpu.dma_semaphore, #tpu.memory_space<semaphore_mem>>) src(%dma_wait3A_385 : memref<128xi32, #tpu.memory_space<hbm>>) dst(%dma_wait3A_382 : memref<128xi32, #tpu.memory_space<vmem>>)
        %dma_wait3A_386 = arith.constant 0 : i32
        %dma_wait3A_387 = arith.constant 0 : i32
        %dma_wait3A_388 = arith.constant 0 : i32
        %dma_wait3A_389 = tpu.memref_slice %arg8[%dma_wait3A_387, %dma_wait3A_388] : memref<4x128xi32, #tpu.memory_space<vmem>> -> memref<1x128xi32, #tpu.memory_space<vmem>>
        %dma_wait3A_390 = tpu.memref_squeeze %dma_wait3A_389 : memref<1x128xi32, #tpu.memory_space<vmem>> -> memref<128xi32, #tpu.memory_space<vmem>>
        %dma_wait3A_391 = arith.constant 0 : i32
        %dma_wait3A_392 = tpu.memref_slice %arg4[%dma_wait3A_386, %dma_wait3A_391] : memref<4x80000xi32, #tpu.memory_space<hbm>> -> memref<1x128xi32, #tpu.memory_space<hbm>>
        %dma_wait3A_393 = tpu.memref_squeeze %dma_wait3A_392 : memref<1x128xi32, #tpu.memory_space<hbm>> -> memref<128xi32, #tpu.memory_space<hbm>>
        %dma_wait3A_394 = arith.constant 0 : i32
        %dma_wait3A_395 = tpu.memref_slice %arg8[%dma_wait3A_387, %dma_wait3A_394] : memref<4x128xi32, #tpu.memory_space<vmem>> -> memref<1x128xi32, #tpu.memory_space<vmem>>
        %dma_wait3A_396 = tpu.memref_squeeze %dma_wait3A_395 : memref<1x128xi32, #tpu.memory_space<vmem>> -> memref<128xi32, #tpu.memory_space<vmem>>
        %dma_wait3A_397 = arith.constant 0 : i32
        %dma_wait3A_398 = tpu.memref_slice %arg4[%dma_wait3A_386, %dma_wait3A_397] : memref<4x80000xi32, #tpu.memory_space<hbm>> -> memref<1x128xi32, #tpu.memory_space<hbm>>
        %dma_wait3A_399 = tpu.memref_squeeze %dma_wait3A_398 : memref<1x128xi32, #tpu.memory_space<hbm>> -> memref<128xi32, #tpu.memory_space<hbm>>
        tpu.wait_dma2 semaphore(%arg11 : memref<!tpu.dma_semaphore, #tpu.memory_space<semaphore_mem>>) src(%dma_wait3A_399 : memref<128xi32, #tpu.memory_space<hbm>>) dst(%dma_wait3A_396 : memref<128xi32, #tpu.memory_space<vmem>>)
        %add3A_400 = arith.constant 1 : i32
        %add3A_401 = arith.addi %add3A_328, %add3A_400 : i32
        %rem3A_402 = arith.constant 4 : i32
        %rem3A_403 = arith.remsi %add3A_401, %rem3A_402 : i32
        %rem3A_404 = arith.constant 3 : i32
        %rem3A_405 = arith.remsi %add3A_401, %rem3A_404 : i32
        %dma_start3A_406 = arith.constant 0 : i32
        %dma_start3A_407 = arith.constant 0 : i32
        %dma_start3A_408 = tpu.memref_slice %arg9[%rem3A_405, %dma_start3A_406, %dma_start3A_407] : memref<3x128x128xf32, #tpu.memory_space<vmem>> -> memref<1x128x128xf32, #tpu.memory_space<vmem>>
        %dma_start3A_409 = tpu.memref_squeeze %dma_start3A_408 : memref<1x128x128xf32, #tpu.memory_space<vmem>> -> memref<128x128xf32, #tpu.memory_space<vmem>>
        %dma_start3A_410 = arith.constant 0 : i32
        %dma_start3A_411 = tpu.memref_slice %arg7[%rem3A_403, %dma_start3A_410] : memref<4x128xi32, #tpu.memory_space<vmem>> -> memref<1x128xi32, #tpu.memory_space<vmem>>
        %dma_start3A_412 = tpu.memref_squeeze %dma_start3A_411 : memref<1x128xi32, #tpu.memory_space<vmem>> -> memref<128xi32, #tpu.memory_space<vmem>>
        %dma_start3A_413 = arith.constant 0 : i32
        %dma_start3A_414 = arith.constant 0 : i32
        %dma_start3A_415 = tpu.memref_slice %arg2[%dma_start3A_413, %dma_start3A_414] : memref<10000x128xf32, #tpu.memory_space<hbm>> -> memref<10000x128xf32, #tpu.memory_space<hbm>>
        tpu.enqueue_indirect_dma source(%dma_start3A_415 : memref<10000x128xf32, #tpu.memory_space<hbm>>) target(%dma_start3A_409 : memref<128x128xf32, #tpu.memory_space<vmem>>) offsets(%dma_start3A_412 : memref<128xi32, #tpu.memory_space<vmem>>) semaphore(%arg12 : memref<!tpu.dma_semaphore, #tpu.memory_space<semaphore_mem>>)
      } else {
      }
      %dma_wait3A_346 = arith.constant 0 : i32
      %dma_wait3A_347 = arith.constant 0 : i32
      %dma_wait3A_348 = arith.constant 0 : i32
      %dma_wait3A_349 = arith.constant 0 : i32
      %dma_wait3A_350 = tpu.memref_slice %arg9[%dma_wait3A_347, %dma_wait3A_348, %dma_wait3A_349] : memref<3x128x128xf32, #tpu.memory_space<vmem>> -> memref<1x128x128xf32, #tpu.memory_space<vmem>>
      %dma_wait3A_351 = tpu.memref_squeeze %dma_wait3A_350 : memref<1x128x128xf32, #tpu.memory_space<vmem>> -> memref<128x128xf32, #tpu.memory_space<vmem>>
      %dma_wait3A_352 = arith.constant 0 : i32
      %dma_wait3A_353 = tpu.memref_slice %arg7[%dma_wait3A_346, %dma_wait3A_352] : memref<4x128xi32, #tpu.memory_space<vmem>> -> memref<1x128xi32, #tpu.memory_space<vmem>>
      %dma_wait3A_354 = tpu.memref_squeeze %dma_wait3A_353 : memref<1x128xi32, #tpu.memory_space<vmem>> -> memref<128xi32, #tpu.memory_space<vmem>>
      %dma_wait3A_355 = arith.constant 0 : i32
      %dma_wait3A_356 = arith.constant 0 : i32
      %dma_wait3A_357 = tpu.memref_slice %arg2[%dma_wait3A_355, %dma_wait3A_356] : memref<10000x128xf32, #tpu.memory_space<hbm>> -> memref<10000x128xf32, #tpu.memory_space<hbm>>
      tpu.wait_indirect_dma semaphore(%arg12 : memref<!tpu.dma_semaphore, #tpu.memory_space<semaphore_mem>>) src(%dma_wait3A_357 : memref<10000x128xf32, #tpu.memory_space<hbm>>) dst(%dma_wait3A_351 : memref<128x128xf32, #tpu.memory_space<vmem>>)
      %rem3A_358 = arith.constant 3 : i32
      %rem3A_359 = arith.remsi %add3A_328, %rem3A_358 : i32
      %rem3A_360 = arith.constant 4 : i32
      %rem3A_361 = arith.remsi %add3A_328, %rem3A_360 : i32
      %dma_start3A_362 = arith.constant 0 : i32
      %dma_start3A_363 = arith.constant 0 : i32
      %dma_start3A_364 = tpu.memref_slice %arg9[%rem3A_359, %dma_start3A_362, %dma_start3A_363] : memref<3x128x128xf32, #tpu.memory_space<vmem>> -> memref<1x128x128xf32, #tpu.memory_space<vmem>>
      %dma_start3A_365 = tpu.memref_squeeze %dma_start3A_364 : memref<1x128x128xf32, #tpu.memory_space<vmem>> -> memref<128x128xf32, #tpu.memory_space<vmem>>
      %dma_start3A_366 = arith.constant 0 : i32
      %dma_start3A_367 = tpu.memref_slice %arg8[%rem3A_361, %dma_start3A_366] : memref<4x128xi32, #tpu.memory_space<vmem>> -> memref<1x128xi32, #tpu.memory_space<vmem>>
      %dma_start3A_368 = tpu.memref_squeeze %dma_start3A_367 : memref<1x128xi32, #tpu.memory_space<vmem>> -> memref<128xi32, #tpu.memory_space<vmem>>
      %dma_start3A_369 = arith.constant 0 : i32
      %dma_start3A_370 = arith.constant 0 : i32
      %dma_start3A_371 = tpu.memref_slice %arg10[%dma_start3A_369, %dma_start3A_370] : memref<10000x128xf32, #tpu.memory_space<vmem_shared>> -> memref<10000x128xf32, #tpu.memory_space<vmem_shared>>
      tpu.enqueue_indirect_dma source(%dma_start3A_365 : memref<128x128xf32, #tpu.memory_space<vmem>>) target(%dma_start3A_371 : memref<10000x128xf32, #tpu.memory_space<vmem_shared>>) offsets(%dma_start3A_368 : memref<128xi32, #tpu.memory_space<vmem>>) semaphore(%arg13 : memref<!tpu.dma_semaphore, #tpu.memory_space<semaphore_mem>>) {add = true}
    }
    %while3A_123 = arith.constant 1 : i32
    scf.for %while3A_326 = %while3A_121 to %while3A_117 step %while3A_123  : i32 {
      %mul3A_327 = arith.muli %while3A_326, %while3A : i32
      %add3A_328 = arith.addi %while3A_114, %mul3A_327 : i32
      %ge3A_329 = arith.constant 2 : i32
      %ge3A_330 = arith.cmpi sge, %add3A_328, %ge3A_329 : i32
      %convert_element_type3A_331 = arith.extui %ge3A_330 : i1 to i32
      %cond3A_332 = arith.constant 0 : i32
      %cond3A_333 = arith.cmpi ne, %convert_element_type3A_331, %cond3A_332 : i32
      scf.if %cond3A_333 {
        %dma_wait3A_372 = arith.constant 0 : i32
        %dma_wait3A_373 = arith.constant 0 : i32
        %dma_wait3A_374 = arith.constant 0 : i32
        %dma_wait3A_375 = tpu.memref_slice %arg9[%dma_wait3A_372, %dma_wait3A_373, %dma_wait3A_374] : memref<3x128x128xf32, #tpu.memory_space<vmem>> -> memref<1x128x128xf32, #tpu.memory_space<vmem>>
        %dma_wait3A_376 = tpu.memref_squeeze %dma_wait3A_375 : memref<1x128x128xf32, #tpu.memory_space<vmem>> -> memref<128x128xf32, #tpu.memory_space<vmem>>
        %dma_wait3A_377 = arith.constant 0 : i32
        %dma_wait3A_378 = arith.constant 0 : i32
        %dma_wait3A_379 = tpu.memref_slice %arg10[%dma_wait3A_377, %dma_wait3A_378] : memref<10000x128xf32, #tpu.memory_space<vmem_shared>> -> memref<128x128xf32, #tpu.memory_space<vmem_shared>>
        %dma_wait3A_380 = arith.constant 0 : i32
        %dma_wait3A_381 = arith.constant 0 : i32
        %dma_wait3A_382 = tpu.memref_slice %arg10[%dma_wait3A_380, %dma_wait3A_381] : memref<10000x128xf32, #tpu.memory_space<vmem_shared>> -> memref<128x128xf32, #tpu.memory_space<vmem_shared>>
        %dma_wait3A_383 = arith.constant 0 : i32
        %dma_wait3A_384 = arith.constant 0 : i32
        %dma_wait3A_385 = tpu.memref_slice %arg9[%dma_wait3A_372, %dma_wait3A_383, %dma_wait3A_384] : memref<3x128x128xf32, #tpu.memory_space<vmem>> -> memref<1x128x128xf32, #tpu.memory_space<vmem>>
        %dma_wait3A_386 = tpu.memref_squeeze %dma_wait3A_385 : memref<1x128x128xf32, #tpu.memory_space<vmem>> -> memref<128x128xf32, #tpu.memory_space<vmem>>
        tpu.wait_dma2 semaphore(%arg13 : memref<!tpu.dma_semaphore, #tpu.memory_space<semaphore_mem>>) src(%dma_wait3A_386 : memref<128x128xf32, #tpu.memory_space<vmem>>) dst(%dma_wait3A_382 : memref<128x128xf32, #tpu.memory_space<vmem_shared>>)
      } else {
      }
      %add3A_334 = arith.constant 2 : i32
      %add3A_335 = arith.addi %add3A_328, %add3A_334 : i32
      %lt3A_336 = arith.cmpi slt, %add3A_335, %select_n3A : i32
      %convert_element_type3A_337 = arith.extui %lt3A_336 : i1 to i32
      %cond3A_338 = arith.constant 0 : i32
      %cond3A_339 = arith.cmpi ne, %convert_element_type3A_337, %cond3A_338 : i32
      scf.if %cond3A_339 {
        %add3A_372 = arith.constant 2 : i32
        %add3A_373 = arith.addi %add3A_328, %add3A_372 : i32
        %rem3A_374 = arith.constant 4 : i32
        %rem3A_375 = arith.remsi %add3A_373, %rem3A_374 : i32
        %add3A_376 = arith.addi %mul3A_3, %add3A_373 : i32
        %mul3A_377 = arith.constant 128 : i32
        %mul3A_378 = arith.muli %add3A_376, %mul3A_377 : i32
        %dma_start3A_379 = arith.constant 0 : i32
        %dma_start3A_380 = tpu.memref_slice %arg7[%rem3A_375, %dma_start3A_379] : memref<4x128xi32, #tpu.memory_space<vmem>> -> memref<1x128xi32, #tpu.memory_space<vmem>>
        %dma_start3A_381 = tpu.memref_squeeze %dma_start3A_380 : memref<1x128xi32, #tpu.memory_space<vmem>> -> memref<128xi32, #tpu.memory_space<vmem>>
        %dma_start3A_382 = tpu.memref_slice %arg3[%add3A_1, %mul3A_378] : memref<4x80000xi32, #tpu.memory_space<hbm>> -> memref<1x128xi32, #tpu.memory_space<hbm>>
        %dma_start3A_383 = tpu.memref_squeeze %dma_start3A_382 : memref<1x128xi32, #tpu.memory_space<hbm>> -> memref<128xi32, #tpu.memory_space<hbm>>
        %dma_start3A_384 = arith.constant 0 : i32
        %dma_start3A_385 = tpu.memref_slice %arg7[%rem3A_375, %dma_start3A_384] : memref<4x128xi32, #tpu.memory_space<vmem>> -> memref<1x128xi32, #tpu.memory_space<vmem>>
        %dma_start3A_386 = tpu.memref_squeeze %dma_start3A_385 : memref<1x128xi32, #tpu.memory_space<vmem>> -> memref<128xi32, #tpu.memory_space<vmem>>
        %dma_start3A_387 = tpu.memref_slice %arg3[%add3A_1, %mul3A_378] : memref<4x80000xi32, #tpu.memory_space<hbm>> -> memref<1x128xi32, #tpu.memory_space<hbm>>
        %dma_start3A_388 = tpu.memref_squeeze %dma_start3A_387 : memref<1x128xi32, #tpu.memory_space<hbm>> -> memref<128xi32, #tpu.memory_space<hbm>>
        tpu.enqueue_dma source(%dma_start3A_388 : memref<128xi32, #tpu.memory_space<hbm>>) target(%dma_start3A_386 : memref<128xi32, #tpu.memory_space<vmem>>) target_semaphore(%arg11 : memref<!tpu.dma_semaphore, #tpu.memory_space<semaphore_mem>>)
        %dma_start3A_389 = arith.constant 0 : i32
        %dma_start3A_390 = tpu.memref_slice %arg8[%rem3A_375, %dma_start3A_389] : memref<4x128xi32, #tpu.memory_space<vmem>> -> memref<1x128xi32, #tpu.memory_space<vmem>>
        %dma_start3A_391 = tpu.memref_squeeze %dma_start3A_390 : memref<1x128xi32, #tpu.memory_space<vmem>> -> memref<128xi32, #tpu.memory_space<vmem>>
        %dma_start3A_392 = tpu.memref_slice %arg4[%add3A_1, %mul3A_378] : memref<4x80000xi32, #tpu.memory_space<hbm>> -> memref<1x128xi32, #tpu.memory_space<hbm>>
        %dma_start3A_393 = tpu.memref_squeeze %dma_start3A_392 : memref<1x128xi32, #tpu.memory_space<hbm>> -> memref<128xi32, #tpu.memory_space<hbm>>
        %dma_start3A_394 = arith.constant 0 : i32
        %dma_start3A_395 = tpu.memref_slice %arg8[%rem3A_375, %dma_start3A_394] : memref<4x128xi32, #tpu.memory_space<vmem>> -> memref<1x128xi32, #tpu.memory_space<vmem>>
        %dma_start3A_396 = tpu.memref_squeeze %dma_start3A_395 : memref<1x128xi32, #tpu.memory_space<vmem>> -> memref<128xi32, #tpu.memory_space<vmem>>
        %dma_start3A_397 = tpu.memref_slice %arg4[%add3A_1, %mul3A_378] : memref<4x80000xi32, #tpu.memory_space<hbm>> -> memref<1x128xi32, #tpu.memory_space<hbm>>
        %dma_start3A_398 = tpu.memref_squeeze %dma_start3A_397 : memref<1x128xi32, #tpu.memory_space<hbm>> -> memref<128xi32, #tpu.memory_space<hbm>>
        tpu.enqueue_dma source(%dma_start3A_398 : memref<128xi32, #tpu.memory_space<hbm>>) target(%dma_start3A_396 : memref<128xi32, #tpu.memory_space<vmem>>) target_semaphore(%arg11 : memref<!tpu.dma_semaphore, #tpu.memory_space<semaphore_mem>>)
      } else {
      }
      %add3A_340 = arith.constant 1 : i32
      %add3A_341 = arith.addi %add3A_328, %add3A_340 : i32
      %lt3A_342 = arith.cmpi slt, %add3A_341, %select_n3A : i32
      %convert_element_type3A_343 = arith.extui %lt3A_342 : i1 to i32
      %cond3A_344 = arith.constant 0 : i32
      %cond3A_345 = arith.cmpi ne, %convert_element_type3A_343, %cond3A_344 : i32
      scf.if %cond3A_345 {
        %dma_wait3A_372 = arith.constant 0 : i32
        %dma_wait3A_373 = arith.constant 0 : i32
        %dma_wait3A_374 = arith.constant 0 : i32
        %dma_wait3A_375 = tpu.memref_slice %arg7[%dma_wait3A_373, %dma_wait3A_374] : memref<4x128xi32, #tpu.memory_space<vmem>> -> memref<1x128xi32, #tpu.memory_space<vmem>>
        %dma_wait3A_376 = tpu.memref_squeeze %dma_wait3A_375 : memref<1x128xi32, #tpu.memory_space<vmem>> -> memref<128xi32, #tpu.memory_space<vmem>>
        %dma_wait3A_377 = arith.constant 0 : i32
        %dma_wait3A_378 = tpu.memref_slice %arg3[%dma_wait3A_372, %dma_wait3A_377] : memref<4x80000xi32, #tpu.memory_space<hbm>> -> memref<1x128xi32, #tpu.memory_space<hbm>>
        %dma_wait3A_379 = tpu.memref_squeeze %dma_wait3A_378 : memref<1x128xi32, #tpu.memory_space<hbm>> -> memref<128xi32, #tpu.memory_space<hbm>>
        %dma_wait3A_380 = arith.constant 0 : i32
        %dma_wait3A_381 = tpu.memref_slice %arg7[%dma_wait3A_373, %dma_wait3A_380] : memref<4x128xi32, #tpu.memory_space<vmem>> -> memref<1x128xi32, #tpu.memory_space<vmem>>
        %dma_wait3A_382 = tpu.memref_squeeze %dma_wait3A_381 : memref<1x128xi32, #tpu.memory_space<vmem>> -> memref<128xi32, #tpu.memory_space<vmem>>
        %dma_wait3A_383 = arith.constant 0 : i32
        %dma_wait3A_384 = tpu.memref_slice %arg3[%dma_wait3A_372, %dma_wait3A_383] : memref<4x80000xi32, #tpu.memory_space<hbm>> -> memref<1x128xi32, #tpu.memory_space<hbm>>
        %dma_wait3A_385 = tpu.memref_squeeze %dma_wait3A_384 : memref<1x128xi32, #tpu.memory_space<hbm>> -> memref<128xi32, #tpu.memory_space<hbm>>
        tpu.wait_dma2 semaphore(%arg11 : memref<!tpu.dma_semaphore, #tpu.memory_space<semaphore_mem>>) src(%dma_wait3A_385 : memref<128xi32, #tpu.memory_space<hbm>>) dst(%dma_wait3A_382 : memref<128xi32, #tpu.memory_space<vmem>>)
        %dma_wait3A_386 = arith.constant 0 : i32
        %dma_wait3A_387 = arith.constant 0 : i32
        %dma_wait3A_388 = arith.constant 0 : i32
        %dma_wait3A_389 = tpu.memref_slice %arg8[%dma_wait3A_387, %dma_wait3A_388] : memref<4x128xi32, #tpu.memory_space<vmem>> -> memref<1x128xi32, #tpu.memory_space<vmem>>
        %dma_wait3A_390 = tpu.memref_squeeze %dma_wait3A_389 : memref<1x128xi32, #tpu.memory_space<vmem>> -> memref<128xi32, #tpu.memory_space<vmem>>
        %dma_wait3A_391 = arith.constant 0 : i32
        %dma_wait3A_392 = tpu.memref_slice %arg4[%dma_wait3A_386, %dma_wait3A_391] : memref<4x80000xi32, #tpu.memory_space<hbm>> -> memref<1x128xi32, #tpu.memory_space<hbm>>
        %dma_wait3A_393 = tpu.memref_squeeze %dma_wait3A_392 : memref<1x128xi32, #tpu.memory_space<hbm>> -> memref<128xi32, #tpu.memory_space<hbm>>
        %dma_wait3A_394 = arith.constant 0 : i32
        %dma_wait3A_395 = tpu.memref_slice %arg8[%dma_wait3A_387, %dma_wait3A_394] : memref<4x128xi32, #tpu.memory_space<vmem>> -> memref<1x128xi32, #tpu.memory_space<vmem>>
        %dma_wait3A_396 = tpu.memref_squeeze %dma_wait3A_395 : memref<1x128xi32, #tpu.memory_space<vmem>> -> memref<128xi32, #tpu.memory_space<vmem>>
        %dma_wait3A_397 = arith.constant 0 : i32
        %dma_wait3A_398 = tpu.memref_slice %arg4[%dma_wait3A_386, %dma_wait3A_397] : memref<4x80000xi32, #tpu.memory_space<hbm>> -> memref<1x128xi32, #tpu.memory_space<hbm>>
        %dma_wait3A_399 = tpu.memref_squeeze %dma_wait3A_398 : memref<1x128xi32, #tpu.memory_space<hbm>> -> memref<128xi32, #tpu.memory_space<hbm>>
        tpu.wait_dma2 semaphore(%arg11 : memref<!tpu.dma_semaphore, #tpu.memory_space<semaphore_mem>>) src(%dma_wait3A_399 : memref<128xi32, #tpu.memory_space<hbm>>) dst(%dma_wait3A_396 : memref<128xi32, #tpu.memory_space<vmem>>)
        %add3A_400 = arith.constant 1 : i32
        %add3A_401 = arith.addi %add3A_328, %add3A_400 : i32
        %rem3A_402 = arith.constant 4 : i32
        %rem3A_403 = arith.remsi %add3A_401, %rem3A_402 : i32
        %rem3A_404 = arith.constant 3 : i32
        %rem3A_405 = arith.remsi %add3A_401, %rem3A_404 : i32
        %dma_start3A_406 = arith.constant 0 : i32
        %dma_start3A_407 = arith.constant 0 : i32
        %dma_start3A_408 = tpu.memref_slice %arg9[%rem3A_405, %dma_start3A_406, %dma_start3A_407] : memref<3x128x128xf32, #tpu.memory_space<vmem>> -> memref<1x128x128xf32, #tpu.memory_space<vmem>>
        %dma_start3A_409 = tpu.memref_squeeze %dma_start3A_408 : memref<1x128x128xf32, #tpu.memory_space<vmem>> -> memref<128x128xf32, #tpu.memory_space<vmem>>
        %dma_start3A_410 = arith.constant 0 : i32
        %dma_start3A_411 = tpu.memref_slice %arg7[%rem3A_403, %dma_start3A_410] : memref<4x128xi32, #tpu.memory_space<vmem>> -> memref<1x128xi32, #tpu.memory_space<vmem>>
        %dma_start3A_412 = tpu.memref_squeeze %dma_start3A_411 : memref<1x128xi32, #tpu.memory_space<vmem>> -> memref<128xi32, #tpu.memory_space<vmem>>
        %dma_start3A_413 = arith.constant 0 : i32
        %dma_start3A_414 = arith.constant 0 : i32
        %dma_start3A_415 = tpu.memref_slice %arg2[%dma_start3A_413, %dma_start3A_414] : memref<10000x128xf32, #tpu.memory_space<hbm>> -> memref<10000x128xf32, #tpu.memory_space<hbm>>
        tpu.enqueue_indirect_dma source(%dma_start3A_415 : memref<10000x128xf32, #tpu.memory_space<hbm>>) target(%dma_start3A_409 : memref<128x128xf32, #tpu.memory_space<vmem>>) offsets(%dma_start3A_412 : memref<128xi32, #tpu.memory_space<vmem>>) semaphore(%arg12 : memref<!tpu.dma_semaphore, #tpu.memory_space<semaphore_mem>>)
      } else {
      }
      %dma_wait3A_346 = arith.constant 0 : i32
      %dma_wait3A_347 = arith.constant 0 : i32
      %dma_wait3A_348 = arith.constant 0 : i32
      %dma_wait3A_349 = arith.constant 0 : i32
      %dma_wait3A_350 = tpu.memref_slice %arg9[%dma_wait3A_347, %dma_wait3A_348, %dma_wait3A_349] : memref<3x128x128xf32, #tpu.memory_space<vmem>> -> memref<1x128x128xf32, #tpu.memory_space<vmem>>
      %dma_wait3A_351 = tpu.memref_squeeze %dma_wait3A_350 : memref<1x128x128xf32, #tpu.memory_space<vmem>> -> memref<128x128xf32, #tpu.memory_space<vmem>>
      %dma_wait3A_352 = arith.constant 0 : i32
      %dma_wait3A_353 = tpu.memref_slice %arg7[%dma_wait3A_346, %dma_wait3A_352] : memref<4x128xi32, #tpu.memory_space<vmem>> -> memref<1x128xi32, #tpu.memory_space<vmem>>
      %dma_wait3A_354 = tpu.memref_squeeze %dma_wait3A_353 : memref<1x128xi32, #tpu.memory_space<vmem>> -> memref<128xi32, #tpu.memory_space<vmem>>
      %dma_wait3A_355 = arith.constant 0 : i32
      %dma_wait3A_356 = arith.constant 0 : i32
      %dma_wait3A_357 = tpu.memref_slice %arg2[%dma_wait3A_355, %dma_wait3A_356] : memref<10000x128xf32, #tpu.memory_space<hbm>> -> memref<10000x128xf32, #tpu.memory_space<hbm>>
      tpu.wait_indirect_dma semaphore(%arg12 : memref<!tpu.dma_semaphore, #tpu.memory_space<semaphore_mem>>) src(%dma_wait3A_357 : memref<10000x128xf32, #tpu.memory_space<hbm>>) dst(%dma_wait3A_351 : memref<128x128xf32, #tpu.memory_space<vmem>>)
      %rem3A_358 = arith.constant 3 : i32
      %rem3A_359 = arith.remsi %add3A_328, %rem3A_358 : i32
      %rem3A_360 = arith.constant 4 : i32
      %rem3A_361 = arith.remsi %add3A_328, %rem3A_360 : i32
      %dma_start3A_362 = arith.constant 0 : i32
      %dma_start3A_363 = arith.constant 0 : i32
      %dma_start3A_364 = tpu.memref_slice %arg9[%rem3A_359, %dma_start3A_362, %dma_start3A_363] : memref<3x128x128xf32, #tpu.memory_space<vmem>> -> memref<1x128x128xf32, #tpu.memory_space<vmem>>
      %dma_start3A_365 = tpu.memref_squeeze %dma_start3A_364 : memref<1x128x128xf32, #tpu.memory_space<vmem>> -> memref<128x128xf32, #tpu.memory_space<vmem>>
      %dma_start3A_366 = arith.constant 0 : i32
      %dma_start3A_367 = tpu.memref_slice %arg8[%rem3A_361, %dma_start3A_366] : memref<4x128xi32, #tpu.memory_space<vmem>> -> memref<1x128xi32, #tpu.memory_space<vmem>>
      %dma_start3A_368 = tpu.memref_squeeze %dma_start3A_367 : memref<1x128xi32, #tpu.memory_space<vmem>> -> memref<128xi32, #tpu.memory_space<vmem>>
      %dma_start3A_369 = arith.constant 0 : i32
      %dma_start3A_370 = arith.constant 0 : i32
      %dma_start3A_371 = tpu.memref_slice %arg10[%dma_start3A_369, %dma_start3A_370] : memref<10000x128xf32, #tpu.memory_space<vmem_shared>> -> memref<10000x128xf32, #tpu.memory_space<vmem_shared>>
      tpu.enqueue_indirect_dma source(%dma_start3A_365 : memref<128x128xf32, #tpu.memory_space<vmem>>) target(%dma_start3A_371 : memref<10000x128xf32, #tpu.memory_space<vmem_shared>>) offsets(%dma_start3A_368 : memref<128xi32, #tpu.memory_space<vmem>>) semaphore(%arg13 : memref<!tpu.dma_semaphore, #tpu.memory_space<semaphore_mem>>) {add = true}
    }
    %dma_wait3A_124 = arith.constant 0 : i32
    %dma_wait3A_125 = arith.constant 0 : i32
    %dma_wait3A_126 = arith.constant 0 : i32
    %dma_wait3A_127 = tpu.memref_slice %arg9[%dma_wait3A_124, %dma_wait3A_125, %dma_wait3A_126] : memref<3x128x128xf32, #tpu.memory_space<vmem>> -> memref<1x128x128xf32, #tpu.memory_space<vmem>>
    %dma_wait3A_128 = tpu.memref_squeeze %dma_wait3A_127 : memref<1x128x128xf32, #tpu.memory_space<vmem>> -> memref<128x128xf32, #tpu.memory_space<vmem>>
    %dma_wait3A_129 = arith.constant 0 : i32
    %dma_wait3A_130 = arith.constant 0 : i32
    %dma_wait3A_131 = tpu.memref_slice %arg10[%dma_wait3A_129, %dma_wait3A_130] : memref<10000x128xf32, #tpu.memory_space<vmem_shared>> -> memref<128x128xf32, #tpu.memory_space<vmem_shared>>
    %dma_wait3A_132 = arith.constant 0 : i32
    %dma_wait3A_133 = arith.constant 0 : i32
    %dma_wait3A_134 = tpu.memref_slice %arg10[%dma_wait3A_132, %dma_wait3A_133] : memref<10000x128xf32, #tpu.memory_space<vmem_shared>> -> memref<128x128xf32, #tpu.memory_space<vmem_shared>>
    %dma_wait3A_135 = arith.constant 0 : i32
    %dma_wait3A_136 = arith.constant 0 : i32
    %dma_wait3A_137 = tpu.memref_slice %arg9[%dma_wait3A_124, %dma_wait3A_135, %dma_wait3A_136] : memref<3x128x128xf32, #tpu.memory_space<vmem>> -> memref<1x128x128xf32, #tpu.memory_space<vmem>>
    %dma_wait3A_138 = tpu.memref_squeeze %dma_wait3A_137 : memref<1x128x128xf32, #tpu.memory_space<vmem>> -> memref<128x128xf32, #tpu.memory_space<vmem>>
    tpu.wait_dma2 semaphore(%arg13 : memref<!tpu.dma_semaphore, #tpu.memory_space<semaphore_mem>>) src(%dma_wait3A_138 : memref<128x128xf32, #tpu.memory_space<vmem>>) dst(%dma_wait3A_134 : memref<128x128xf32, #tpu.memory_space<vmem_shared>>)
    %ge3A = arith.constant 2 : i32
    %ge3A_139 = arith.cmpi sge, %select_n3A, %ge3A : i32
    %convert_element_type3A_140 = arith.extui %ge3A_139 : i1 to i32
    %cond3A_141 = arith.constant 0 : i32
    %cond3A_142 = arith.cmpi ne, %convert_element_type3A_140, %cond3A_141 : i32
    scf.if %cond3A_142 {
      %dma_wait3A_326 = arith.constant 0 : i32
      %dma_wait3A_327 = arith.constant 0 : i32
      %dma_wait3A_328 = arith.constant 0 : i32
      %dma_wait3A_329 = tpu.memref_slice %arg9[%dma_wait3A_326, %dma_wait3A_327, %dma_wait3A_328] : memref<3x128x128xf32, #tpu.memory_space<vmem>> -> memref<1x128x128xf32, #tpu.memory_space<vmem>>
      %dma_wait3A_330 = tpu.memref_squeeze %dma_wait3A_329 : memref<1x128x128xf32, #tpu.memory_space<vmem>> -> memref<128x128xf32, #tpu.memory_space<vmem>>
      %dma_wait3A_331 = arith.constant 0 : i32
      %dma_wait3A_332 = arith.constant 0 : i32
      %dma_wait3A_333 = tpu.memref_slice %arg10[%dma_wait3A_331, %dma_wait3A_332] : memref<10000x128xf32, #tpu.memory_space<vmem_shared>> -> memref<128x128xf32, #tpu.memory_space<vmem_shared>>
      %dma_wait3A_334 = arith.constant 0 : i32
      %dma_wait3A_335 = arith.constant 0 : i32
      %dma_wait3A_336 = tpu.memref_slice %arg10[%dma_wait3A_334, %dma_wait3A_335] : memref<10000x128xf32, #tpu.memory_space<vmem_shared>> -> memref<128x128xf32, #tpu.memory_space<vmem_shared>>
      %dma_wait3A_337 = arith.constant 0 : i32
      %dma_wait3A_338 = arith.constant 0 : i32
      %dma_wait3A_339 = tpu.memref_slice %arg9[%dma_wait3A_326, %dma_wait3A_337, %dma_wait3A_338] : memref<3x128x128xf32, #tpu.memory_space<vmem>> -> memref<1x128x128xf32, #tpu.memory_space<vmem>>
      %dma_wait3A_340 = tpu.memref_squeeze %dma_wait3A_339 : memref<1x128x128xf32, #tpu.memory_space<vmem>> -> memref<128x128xf32, #tpu.memory_space<vmem>>
      tpu.wait_dma2 semaphore(%arg13 : memref<!tpu.dma_semaphore, #tpu.memory_space<semaphore_mem>>) src(%dma_wait3A_340 : memref<128x128xf32, #tpu.memory_space<vmem>>) dst(%dma_wait3A_336 : memref<128x128xf32, #tpu.memory_space<vmem_shared>>)
    } else {
    }
    %barrier3A_143 = arith.constant 0 : index
    tpu.barrier barrier_id(%barrier3A_143)
    %lt3A_144 = arith.constant 15 : i32
    %lt3A_145 = arith.cmpi slt, %arg1, %lt3A_144 : i32
    %convert_element_type3A_146 = arith.extui %lt3A_145 : i1 to i32
    %cond3A_147 = arith.constant 0 : i32
    %cond3A_148 = arith.cmpi ne, %convert_element_type3A_146, %cond3A_147 : i32
    scf.if %cond3A_148 {
      %mul3A_326 = arith.constant 624 : i32
      %mul3A_327 = arith.muli %arg1, %mul3A_326 : i32
      %mul3A_328 = arith.constant 624 : i32
      %mul3A_329 = arith.muli %arg1, %mul3A_328 : i32
      "tpu.region"() ({
        %run_scoped3A = tpu.sem_alloc : memref<!tpu.dma_semaphore, #tpu.memory_space<semaphore_mem>>
        %dma_start3A_330 = arith.constant 0 : i32
        %dma_start3A_331 = tpu.memref_slice %arg6[%add3A_1, %mul3A_329, %dma_start3A_330] : memref<4x10000x128xf32, #tpu.memory_space<hbm>> -> memref<1x624x128xf32, #tpu.memory_space<hbm>>
        %dma_start3A_332 = tpu.memref_squeeze %dma_start3A_331 : memref<1x624x128xf32, #tpu.memory_space<hbm>> -> memref<624x128xf32, #tpu.memory_space<hbm>>
        %dma_start3A_333 = arith.constant 0 : i32
        %dma_start3A_334 = tpu.memref_slice %arg10[%mul3A_327, %dma_start3A_333] : memref<10000x128xf32, #tpu.memory_space<vmem_shared>> -> memref<624x128xf32, #tpu.memory_space<vmem_shared>>
        tpu.enqueue_dma source(%dma_start3A_334 : memref<624x128xf32, #tpu.memory_space<vmem_shared>>) target(%dma_start3A_332 : memref<624x128xf32, #tpu.memory_space<hbm>>) target_semaphore(%run_scoped3A : memref<!tpu.dma_semaphore, #tpu.memory_space<semaphore_mem>>)
        %dma_wait3A_335 = arith.constant 0 : i32
        %dma_wait3A_336 = tpu.memref_slice %arg6[%add3A_1, %mul3A_329, %dma_wait3A_335] : memref<4x10000x128xf32, #tpu.memory_space<hbm>> -> memref<1x624x128xf32, #tpu.memory_space<hbm>>
        %dma_wait3A_337 = tpu.memref_squeeze %dma_wait3A_336 : memref<1x624x128xf32, #tpu.memory_space<hbm>> -> memref<624x128xf32, #tpu.memory_space<hbm>>
        %dma_wait3A_338 = arith.constant 0 : i32
        %dma_wait3A_339 = tpu.memref_slice %arg10[%mul3A_327, %dma_wait3A_338] : memref<10000x128xf32, #tpu.memory_space<vmem_shared>> -> memref<624x128xf32, #tpu.memory_space<vmem_shared>>
        tpu.wait_dma2 semaphore(%run_scoped3A : memref<!tpu.dma_semaphore, #tpu.memory_space<semaphore_mem>>) src(%dma_wait3A_339 : memref<624x128xf32, #tpu.memory_space<vmem_shared>>) dst(%dma_wait3A_337 : memref<624x128xf32, #tpu.memory_space<hbm>>)
        tpu.yield
      }) : () -> ()
    } else {
    }
    %eq3A_149 = arith.constant 15 : i32
    %eq3A_150 = arith.cmpi eq, %arg1, %eq3A_149 : i32
    %convert_element_type3A_151 = arith.extui %eq3A_150 : i1 to i32
    %cond3A_152 = arith.constant 0 : i32
    %cond3A_153 = arith.cmpi ne, %convert_element_type3A_151, %cond3A_152 : i32
    scf.if %cond3A_153 {
      "tpu.region"() ({
        %run_scoped3A = tpu.sem_alloc : memref<!tpu.dma_semaphore, #tpu.memory_space<semaphore_mem>>
        %dma_start3A_326 = arith.constant 9360 : i32
        %dma_start3A_327 = arith.constant 0 : i32
        %dma_start3A_328 = tpu.memref_slice %arg6[%add3A_1, %dma_start3A_326, %dma_start3A_327] : memref<4x10000x128xf32, #tpu.memory_space<hbm>> -> memref<1x640x128xf32, #tpu.memory_space<hbm>>
        %dma_start3A_329 = tpu.memref_squeeze %dma_start3A_328 : memref<1x640x128xf32, #tpu.memory_space<hbm>> -> memref<640x128xf32, #tpu.memory_space<hbm>>
        %dma_start3A_330 = arith.constant 9360 : i32
        %dma_start3A_331 = arith.constant 0 : i32
        %dma_start3A_332 = tpu.memref_slice %arg10[%dma_start3A_330, %dma_start3A_331] : memref<10000x128xf32, #tpu.memory_space<vmem_shared>> -> memref<640x128xf32, #tpu.memory_space<vmem_shared>>
        tpu.enqueue_dma source(%dma_start3A_332 : memref<640x128xf32, #tpu.memory_space<vmem_shared>>) target(%dma_start3A_329 : memref<640x128xf32, #tpu.memory_space<hbm>>) target_semaphore(%run_scoped3A : memref<!tpu.dma_semaphore, #tpu.memory_space<semaphore_mem>>)
        %dma_wait3A_333 = arith.constant 9360 : i32
        %dma_wait3A_334 = arith.constant 0 : i32
        %dma_wait3A_335 = tpu.memref_slice %arg6[%add3A_1, %dma_wait3A_333, %dma_wait3A_334] : memref<4x10000x128xf32, #tpu.memory_space<hbm>> -> memref<1x640x128xf32, #tpu.memory_space<hbm>>
        %dma_wait3A_336 = tpu.memref_squeeze %dma_wait3A_335 : memref<1x640x128xf32, #tpu.memory_space<hbm>> -> memref<640x128xf32, #tpu.memory_space<hbm>>
        %dma_wait3A_337 = arith.constant 9360 : i32
        %dma_wait3A_338 = arith.constant 0 : i32
        %dma_wait3A_339 = tpu.memref_slice %arg10[%dma_wait3A_337, %dma_wait3A_338] : memref<10000x128xf32, #tpu.memory_space<vmem_shared>> -> memref<640x128xf32, #tpu.memory_space<vmem_shared>>
        tpu.wait_dma2 semaphore(%run_scoped3A : memref<!tpu.dma_semaphore, #tpu.memory_space<semaphore_mem>>) src(%dma_wait3A_339 : memref<640x128xf32, #tpu.memory_space<vmem_shared>>) dst(%dma_wait3A_336 : memref<640x128xf32, #tpu.memory_space<hbm>>)
        tpu.yield
      }) : () -> ()
    } else {
    }
    %barrier3A_154 = arith.constant 0 : index
    tpu.barrier barrier_id(%barrier3A_154)
    %mul3A_155 = arith.constant 2 : i32
    %mul3A_156 = arith.muli %arg0, %mul3A_155 : i32
    %add3A_157 = arith.constant 1 : i32
    %add3A_158 = arith.addi %mul3A_156, %add3A_157 : i32
    %mul3A_159 = arith.constant 40 : i32
    %mul3A_160 = arith.muli %arg1, %mul3A_159 : i32
    %lt3A_161 = arith.constant 15 : i32
    %lt3A_162 = arith.cmpi slt, %arg1, %lt3A_161 : i32
    %jit3A_163 = arith.constant 40 : i32
    %jit3A_164 = arith.constant 25 : i32
    %select_n3A_165 = arith.select %lt3A_162, %jit3A_163, %jit3A_164 : i32
    %rem3A_166 = arith.constant 0 : i32
    %rem3A_167 = arith.constant 4 : i32
    %rem3A_168 = arith.remsi %rem3A_166, %rem3A_167 : i32
    %add3A_169 = arith.constant 0 : i32
    %add3A_170 = arith.addi %mul3A_160, %add3A_169 : i32
    %mul3A_171 = arith.constant 128 : i32
    %mul3A_172 = arith.muli %add3A_170, %mul3A_171 : i32
    %dma_start3A_173 = arith.constant 0 : i32
    %dma_start3A_174 = tpu.memref_slice %arg7[%rem3A_168, %dma_start3A_173] : memref<4x128xi32, #tpu.memory_space<vmem>> -> memref<1x128xi32, #tpu.memory_space<vmem>>
    %dma_start3A_175 = tpu.memref_squeeze %dma_start3A_174 : memref<1x128xi32, #tpu.memory_space<vmem>> -> memref<128xi32, #tpu.memory_space<vmem>>
    %dma_start3A_176 = tpu.memref_slice %arg3[%add3A_158, %mul3A_172] : memref<4x80000xi32, #tpu.memory_space<hbm>> -> memref<1x128xi32, #tpu.memory_space<hbm>>
    %dma_start3A_177 = tpu.memref_squeeze %dma_start3A_176 : memref<1x128xi32, #tpu.memory_space<hbm>> -> memref<128xi32, #tpu.memory_space<hbm>>
    %dma_start3A_178 = arith.constant 0 : i32
    %dma_start3A_179 = tpu.memref_slice %arg7[%rem3A_168, %dma_start3A_178] : memref<4x128xi32, #tpu.memory_space<vmem>> -> memref<1x128xi32, #tpu.memory_space<vmem>>
    %dma_start3A_180 = tpu.memref_squeeze %dma_start3A_179 : memref<1x128xi32, #tpu.memory_space<vmem>> -> memref<128xi32, #tpu.memory_space<vmem>>
    %dma_start3A_181 = tpu.memref_slice %arg3[%add3A_158, %mul3A_172] : memref<4x80000xi32, #tpu.memory_space<hbm>> -> memref<1x128xi32, #tpu.memory_space<hbm>>
    %dma_start3A_182 = tpu.memref_squeeze %dma_start3A_181 : memref<1x128xi32, #tpu.memory_space<hbm>> -> memref<128xi32, #tpu.memory_space<hbm>>
    tpu.enqueue_dma source(%dma_start3A_182 : memref<128xi32, #tpu.memory_space<hbm>>) target(%dma_start3A_180 : memref<128xi32, #tpu.memory_space<vmem>>) target_semaphore(%arg11 : memref<!tpu.dma_semaphore, #tpu.memory_space<semaphore_mem>>)
    %dma_start3A_183 = arith.constant 0 : i32
    %dma_start3A_184 = tpu.memref_slice %arg8[%rem3A_168, %dma_start3A_183] : memref<4x128xi32, #tpu.memory_space<vmem>> -> memref<1x128xi32, #tpu.memory_space<vmem>>
    %dma_start3A_185 = tpu.memref_squeeze %dma_start3A_184 : memref<1x128xi32, #tpu.memory_space<vmem>> -> memref<128xi32, #tpu.memory_space<vmem>>
    %dma_start3A_186 = tpu.memref_slice %arg4[%add3A_158, %mul3A_172] : memref<4x80000xi32, #tpu.memory_space<hbm>> -> memref<1x128xi32, #tpu.memory_space<hbm>>
    %dma_start3A_187 = tpu.memref_squeeze %dma_start3A_186 : memref<1x128xi32, #tpu.memory_space<hbm>> -> memref<128xi32, #tpu.memory_space<hbm>>
    %dma_start3A_188 = arith.constant 0 : i32
    %dma_start3A_189 = tpu.memref_slice %arg8[%rem3A_168, %dma_start3A_188] : memref<4x128xi32, #tpu.memory_space<vmem>> -> memref<1x128xi32, #tpu.memory_space<vmem>>
    %dma_start3A_190 = tpu.memref_squeeze %dma_start3A_189 : memref<1x128xi32, #tpu.memory_space<vmem>> -> memref<128xi32, #tpu.memory_space<vmem>>
    %dma_start3A_191 = tpu.memref_slice %arg4[%add3A_158, %mul3A_172] : memref<4x80000xi32, #tpu.memory_space<hbm>> -> memref<1x128xi32, #tpu.memory_space<hbm>>
    %dma_start3A_192 = tpu.memref_squeeze %dma_start3A_191 : memref<1x128xi32, #tpu.memory_space<hbm>> -> memref<128xi32, #tpu.memory_space<hbm>>
    tpu.enqueue_dma source(%dma_start3A_192 : memref<128xi32, #tpu.memory_space<hbm>>) target(%dma_start3A_190 : memref<128xi32, #tpu.memory_space<vmem>>) target_semaphore(%arg11 : memref<!tpu.dma_semaphore, #tpu.memory_space<semaphore_mem>>)
    %rem3A_193 = arith.constant 1 : i32
    %rem3A_194 = arith.constant 4 : i32
    %rem3A_195 = arith.remsi %rem3A_193, %rem3A_194 : i32
    %add3A_196 = arith.constant 1 : i32
    %add3A_197 = arith.addi %mul3A_160, %add3A_196 : i32
    %mul3A_198 = arith.constant 128 : i32
    %mul3A_199 = arith.muli %add3A_197, %mul3A_198 : i32
    %dma_start3A_200 = arith.constant 0 : i32
    %dma_start3A_201 = tpu.memref_slice %arg7[%rem3A_195, %dma_start3A_200] : memref<4x128xi32, #tpu.memory_space<vmem>> -> memref<1x128xi32, #tpu.memory_space<vmem>>
    %dma_start3A_202 = tpu.memref_squeeze %dma_start3A_201 : memref<1x128xi32, #tpu.memory_space<vmem>> -> memref<128xi32, #tpu.memory_space<vmem>>
    %dma_start3A_203 = tpu.memref_slice %arg3[%add3A_158, %mul3A_199] : memref<4x80000xi32, #tpu.memory_space<hbm>> -> memref<1x128xi32, #tpu.memory_space<hbm>>
    %dma_start3A_204 = tpu.memref_squeeze %dma_start3A_203 : memref<1x128xi32, #tpu.memory_space<hbm>> -> memref<128xi32, #tpu.memory_space<hbm>>
    %dma_start3A_205 = arith.constant 0 : i32
    %dma_start3A_206 = tpu.memref_slice %arg7[%rem3A_195, %dma_start3A_205] : memref<4x128xi32, #tpu.memory_space<vmem>> -> memref<1x128xi32, #tpu.memory_space<vmem>>
    %dma_start3A_207 = tpu.memref_squeeze %dma_start3A_206 : memref<1x128xi32, #tpu.memory_space<vmem>> -> memref<128xi32, #tpu.memory_space<vmem>>
    %dma_start3A_208 = tpu.memref_slice %arg3[%add3A_158, %mul3A_199] : memref<4x80000xi32, #tpu.memory_space<hbm>> -> memref<1x128xi32, #tpu.memory_space<hbm>>
    %dma_start3A_209 = tpu.memref_squeeze %dma_start3A_208 : memref<1x128xi32, #tpu.memory_space<hbm>> -> memref<128xi32, #tpu.memory_space<hbm>>
    tpu.enqueue_dma source(%dma_start3A_209 : memref<128xi32, #tpu.memory_space<hbm>>) target(%dma_start3A_207 : memref<128xi32, #tpu.memory_space<vmem>>) target_semaphore(%arg11 : memref<!tpu.dma_semaphore, #tpu.memory_space<semaphore_mem>>)
    %dma_start3A_210 = arith.constant 0 : i32
    %dma_start3A_211 = tpu.memref_slice %arg8[%rem3A_195, %dma_start3A_210] : memref<4x128xi32, #tpu.memory_space<vmem>> -> memref<1x128xi32, #tpu.memory_space<vmem>>
    %dma_start3A_212 = tpu.memref_squeeze %dma_start3A_211 : memref<1x128xi32, #tpu.memory_space<vmem>> -> memref<128xi32, #tpu.memory_space<vmem>>
    %dma_start3A_213 = tpu.memref_slice %arg4[%add3A_158, %mul3A_199] : memref<4x80000xi32, #tpu.memory_space<hbm>> -> memref<1x128xi32, #tpu.memory_space<hbm>>
    %dma_start3A_214 = tpu.memref_squeeze %dma_start3A_213 : memref<1x128xi32, #tpu.memory_space<hbm>> -> memref<128xi32, #tpu.memory_space<hbm>>
    %dma_start3A_215 = arith.constant 0 : i32
    %dma_start3A_216 = tpu.memref_slice %arg8[%rem3A_195, %dma_start3A_215] : memref<4x128xi32, #tpu.memory_space<vmem>> -> memref<1x128xi32, #tpu.memory_space<vmem>>
    %dma_start3A_217 = tpu.memref_squeeze %dma_start3A_216 : memref<1x128xi32, #tpu.memory_space<vmem>> -> memref<128xi32, #tpu.memory_space<vmem>>
    %dma_start3A_218 = tpu.memref_slice %arg4[%add3A_158, %mul3A_199] : memref<4x80000xi32, #tpu.memory_space<hbm>> -> memref<1x128xi32, #tpu.memory_space<hbm>>
    %dma_start3A_219 = tpu.memref_squeeze %dma_start3A_218 : memref<1x128xi32, #tpu.memory_space<hbm>> -> memref<128xi32, #tpu.memory_space<hbm>>
    tpu.enqueue_dma source(%dma_start3A_219 : memref<128xi32, #tpu.memory_space<hbm>>) target(%dma_start3A_217 : memref<128xi32, #tpu.memory_space<vmem>>) target_semaphore(%arg11 : memref<!tpu.dma_semaphore, #tpu.memory_space<semaphore_mem>>)
    %lt3A_220 = arith.constant 15 : i32
    %lt3A_221 = arith.cmpi slt, %arg1, %lt3A_220 : i32
    %convert_element_type3A_222 = arith.extui %lt3A_221 : i1 to i32
    %cond3A_223 = arith.constant 0 : i32
    %cond3A_224 = arith.cmpi ne, %convert_element_type3A_222, %cond3A_223 : i32
    scf.if %cond3A_224 {
      %mul3A_326 = arith.constant 624 : i32
      %mul3A_327 = arith.muli %arg1, %mul3A_326 : i32
      "tpu.region"() ({
        %run_scoped3A = tpu.sem_alloc : memref<!tpu.dma_semaphore, #tpu.memory_space<semaphore_mem>>
        %dma_start3A_328 = arith.constant 0 : i32
        %dma_start3A_329 = tpu.memref_slice %arg10[%mul3A_327, %dma_start3A_328] : memref<10000x128xf32, #tpu.memory_space<vmem_shared>> -> memref<624x128xf32, #tpu.memory_space<vmem_shared>>
        %dma_start3A_330 = arith.constant 0 : i32
        %dma_start3A_331 = arith.constant 0 : i32
        %dma_start3A_332 = tpu.memref_slice %arg5[%dma_start3A_330, %dma_start3A_331] : memref<640x128xf32, #tpu.memory_space<hbm>> -> memref<624x128xf32, #tpu.memory_space<hbm>>
        tpu.enqueue_dma source(%dma_start3A_332 : memref<624x128xf32, #tpu.memory_space<hbm>>) target(%dma_start3A_329 : memref<624x128xf32, #tpu.memory_space<vmem_shared>>) target_semaphore(%run_scoped3A : memref<!tpu.dma_semaphore, #tpu.memory_space<semaphore_mem>>)
        %dma_wait3A_333 = arith.constant 0 : i32
        %dma_wait3A_334 = tpu.memref_slice %arg10[%mul3A_327, %dma_wait3A_333] : memref<10000x128xf32, #tpu.memory_space<vmem_shared>> -> memref<624x128xf32, #tpu.memory_space<vmem_shared>>
        %dma_wait3A_335 = arith.constant 0 : i32
        %dma_wait3A_336 = arith.constant 0 : i32
        %dma_wait3A_337 = tpu.memref_slice %arg5[%dma_wait3A_335, %dma_wait3A_336] : memref<640x128xf32, #tpu.memory_space<hbm>> -> memref<624x128xf32, #tpu.memory_space<hbm>>
        tpu.wait_dma2 semaphore(%run_scoped3A : memref<!tpu.dma_semaphore, #tpu.memory_space<semaphore_mem>>) src(%dma_wait3A_337 : memref<624x128xf32, #tpu.memory_space<hbm>>) dst(%dma_wait3A_334 : memref<624x128xf32, #tpu.memory_space<vmem_shared>>)
        tpu.yield
      }) : () -> ()
    } else {
    }
    %eq3A_225 = arith.constant 15 : i32
    %eq3A_226 = arith.cmpi eq, %arg1, %eq3A_225 : i32
    %convert_element_type3A_227 = arith.extui %eq3A_226 : i1 to i32
    %cond3A_228 = arith.constant 0 : i32
    %cond3A_229 = arith.cmpi ne, %convert_element_type3A_227, %cond3A_228 : i32
    scf.if %cond3A_229 {
      "tpu.region"() ({
        %run_scoped3A = tpu.sem_alloc : memref<!tpu.dma_semaphore, #tpu.memory_space<semaphore_mem>>
        %dma_start3A_326 = arith.constant 9360 : i32
        %dma_start3A_327 = arith.constant 0 : i32
        %dma_start3A_328 = tpu.memref_slice %arg10[%dma_start3A_326, %dma_start3A_327] : memref<10000x128xf32, #tpu.memory_space<vmem_shared>> -> memref<640x128xf32, #tpu.memory_space<vmem_shared>>
        %dma_start3A_329 = arith.constant 0 : i32
        %dma_start3A_330 = arith.constant 0 : i32
        %dma_start3A_331 = tpu.memref_slice %arg5[%dma_start3A_329, %dma_start3A_330] : memref<640x128xf32, #tpu.memory_space<hbm>> -> memref<640x128xf32, #tpu.memory_space<hbm>>
        tpu.enqueue_dma source(%dma_start3A_331 : memref<640x128xf32, #tpu.memory_space<hbm>>) target(%dma_start3A_328 : memref<640x128xf32, #tpu.memory_space<vmem_shared>>) target_semaphore(%run_scoped3A : memref<!tpu.dma_semaphore, #tpu.memory_space<semaphore_mem>>)
        %dma_wait3A_332 = arith.constant 9360 : i32
        %dma_wait3A_333 = arith.constant 0 : i32
        %dma_wait3A_334 = tpu.memref_slice %arg10[%dma_wait3A_332, %dma_wait3A_333] : memref<10000x128xf32, #tpu.memory_space<vmem_shared>> -> memref<640x128xf32, #tpu.memory_space<vmem_shared>>
        %dma_wait3A_335 = arith.constant 0 : i32
        %dma_wait3A_336 = arith.constant 0 : i32
        %dma_wait3A_337 = tpu.memref_slice %arg5[%dma_wait3A_335, %dma_wait3A_336] : memref<640x128xf32, #tpu.memory_space<hbm>> -> memref<640x128xf32, #tpu.memory_space<hbm>>
        tpu.wait_dma2 semaphore(%run_scoped3A : memref<!tpu.dma_semaphore, #tpu.memory_space<semaphore_mem>>) src(%dma_wait3A_337 : memref<640x128xf32, #tpu.memory_space<hbm>>) dst(%dma_wait3A_334 : memref<640x128xf32, #tpu.memory_space<vmem_shared>>)
        tpu.yield
      }) : () -> ()
    } else {
    }
    %dma_wait3A_230 = arith.constant 0 : i32
    %dma_wait3A_231 = arith.constant 0 : i32
    %dma_wait3A_232 = arith.constant 0 : i32
    %dma_wait3A_233 = tpu.memref_slice %arg7[%dma_wait3A_231, %dma_wait3A_232] : memref<4x128xi32, #tpu.memory_space<vmem>> -> memref<1x128xi32, #tpu.memory_space<vmem>>
    %dma_wait3A_234 = tpu.memref_squeeze %dma_wait3A_233 : memref<1x128xi32, #tpu.memory_space<vmem>> -> memref<128xi32, #tpu.memory_space<vmem>>
    %dma_wait3A_235 = arith.constant 0 : i32
    %dma_wait3A_236 = tpu.memref_slice %arg3[%dma_wait3A_230, %dma_wait3A_235] : memref<4x80000xi32, #tpu.memory_space<hbm>> -> memref<1x128xi32, #tpu.memory_space<hbm>>
    %dma_wait3A_237 = tpu.memref_squeeze %dma_wait3A_236 : memref<1x128xi32, #tpu.memory_space<hbm>> -> memref<128xi32, #tpu.memory_space<hbm>>
    %dma_wait3A_238 = arith.constant 0 : i32
    %dma_wait3A_239 = tpu.memref_slice %arg7[%dma_wait3A_231, %dma_wait3A_238] : memref<4x128xi32, #tpu.memory_space<vmem>> -> memref<1x128xi32, #tpu.memory_space<vmem>>
    %dma_wait3A_240 = tpu.memref_squeeze %dma_wait3A_239 : memref<1x128xi32, #tpu.memory_space<vmem>> -> memref<128xi32, #tpu.memory_space<vmem>>
    %dma_wait3A_241 = arith.constant 0 : i32
    %dma_wait3A_242 = tpu.memref_slice %arg3[%dma_wait3A_230, %dma_wait3A_241] : memref<4x80000xi32, #tpu.memory_space<hbm>> -> memref<1x128xi32, #tpu.memory_space<hbm>>
    %dma_wait3A_243 = tpu.memref_squeeze %dma_wait3A_242 : memref<1x128xi32, #tpu.memory_space<hbm>> -> memref<128xi32, #tpu.memory_space<hbm>>
    tpu.wait_dma2 semaphore(%arg11 : memref<!tpu.dma_semaphore, #tpu.memory_space<semaphore_mem>>) src(%dma_wait3A_243 : memref<128xi32, #tpu.memory_space<hbm>>) dst(%dma_wait3A_240 : memref<128xi32, #tpu.memory_space<vmem>>)
    %dma_wait3A_244 = arith.constant 0 : i32
    %dma_wait3A_245 = arith.constant 0 : i32
    %dma_wait3A_246 = arith.constant 0 : i32
    %dma_wait3A_247 = tpu.memref_slice %arg8[%dma_wait3A_245, %dma_wait3A_246] : memref<4x128xi32, #tpu.memory_space<vmem>> -> memref<1x128xi32, #tpu.memory_space<vmem>>
    %dma_wait3A_248 = tpu.memref_squeeze %dma_wait3A_247 : memref<1x128xi32, #tpu.memory_space<vmem>> -> memref<128xi32, #tpu.memory_space<vmem>>
    %dma_wait3A_249 = arith.constant 0 : i32
    %dma_wait3A_250 = tpu.memref_slice %arg4[%dma_wait3A_244, %dma_wait3A_249] : memref<4x80000xi32, #tpu.memory_space<hbm>> -> memref<1x128xi32, #tpu.memory_space<hbm>>
    %dma_wait3A_251 = tpu.memref_squeeze %dma_wait3A_250 : memref<1x128xi32, #tpu.memory_space<hbm>> -> memref<128xi32, #tpu.memory_space<hbm>>
    %dma_wait3A_252 = arith.constant 0 : i32
    %dma_wait3A_253 = tpu.memref_slice %arg8[%dma_wait3A_245, %dma_wait3A_252] : memref<4x128xi32, #tpu.memory_space<vmem>> -> memref<1x128xi32, #tpu.memory_space<vmem>>
    %dma_wait3A_254 = tpu.memref_squeeze %dma_wait3A_253 : memref<1x128xi32, #tpu.memory_space<vmem>> -> memref<128xi32, #tpu.memory_space<vmem>>
    %dma_wait3A_255 = arith.constant 0 : i32
    %dma_wait3A_256 = tpu.memref_slice %arg4[%dma_wait3A_244, %dma_wait3A_255] : memref<4x80000xi32, #tpu.memory_space<hbm>> -> memref<1x128xi32, #tpu.memory_space<hbm>>
    %dma_wait3A_257 = tpu.memref_squeeze %dma_wait3A_256 : memref<1x128xi32, #tpu.memory_space<hbm>> -> memref<128xi32, #tpu.memory_space<hbm>>
    tpu.wait_dma2 semaphore(%arg11 : memref<!tpu.dma_semaphore, #tpu.memory_space<semaphore_mem>>) src(%dma_wait3A_257 : memref<128xi32, #tpu.memory_space<hbm>>) dst(%dma_wait3A_254 : memref<128xi32, #tpu.memory_space<vmem>>)
    %rem3A_258 = arith.constant 0 : i32
    %rem3A_259 = arith.constant 4 : i32
    %rem3A_260 = arith.remsi %rem3A_258, %rem3A_259 : i32
    %rem3A_261 = arith.constant 0 : i32
    %rem3A_262 = arith.constant 3 : i32
    %rem3A_263 = arith.remsi %rem3A_261, %rem3A_262 : i32
    %dma_start3A_264 = arith.constant 0 : i32
    %dma_start3A_265 = arith.constant 0 : i32
    %dma_start3A_266 = tpu.memref_slice %arg9[%rem3A_263, %dma_start3A_264, %dma_start3A_265] : memref<3x128x128xf32, #tpu.memory_space<vmem>> -> memref<1x128x128xf32, #tpu.memory_space<vmem>>
    %dma_start3A_267 = tpu.memref_squeeze %dma_start3A_266 : memref<1x128x128xf32, #tpu.memory_space<vmem>> -> memref<128x128xf32, #tpu.memory_space<vmem>>
    %dma_start3A_268 = arith.constant 0 : i32
    %dma_start3A_269 = tpu.memref_slice %arg7[%rem3A_260, %dma_start3A_268] : memref<4x128xi32, #tpu.memory_space<vmem>> -> memref<1x128xi32, #tpu.memory_space<vmem>>
    %dma_start3A_270 = tpu.memref_squeeze %dma_start3A_269 : memref<1x128xi32, #tpu.memory_space<vmem>> -> memref<128xi32, #tpu.memory_space<vmem>>
    %dma_start3A_271 = arith.constant 0 : i32
    %dma_start3A_272 = arith.constant 0 : i32
    %dma_start3A_273 = tpu.memref_slice %arg2[%dma_start3A_271, %dma_start3A_272] : memref<10000x128xf32, #tpu.memory_space<hbm>> -> memref<10000x128xf32, #tpu.memory_space<hbm>>
    tpu.enqueue_indirect_dma source(%dma_start3A_273 : memref<10000x128xf32, #tpu.memory_space<hbm>>) target(%dma_start3A_267 : memref<128x128xf32, #tpu.memory_space<vmem>>) offsets(%dma_start3A_270 : memref<128xi32, #tpu.memory_space<vmem>>) semaphore(%arg12 : memref<!tpu.dma_semaphore, #tpu.memory_space<semaphore_mem>>)
    %barrier3A_274 = arith.constant 0 : index
    tpu.barrier barrier_id(%barrier3A_274)
    %sub3A_275 = arith.constant 0 : i32
    %sub3A_276 = arith.subi %select_n3A_165, %sub3A_275 : i32
    %sub3A_277 = arith.constant 1 : i32
    %sub3A_278 = arith.constant 1 : i32
    %sub3A_279 = arith.subi %sub3A_277, %sub3A_278 : i32
    %add3A_280 = arith.addi %sub3A_276, %sub3A_279 : i32
    %div3A_281 = arith.constant 1 : i32
    %div3A_282 = arith.divsi %add3A_280, %div3A_281 : i32
    %while3A_283 = arith.constant 1 : i32
    %while3A_284 = arith.constant 0 : i32
    %while3A_285 = arith.constant 0 : i32
    %while3A_286 = arith.subi %div3A_282, %while3A_285 : i32
    %while3A_287 = arith.addi %while3A_285, %while3A_286 : i32
    %while3A_288 = arith.constant 1 : i32
    %while3A_289 = arith.divsi %while3A_286, %while3A_288 : i32
    %while3A_290 = arith.muli %while3A_289, %while3A_288 : i32
    %while3A_291 = arith.addi %while3A_285, %while3A_290 : i32
    %while3A_292 = arith.constant 1 : i32
    scf.for %while3A_326 = %while3A_285 to %while3A_291 step %while3A_292  : i32 {
      %mul3A_327 = arith.muli %while3A_326, %while3A_283 : i32
      %add3A_328 = arith.addi %while3A_284, %mul3A_327 : i32
      %ge3A_329 = arith.constant 2 : i32
      %ge3A_330 = arith.cmpi sge, %add3A_328, %ge3A_329 : i32
      %convert_element_type3A_331 = arith.extui %ge3A_330 : i1 to i32
      %cond3A_332 = arith.constant 0 : i32
      %cond3A_333 = arith.cmpi ne, %convert_element_type3A_331, %cond3A_332 : i32
      scf.if %cond3A_333 {
        %dma_wait3A_372 = arith.constant 0 : i32
        %dma_wait3A_373 = arith.constant 0 : i32
        %dma_wait3A_374 = arith.constant 0 : i32
        %dma_wait3A_375 = tpu.memref_slice %arg9[%dma_wait3A_372, %dma_wait3A_373, %dma_wait3A_374] : memref<3x128x128xf32, #tpu.memory_space<vmem>> -> memref<1x128x128xf32, #tpu.memory_space<vmem>>
        %dma_wait3A_376 = tpu.memref_squeeze %dma_wait3A_375 : memref<1x128x128xf32, #tpu.memory_space<vmem>> -> memref<128x128xf32, #tpu.memory_space<vmem>>
        %dma_wait3A_377 = arith.constant 0 : i32
        %dma_wait3A_378 = arith.constant 0 : i32
        %dma_wait3A_379 = tpu.memref_slice %arg10[%dma_wait3A_377, %dma_wait3A_378] : memref<10000x128xf32, #tpu.memory_space<vmem_shared>> -> memref<128x128xf32, #tpu.memory_space<vmem_shared>>
        %dma_wait3A_380 = arith.constant 0 : i32
        %dma_wait3A_381 = arith.constant 0 : i32
        %dma_wait3A_382 = tpu.memref_slice %arg10[%dma_wait3A_380, %dma_wait3A_381] : memref<10000x128xf32, #tpu.memory_space<vmem_shared>> -> memref<128x128xf32, #tpu.memory_space<vmem_shared>>
        %dma_wait3A_383 = arith.constant 0 : i32
        %dma_wait3A_384 = arith.constant 0 : i32
        %dma_wait3A_385 = tpu.memref_slice %arg9[%dma_wait3A_372, %dma_wait3A_383, %dma_wait3A_384] : memref<3x128x128xf32, #tpu.memory_space<vmem>> -> memref<1x128x128xf32, #tpu.memory_space<vmem>>
        %dma_wait3A_386 = tpu.memref_squeeze %dma_wait3A_385 : memref<1x128x128xf32, #tpu.memory_space<vmem>> -> memref<128x128xf32, #tpu.memory_space<vmem>>
        tpu.wait_dma2 semaphore(%arg13 : memref<!tpu.dma_semaphore, #tpu.memory_space<semaphore_mem>>) src(%dma_wait3A_386 : memref<128x128xf32, #tpu.memory_space<vmem>>) dst(%dma_wait3A_382 : memref<128x128xf32, #tpu.memory_space<vmem_shared>>)
      } else {
      }
      %add3A_334 = arith.constant 2 : i32
      %add3A_335 = arith.addi %add3A_328, %add3A_334 : i32
      %lt3A_336 = arith.cmpi slt, %add3A_335, %select_n3A_165 : i32
      %convert_element_type3A_337 = arith.extui %lt3A_336 : i1 to i32
      %cond3A_338 = arith.constant 0 : i32
      %cond3A_339 = arith.cmpi ne, %convert_element_type3A_337, %cond3A_338 : i32
      scf.if %cond3A_339 {
        %add3A_372 = arith.constant 2 : i32
        %add3A_373 = arith.addi %add3A_328, %add3A_372 : i32
        %rem3A_374 = arith.constant 4 : i32
        %rem3A_375 = arith.remsi %add3A_373, %rem3A_374 : i32
        %add3A_376 = arith.addi %mul3A_160, %add3A_373 : i32
        %mul3A_377 = arith.constant 128 : i32
        %mul3A_378 = arith.muli %add3A_376, %mul3A_377 : i32
        %dma_start3A_379 = arith.constant 0 : i32
        %dma_start3A_380 = tpu.memref_slice %arg7[%rem3A_375, %dma_start3A_379] : memref<4x128xi32, #tpu.memory_space<vmem>> -> memref<1x128xi32, #tpu.memory_space<vmem>>
        %dma_start3A_381 = tpu.memref_squeeze %dma_start3A_380 : memref<1x128xi32, #tpu.memory_space<vmem>> -> memref<128xi32, #tpu.memory_space<vmem>>
        %dma_start3A_382 = tpu.memref_slice %arg3[%add3A_158, %mul3A_378] : memref<4x80000xi32, #tpu.memory_space<hbm>> -> memref<1x128xi32, #tpu.memory_space<hbm>>
        %dma_start3A_383 = tpu.memref_squeeze %dma_start3A_382 : memref<1x128xi32, #tpu.memory_space<hbm>> -> memref<128xi32, #tpu.memory_space<hbm>>
        %dma_start3A_384 = arith.constant 0 : i32
        %dma_start3A_385 = tpu.memref_slice %arg7[%rem3A_375, %dma_start3A_384] : memref<4x128xi32, #tpu.memory_space<vmem>> -> memref<1x128xi32, #tpu.memory_space<vmem>>
        %dma_start3A_386 = tpu.memref_squeeze %dma_start3A_385 : memref<1x128xi32, #tpu.memory_space<vmem>> -> memref<128xi32, #tpu.memory_space<vmem>>
        %dma_start3A_387 = tpu.memref_slice %arg3[%add3A_158, %mul3A_378] : memref<4x80000xi32, #tpu.memory_space<hbm>> -> memref<1x128xi32, #tpu.memory_space<hbm>>
        %dma_start3A_388 = tpu.memref_squeeze %dma_start3A_387 : memref<1x128xi32, #tpu.memory_space<hbm>> -> memref<128xi32, #tpu.memory_space<hbm>>
        tpu.enqueue_dma source(%dma_start3A_388 : memref<128xi32, #tpu.memory_space<hbm>>) target(%dma_start3A_386 : memref<128xi32, #tpu.memory_space<vmem>>) target_semaphore(%arg11 : memref<!tpu.dma_semaphore, #tpu.memory_space<semaphore_mem>>)
        %dma_start3A_389 = arith.constant 0 : i32
        %dma_start3A_390 = tpu.memref_slice %arg8[%rem3A_375, %dma_start3A_389] : memref<4x128xi32, #tpu.memory_space<vmem>> -> memref<1x128xi32, #tpu.memory_space<vmem>>
        %dma_start3A_391 = tpu.memref_squeeze %dma_start3A_390 : memref<1x128xi32, #tpu.memory_space<vmem>> -> memref<128xi32, #tpu.memory_space<vmem>>
        %dma_start3A_392 = tpu.memref_slice %arg4[%add3A_158, %mul3A_378] : memref<4x80000xi32, #tpu.memory_space<hbm>> -> memref<1x128xi32, #tpu.memory_space<hbm>>
        %dma_start3A_393 = tpu.memref_squeeze %dma_start3A_392 : memref<1x128xi32, #tpu.memory_space<hbm>> -> memref<128xi32, #tpu.memory_space<hbm>>
        %dma_start3A_394 = arith.constant 0 : i32
        %dma_start3A_395 = tpu.memref_slice %arg8[%rem3A_375, %dma_start3A_394] : memref<4x128xi32, #tpu.memory_space<vmem>> -> memref<1x128xi32, #tpu.memory_space<vmem>>
        %dma_start3A_396 = tpu.memref_squeeze %dma_start3A_395 : memref<1x128xi32, #tpu.memory_space<vmem>> -> memref<128xi32, #tpu.memory_space<vmem>>
        %dma_start3A_397 = tpu.memref_slice %arg4[%add3A_158, %mul3A_378] : memref<4x80000xi32, #tpu.memory_space<hbm>> -> memref<1x128xi32, #tpu.memory_space<hbm>>
        %dma_start3A_398 = tpu.memref_squeeze %dma_start3A_397 : memref<1x128xi32, #tpu.memory_space<hbm>> -> memref<128xi32, #tpu.memory_space<hbm>>
        tpu.enqueue_dma source(%dma_start3A_398 : memref<128xi32, #tpu.memory_space<hbm>>) target(%dma_start3A_396 : memref<128xi32, #tpu.memory_space<vmem>>) target_semaphore(%arg11 : memref<!tpu.dma_semaphore, #tpu.memory_space<semaphore_mem>>)
      } else {
      }
      %add3A_340 = arith.constant 1 : i32
      %add3A_341 = arith.addi %add3A_328, %add3A_340 : i32
      %lt3A_342 = arith.cmpi slt, %add3A_341, %select_n3A_165 : i32
      %convert_element_type3A_343 = arith.extui %lt3A_342 : i1 to i32
      %cond3A_344 = arith.constant 0 : i32
      %cond3A_345 = arith.cmpi ne, %convert_element_type3A_343, %cond3A_344 : i32
      scf.if %cond3A_345 {
        %dma_wait3A_372 = arith.constant 0 : i32
        %dma_wait3A_373 = arith.constant 0 : i32
        %dma_wait3A_374 = arith.constant 0 : i32
        %dma_wait3A_375 = tpu.memref_slice %arg7[%dma_wait3A_373, %dma_wait3A_374] : memref<4x128xi32, #tpu.memory_space<vmem>> -> memref<1x128xi32, #tpu.memory_space<vmem>>
        %dma_wait3A_376 = tpu.memref_squeeze %dma_wait3A_375 : memref<1x128xi32, #tpu.memory_space<vmem>> -> memref<128xi32, #tpu.memory_space<vmem>>
        %dma_wait3A_377 = arith.constant 0 : i32
        %dma_wait3A_378 = tpu.memref_slice %arg3[%dma_wait3A_372, %dma_wait3A_377] : memref<4x80000xi32, #tpu.memory_space<hbm>> -> memref<1x128xi32, #tpu.memory_space<hbm>>
        %dma_wait3A_379 = tpu.memref_squeeze %dma_wait3A_378 : memref<1x128xi32, #tpu.memory_space<hbm>> -> memref<128xi32, #tpu.memory_space<hbm>>
        %dma_wait3A_380 = arith.constant 0 : i32
        %dma_wait3A_381 = tpu.memref_slice %arg7[%dma_wait3A_373, %dma_wait3A_380] : memref<4x128xi32, #tpu.memory_space<vmem>> -> memref<1x128xi32, #tpu.memory_space<vmem>>
        %dma_wait3A_382 = tpu.memref_squeeze %dma_wait3A_381 : memref<1x128xi32, #tpu.memory_space<vmem>> -> memref<128xi32, #tpu.memory_space<vmem>>
        %dma_wait3A_383 = arith.constant 0 : i32
        %dma_wait3A_384 = tpu.memref_slice %arg3[%dma_wait3A_372, %dma_wait3A_383] : memref<4x80000xi32, #tpu.memory_space<hbm>> -> memref<1x128xi32, #tpu.memory_space<hbm>>
        %dma_wait3A_385 = tpu.memref_squeeze %dma_wait3A_384 : memref<1x128xi32, #tpu.memory_space<hbm>> -> memref<128xi32, #tpu.memory_space<hbm>>
        tpu.wait_dma2 semaphore(%arg11 : memref<!tpu.dma_semaphore, #tpu.memory_space<semaphore_mem>>) src(%dma_wait3A_385 : memref<128xi32, #tpu.memory_space<hbm>>) dst(%dma_wait3A_382 : memref<128xi32, #tpu.memory_space<vmem>>)
        %dma_wait3A_386 = arith.constant 0 : i32
        %dma_wait3A_387 = arith.constant 0 : i32
        %dma_wait3A_388 = arith.constant 0 : i32
        %dma_wait3A_389 = tpu.memref_slice %arg8[%dma_wait3A_387, %dma_wait3A_388] : memref<4x128xi32, #tpu.memory_space<vmem>> -> memref<1x128xi32, #tpu.memory_space<vmem>>
        %dma_wait3A_390 = tpu.memref_squeeze %dma_wait3A_389 : memref<1x128xi32, #tpu.memory_space<vmem>> -> memref<128xi32, #tpu.memory_space<vmem>>
        %dma_wait3A_391 = arith.constant 0 : i32
        %dma_wait3A_392 = tpu.memref_slice %arg4[%dma_wait3A_386, %dma_wait3A_391] : memref<4x80000xi32, #tpu.memory_space<hbm>> -> memref<1x128xi32, #tpu.memory_space<hbm>>
        %dma_wait3A_393 = tpu.memref_squeeze %dma_wait3A_392 : memref<1x128xi32, #tpu.memory_space<hbm>> -> memref<128xi32, #tpu.memory_space<hbm>>
        %dma_wait3A_394 = arith.constant 0 : i32
        %dma_wait3A_395 = tpu.memref_slice %arg8[%dma_wait3A_387, %dma_wait3A_394] : memref<4x128xi32, #tpu.memory_space<vmem>> -> memref<1x128xi32, #tpu.memory_space<vmem>>
        %dma_wait3A_396 = tpu.memref_squeeze %dma_wait3A_395 : memref<1x128xi32, #tpu.memory_space<vmem>> -> memref<128xi32, #tpu.memory_space<vmem>>
        %dma_wait3A_397 = arith.constant 0 : i32
        %dma_wait3A_398 = tpu.memref_slice %arg4[%dma_wait3A_386, %dma_wait3A_397] : memref<4x80000xi32, #tpu.memory_space<hbm>> -> memref<1x128xi32, #tpu.memory_space<hbm>>
        %dma_wait3A_399 = tpu.memref_squeeze %dma_wait3A_398 : memref<1x128xi32, #tpu.memory_space<hbm>> -> memref<128xi32, #tpu.memory_space<hbm>>
        tpu.wait_dma2 semaphore(%arg11 : memref<!tpu.dma_semaphore, #tpu.memory_space<semaphore_mem>>) src(%dma_wait3A_399 : memref<128xi32, #tpu.memory_space<hbm>>) dst(%dma_wait3A_396 : memref<128xi32, #tpu.memory_space<vmem>>)
        %add3A_400 = arith.constant 1 : i32
        %add3A_401 = arith.addi %add3A_328, %add3A_400 : i32
        %rem3A_402 = arith.constant 4 : i32
        %rem3A_403 = arith.remsi %add3A_401, %rem3A_402 : i32
        %rem3A_404 = arith.constant 3 : i32
        %rem3A_405 = arith.remsi %add3A_401, %rem3A_404 : i32
        %dma_start3A_406 = arith.constant 0 : i32
        %dma_start3A_407 = arith.constant 0 : i32
        %dma_start3A_408 = tpu.memref_slice %arg9[%rem3A_405, %dma_start3A_406, %dma_start3A_407] : memref<3x128x128xf32, #tpu.memory_space<vmem>> -> memref<1x128x128xf32, #tpu.memory_space<vmem>>
        %dma_start3A_409 = tpu.memref_squeeze %dma_start3A_408 : memref<1x128x128xf32, #tpu.memory_space<vmem>> -> memref<128x128xf32, #tpu.memory_space<vmem>>
        %dma_start3A_410 = arith.constant 0 : i32
        %dma_start3A_411 = tpu.memref_slice %arg7[%rem3A_403, %dma_start3A_410] : memref<4x128xi32, #tpu.memory_space<vmem>> -> memref<1x128xi32, #tpu.memory_space<vmem>>
        %dma_start3A_412 = tpu.memref_squeeze %dma_start3A_411 : memref<1x128xi32, #tpu.memory_space<vmem>> -> memref<128xi32, #tpu.memory_space<vmem>>
        %dma_start3A_413 = arith.constant 0 : i32
        %dma_start3A_414 = arith.constant 0 : i32
        %dma_start3A_415 = tpu.memref_slice %arg2[%dma_start3A_413, %dma_start3A_414] : memref<10000x128xf32, #tpu.memory_space<hbm>> -> memref<10000x128xf32, #tpu.memory_space<hbm>>
        tpu.enqueue_indirect_dma source(%dma_start3A_415 : memref<10000x128xf32, #tpu.memory_space<hbm>>) target(%dma_start3A_409 : memref<128x128xf32, #tpu.memory_space<vmem>>) offsets(%dma_start3A_412 : memref<128xi32, #tpu.memory_space<vmem>>) semaphore(%arg12 : memref<!tpu.dma_semaphore, #tpu.memory_space<semaphore_mem>>)
      } else {
      }
      %dma_wait3A_346 = arith.constant 0 : i32
      %dma_wait3A_347 = arith.constant 0 : i32
      %dma_wait3A_348 = arith.constant 0 : i32
      %dma_wait3A_349 = arith.constant 0 : i32
      %dma_wait3A_350 = tpu.memref_slice %arg9[%dma_wait3A_347, %dma_wait3A_348, %dma_wait3A_349] : memref<3x128x128xf32, #tpu.memory_space<vmem>> -> memref<1x128x128xf32, #tpu.memory_space<vmem>>
      %dma_wait3A_351 = tpu.memref_squeeze %dma_wait3A_350 : memref<1x128x128xf32, #tpu.memory_space<vmem>> -> memref<128x128xf32, #tpu.memory_space<vmem>>
      %dma_wait3A_352 = arith.constant 0 : i32
      %dma_wait3A_353 = tpu.memref_slice %arg7[%dma_wait3A_346, %dma_wait3A_352] : memref<4x128xi32, #tpu.memory_space<vmem>> -> memref<1x128xi32, #tpu.memory_space<vmem>>
      %dma_wait3A_354 = tpu.memref_squeeze %dma_wait3A_353 : memref<1x128xi32, #tpu.memory_space<vmem>> -> memref<128xi32, #tpu.memory_space<vmem>>
      %dma_wait3A_355 = arith.constant 0 : i32
      %dma_wait3A_356 = arith.constant 0 : i32
      %dma_wait3A_357 = tpu.memref_slice %arg2[%dma_wait3A_355, %dma_wait3A_356] : memref<10000x128xf32, #tpu.memory_space<hbm>> -> memref<10000x128xf32, #tpu.memory_space<hbm>>
      tpu.wait_indirect_dma semaphore(%arg12 : memref<!tpu.dma_semaphore, #tpu.memory_space<semaphore_mem>>) src(%dma_wait3A_357 : memref<10000x128xf32, #tpu.memory_space<hbm>>) dst(%dma_wait3A_351 : memref<128x128xf32, #tpu.memory_space<vmem>>)
      %rem3A_358 = arith.constant 3 : i32
      %rem3A_359 = arith.remsi %add3A_328, %rem3A_358 : i32
      %rem3A_360 = arith.constant 4 : i32
      %rem3A_361 = arith.remsi %add3A_328, %rem3A_360 : i32
      %dma_start3A_362 = arith.constant 0 : i32
      %dma_start3A_363 = arith.constant 0 : i32
      %dma_start3A_364 = tpu.memref_slice %arg9[%rem3A_359, %dma_start3A_362, %dma_start3A_363] : memref<3x128x128xf32, #tpu.memory_space<vmem>> -> memref<1x128x128xf32, #tpu.memory_space<vmem>>
      %dma_start3A_365 = tpu.memref_squeeze %dma_start3A_364 : memref<1x128x128xf32, #tpu.memory_space<vmem>> -> memref<128x128xf32, #tpu.memory_space<vmem>>
      %dma_start3A_366 = arith.constant 0 : i32
      %dma_start3A_367 = tpu.memref_slice %arg8[%rem3A_361, %dma_start3A_366] : memref<4x128xi32, #tpu.memory_space<vmem>> -> memref<1x128xi32, #tpu.memory_space<vmem>>
      %dma_start3A_368 = tpu.memref_squeeze %dma_start3A_367 : memref<1x128xi32, #tpu.memory_space<vmem>> -> memref<128xi32, #tpu.memory_space<vmem>>
      %dma_start3A_369 = arith.constant 0 : i32
      %dma_start3A_370 = arith.constant 0 : i32
      %dma_start3A_371 = tpu.memref_slice %arg10[%dma_start3A_369, %dma_start3A_370] : memref<10000x128xf32, #tpu.memory_space<vmem_shared>> -> memref<10000x128xf32, #tpu.memory_space<vmem_shared>>
      tpu.enqueue_indirect_dma source(%dma_start3A_365 : memref<128x128xf32, #tpu.memory_space<vmem>>) target(%dma_start3A_371 : memref<10000x128xf32, #tpu.memory_space<vmem_shared>>) offsets(%dma_start3A_368 : memref<128xi32, #tpu.memory_space<vmem>>) semaphore(%arg13 : memref<!tpu.dma_semaphore, #tpu.memory_space<semaphore_mem>>) {add = true}
    }
    %while3A_293 = arith.constant 1 : i32
    scf.for %while3A_326 = %while3A_291 to %while3A_287 step %while3A_293  : i32 {
      %mul3A_327 = arith.muli %while3A_326, %while3A_283 : i32
      %add3A_328 = arith.addi %while3A_284, %mul3A_327 : i32
      %ge3A_329 = arith.constant 2 : i32
      %ge3A_330 = arith.cmpi sge, %add3A_328, %ge3A_329 : i32
      %convert_element_type3A_331 = arith.extui %ge3A_330 : i1 to i32
      %cond3A_332 = arith.constant 0 : i32
      %cond3A_333 = arith.cmpi ne, %convert_element_type3A_331, %cond3A_332 : i32
      scf.if %cond3A_333 {
        %dma_wait3A_372 = arith.constant 0 : i32
        %dma_wait3A_373 = arith.constant 0 : i32
        %dma_wait3A_374 = arith.constant 0 : i32
        %dma_wait3A_375 = tpu.memref_slice %arg9[%dma_wait3A_372, %dma_wait3A_373, %dma_wait3A_374] : memref<3x128x128xf32, #tpu.memory_space<vmem>> -> memref<1x128x128xf32, #tpu.memory_space<vmem>>
        %dma_wait3A_376 = tpu.memref_squeeze %dma_wait3A_375 : memref<1x128x128xf32, #tpu.memory_space<vmem>> -> memref<128x128xf32, #tpu.memory_space<vmem>>
        %dma_wait3A_377 = arith.constant 0 : i32
        %dma_wait3A_378 = arith.constant 0 : i32
        %dma_wait3A_379 = tpu.memref_slice %arg10[%dma_wait3A_377, %dma_wait3A_378] : memref<10000x128xf32, #tpu.memory_space<vmem_shared>> -> memref<128x128xf32, #tpu.memory_space<vmem_shared>>
        %dma_wait3A_380 = arith.constant 0 : i32
        %dma_wait3A_381 = arith.constant 0 : i32
        %dma_wait3A_382 = tpu.memref_slice %arg10[%dma_wait3A_380, %dma_wait3A_381] : memref<10000x128xf32, #tpu.memory_space<vmem_shared>> -> memref<128x128xf32, #tpu.memory_space<vmem_shared>>
        %dma_wait3A_383 = arith.constant 0 : i32
        %dma_wait3A_384 = arith.constant 0 : i32
        %dma_wait3A_385 = tpu.memref_slice %arg9[%dma_wait3A_372, %dma_wait3A_383, %dma_wait3A_384] : memref<3x128x128xf32, #tpu.memory_space<vmem>> -> memref<1x128x128xf32, #tpu.memory_space<vmem>>
        %dma_wait3A_386 = tpu.memref_squeeze %dma_wait3A_385 : memref<1x128x128xf32, #tpu.memory_space<vmem>> -> memref<128x128xf32, #tpu.memory_space<vmem>>
        tpu.wait_dma2 semaphore(%arg13 : memref<!tpu.dma_semaphore, #tpu.memory_space<semaphore_mem>>) src(%dma_wait3A_386 : memref<128x128xf32, #tpu.memory_space<vmem>>) dst(%dma_wait3A_382 : memref<128x128xf32, #tpu.memory_space<vmem_shared>>)
      } else {
      }
      %add3A_334 = arith.constant 2 : i32
      %add3A_335 = arith.addi %add3A_328, %add3A_334 : i32
      %lt3A_336 = arith.cmpi slt, %add3A_335, %select_n3A_165 : i32
      %convert_element_type3A_337 = arith.extui %lt3A_336 : i1 to i32
      %cond3A_338 = arith.constant 0 : i32
      %cond3A_339 = arith.cmpi ne, %convert_element_type3A_337, %cond3A_338 : i32
      scf.if %cond3A_339 {
        %add3A_372 = arith.constant 2 : i32
        %add3A_373 = arith.addi %add3A_328, %add3A_372 : i32
        %rem3A_374 = arith.constant 4 : i32
        %rem3A_375 = arith.remsi %add3A_373, %rem3A_374 : i32
        %add3A_376 = arith.addi %mul3A_160, %add3A_373 : i32
        %mul3A_377 = arith.constant 128 : i32
        %mul3A_378 = arith.muli %add3A_376, %mul3A_377 : i32
        %dma_start3A_379 = arith.constant 0 : i32
        %dma_start3A_380 = tpu.memref_slice %arg7[%rem3A_375, %dma_start3A_379] : memref<4x128xi32, #tpu.memory_space<vmem>> -> memref<1x128xi32, #tpu.memory_space<vmem>>
        %dma_start3A_381 = tpu.memref_squeeze %dma_start3A_380 : memref<1x128xi32, #tpu.memory_space<vmem>> -> memref<128xi32, #tpu.memory_space<vmem>>
        %dma_start3A_382 = tpu.memref_slice %arg3[%add3A_158, %mul3A_378] : memref<4x80000xi32, #tpu.memory_space<hbm>> -> memref<1x128xi32, #tpu.memory_space<hbm>>
        %dma_start3A_383 = tpu.memref_squeeze %dma_start3A_382 : memref<1x128xi32, #tpu.memory_space<hbm>> -> memref<128xi32, #tpu.memory_space<hbm>>
        %dma_start3A_384 = arith.constant 0 : i32
        %dma_start3A_385 = tpu.memref_slice %arg7[%rem3A_375, %dma_start3A_384] : memref<4x128xi32, #tpu.memory_space<vmem>> -> memref<1x128xi32, #tpu.memory_space<vmem>>
        %dma_start3A_386 = tpu.memref_squeeze %dma_start3A_385 : memref<1x128xi32, #tpu.memory_space<vmem>> -> memref<128xi32, #tpu.memory_space<vmem>>
        %dma_start3A_387 = tpu.memref_slice %arg3[%add3A_158, %mul3A_378] : memref<4x80000xi32, #tpu.memory_space<hbm>> -> memref<1x128xi32, #tpu.memory_space<hbm>>
        %dma_start3A_388 = tpu.memref_squeeze %dma_start3A_387 : memref<1x128xi32, #tpu.memory_space<hbm>> -> memref<128xi32, #tpu.memory_space<hbm>>
        tpu.enqueue_dma source(%dma_start3A_388 : memref<128xi32, #tpu.memory_space<hbm>>) target(%dma_start3A_386 : memref<128xi32, #tpu.memory_space<vmem>>) target_semaphore(%arg11 : memref<!tpu.dma_semaphore, #tpu.memory_space<semaphore_mem>>)
        %dma_start3A_389 = arith.constant 0 : i32
        %dma_start3A_390 = tpu.memref_slice %arg8[%rem3A_375, %dma_start3A_389] : memref<4x128xi32, #tpu.memory_space<vmem>> -> memref<1x128xi32, #tpu.memory_space<vmem>>
        %dma_start3A_391 = tpu.memref_squeeze %dma_start3A_390 : memref<1x128xi32, #tpu.memory_space<vmem>> -> memref<128xi32, #tpu.memory_space<vmem>>
        %dma_start3A_392 = tpu.memref_slice %arg4[%add3A_158, %mul3A_378] : memref<4x80000xi32, #tpu.memory_space<hbm>> -> memref<1x128xi32, #tpu.memory_space<hbm>>
        %dma_start3A_393 = tpu.memref_squeeze %dma_start3A_392 : memref<1x128xi32, #tpu.memory_space<hbm>> -> memref<128xi32, #tpu.memory_space<hbm>>
        %dma_start3A_394 = arith.constant 0 : i32
        %dma_start3A_395 = tpu.memref_slice %arg8[%rem3A_375, %dma_start3A_394] : memref<4x128xi32, #tpu.memory_space<vmem>> -> memref<1x128xi32, #tpu.memory_space<vmem>>
        %dma_start3A_396 = tpu.memref_squeeze %dma_start3A_395 : memref<1x128xi32, #tpu.memory_space<vmem>> -> memref<128xi32, #tpu.memory_space<vmem>>
        %dma_start3A_397 = tpu.memref_slice %arg4[%add3A_158, %mul3A_378] : memref<4x80000xi32, #tpu.memory_space<hbm>> -> memref<1x128xi32, #tpu.memory_space<hbm>>
        %dma_start3A_398 = tpu.memref_squeeze %dma_start3A_397 : memref<1x128xi32, #tpu.memory_space<hbm>> -> memref<128xi32, #tpu.memory_space<hbm>>
        tpu.enqueue_dma source(%dma_start3A_398 : memref<128xi32, #tpu.memory_space<hbm>>) target(%dma_start3A_396 : memref<128xi32, #tpu.memory_space<vmem>>) target_semaphore(%arg11 : memref<!tpu.dma_semaphore, #tpu.memory_space<semaphore_mem>>)
      } else {
      }
      %add3A_340 = arith.constant 1 : i32
      %add3A_341 = arith.addi %add3A_328, %add3A_340 : i32
      %lt3A_342 = arith.cmpi slt, %add3A_341, %select_n3A_165 : i32
      %convert_element_type3A_343 = arith.extui %lt3A_342 : i1 to i32
      %cond3A_344 = arith.constant 0 : i32
      %cond3A_345 = arith.cmpi ne, %convert_element_type3A_343, %cond3A_344 : i32
      scf.if %cond3A_345 {
        %dma_wait3A_372 = arith.constant 0 : i32
        %dma_wait3A_373 = arith.constant 0 : i32
        %dma_wait3A_374 = arith.constant 0 : i32
        %dma_wait3A_375 = tpu.memref_slice %arg7[%dma_wait3A_373, %dma_wait3A_374] : memref<4x128xi32, #tpu.memory_space<vmem>> -> memref<1x128xi32, #tpu.memory_space<vmem>>
        %dma_wait3A_376 = tpu.memref_squeeze %dma_wait3A_375 : memref<1x128xi32, #tpu.memory_space<vmem>> -> memref<128xi32, #tpu.memory_space<vmem>>
        %dma_wait3A_377 = arith.constant 0 : i32
        %dma_wait3A_378 = tpu.memref_slice %arg3[%dma_wait3A_372, %dma_wait3A_377] : memref<4x80000xi32, #tpu.memory_space<hbm>> -> memref<1x128xi32, #tpu.memory_space<hbm>>
        %dma_wait3A_379 = tpu.memref_squeeze %dma_wait3A_378 : memref<1x128xi32, #tpu.memory_space<hbm>> -> memref<128xi32, #tpu.memory_space<hbm>>
        %dma_wait3A_380 = arith.constant 0 : i32
        %dma_wait3A_381 = tpu.memref_slice %arg7[%dma_wait3A_373, %dma_wait3A_380] : memref<4x128xi32, #tpu.memory_space<vmem>> -> memref<1x128xi32, #tpu.memory_space<vmem>>
        %dma_wait3A_382 = tpu.memref_squeeze %dma_wait3A_381 : memref<1x128xi32, #tpu.memory_space<vmem>> -> memref<128xi32, #tpu.memory_space<vmem>>
        %dma_wait3A_383 = arith.constant 0 : i32
        %dma_wait3A_384 = tpu.memref_slice %arg3[%dma_wait3A_372, %dma_wait3A_383] : memref<4x80000xi32, #tpu.memory_space<hbm>> -> memref<1x128xi32, #tpu.memory_space<hbm>>
        %dma_wait3A_385 = tpu.memref_squeeze %dma_wait3A_384 : memref<1x128xi32, #tpu.memory_space<hbm>> -> memref<128xi32, #tpu.memory_space<hbm>>
        tpu.wait_dma2 semaphore(%arg11 : memref<!tpu.dma_semaphore, #tpu.memory_space<semaphore_mem>>) src(%dma_wait3A_385 : memref<128xi32, #tpu.memory_space<hbm>>) dst(%dma_wait3A_382 : memref<128xi32, #tpu.memory_space<vmem>>)
        %dma_wait3A_386 = arith.constant 0 : i32
        %dma_wait3A_387 = arith.constant 0 : i32
        %dma_wait3A_388 = arith.constant 0 : i32
        %dma_wait3A_389 = tpu.memref_slice %arg8[%dma_wait3A_387, %dma_wait3A_388] : memref<4x128xi32, #tpu.memory_space<vmem>> -> memref<1x128xi32, #tpu.memory_space<vmem>>
        %dma_wait3A_390 = tpu.memref_squeeze %dma_wait3A_389 : memref<1x128xi32, #tpu.memory_space<vmem>> -> memref<128xi32, #tpu.memory_space<vmem>>
        %dma_wait3A_391 = arith.constant 0 : i32
        %dma_wait3A_392 = tpu.memref_slice %arg4[%dma_wait3A_386, %dma_wait3A_391] : memref<4x80000xi32, #tpu.memory_space<hbm>> -> memref<1x128xi32, #tpu.memory_space<hbm>>
        %dma_wait3A_393 = tpu.memref_squeeze %dma_wait3A_392 : memref<1x128xi32, #tpu.memory_space<hbm>> -> memref<128xi32, #tpu.memory_space<hbm>>
        %dma_wait3A_394 = arith.constant 0 : i32
        %dma_wait3A_395 = tpu.memref_slice %arg8[%dma_wait3A_387, %dma_wait3A_394] : memref<4x128xi32, #tpu.memory_space<vmem>> -> memref<1x128xi32, #tpu.memory_space<vmem>>
        %dma_wait3A_396 = tpu.memref_squeeze %dma_wait3A_395 : memref<1x128xi32, #tpu.memory_space<vmem>> -> memref<128xi32, #tpu.memory_space<vmem>>
        %dma_wait3A_397 = arith.constant 0 : i32
        %dma_wait3A_398 = tpu.memref_slice %arg4[%dma_wait3A_386, %dma_wait3A_397] : memref<4x80000xi32, #tpu.memory_space<hbm>> -> memref<1x128xi32, #tpu.memory_space<hbm>>
        %dma_wait3A_399 = tpu.memref_squeeze %dma_wait3A_398 : memref<1x128xi32, #tpu.memory_space<hbm>> -> memref<128xi32, #tpu.memory_space<hbm>>
        tpu.wait_dma2 semaphore(%arg11 : memref<!tpu.dma_semaphore, #tpu.memory_space<semaphore_mem>>) src(%dma_wait3A_399 : memref<128xi32, #tpu.memory_space<hbm>>) dst(%dma_wait3A_396 : memref<128xi32, #tpu.memory_space<vmem>>)
        %add3A_400 = arith.constant 1 : i32
        %add3A_401 = arith.addi %add3A_328, %add3A_400 : i32
        %rem3A_402 = arith.constant 4 : i32
        %rem3A_403 = arith.remsi %add3A_401, %rem3A_402 : i32
        %rem3A_404 = arith.constant 3 : i32
        %rem3A_405 = arith.remsi %add3A_401, %rem3A_404 : i32
        %dma_start3A_406 = arith.constant 0 : i32
        %dma_start3A_407 = arith.constant 0 : i32
        %dma_start3A_408 = tpu.memref_slice %arg9[%rem3A_405, %dma_start3A_406, %dma_start3A_407] : memref<3x128x128xf32, #tpu.memory_space<vmem>> -> memref<1x128x128xf32, #tpu.memory_space<vmem>>
        %dma_start3A_409 = tpu.memref_squeeze %dma_start3A_408 : memref<1x128x128xf32, #tpu.memory_space<vmem>> -> memref<128x128xf32, #tpu.memory_space<vmem>>
        %dma_start3A_410 = arith.constant 0 : i32
        %dma_start3A_411 = tpu.memref_slice %arg7[%rem3A_403, %dma_start3A_410] : memref<4x128xi32, #tpu.memory_space<vmem>> -> memref<1x128xi32, #tpu.memory_space<vmem>>
        %dma_start3A_412 = tpu.memref_squeeze %dma_start3A_411 : memref<1x128xi32, #tpu.memory_space<vmem>> -> memref<128xi32, #tpu.memory_space<vmem>>
        %dma_start3A_413 = arith.constant 0 : i32
        %dma_start3A_414 = arith.constant 0 : i32
        %dma_start3A_415 = tpu.memref_slice %arg2[%dma_start3A_413, %dma_start3A_414] : memref<10000x128xf32, #tpu.memory_space<hbm>> -> memref<10000x128xf32, #tpu.memory_space<hbm>>
        tpu.enqueue_indirect_dma source(%dma_start3A_415 : memref<10000x128xf32, #tpu.memory_space<hbm>>) target(%dma_start3A_409 : memref<128x128xf32, #tpu.memory_space<vmem>>) offsets(%dma_start3A_412 : memref<128xi32, #tpu.memory_space<vmem>>) semaphore(%arg12 : memref<!tpu.dma_semaphore, #tpu.memory_space<semaphore_mem>>)
      } else {
      }
      %dma_wait3A_346 = arith.constant 0 : i32
      %dma_wait3A_347 = arith.constant 0 : i32
      %dma_wait3A_348 = arith.constant 0 : i32
      %dma_wait3A_349 = arith.constant 0 : i32
      %dma_wait3A_350 = tpu.memref_slice %arg9[%dma_wait3A_347, %dma_wait3A_348, %dma_wait3A_349] : memref<3x128x128xf32, #tpu.memory_space<vmem>> -> memref<1x128x128xf32, #tpu.memory_space<vmem>>
      %dma_wait3A_351 = tpu.memref_squeeze %dma_wait3A_350 : memref<1x128x128xf32, #tpu.memory_space<vmem>> -> memref<128x128xf32, #tpu.memory_space<vmem>>
      %dma_wait3A_352 = arith.constant 0 : i32
      %dma_wait3A_353 = tpu.memref_slice %arg7[%dma_wait3A_346, %dma_wait3A_352] : memref<4x128xi32, #tpu.memory_space<vmem>> -> memref<1x128xi32, #tpu.memory_space<vmem>>
      %dma_wait3A_354 = tpu.memref_squeeze %dma_wait3A_353 : memref<1x128xi32, #tpu.memory_space<vmem>> -> memref<128xi32, #tpu.memory_space<vmem>>
      %dma_wait3A_355 = arith.constant 0 : i32
      %dma_wait3A_356 = arith.constant 0 : i32
      %dma_wait3A_357 = tpu.memref_slice %arg2[%dma_wait3A_355, %dma_wait3A_356] : memref<10000x128xf32, #tpu.memory_space<hbm>> -> memref<10000x128xf32, #tpu.memory_space<hbm>>
      tpu.wait_indirect_dma semaphore(%arg12 : memref<!tpu.dma_semaphore, #tpu.memory_space<semaphore_mem>>) src(%dma_wait3A_357 : memref<10000x128xf32, #tpu.memory_space<hbm>>) dst(%dma_wait3A_351 : memref<128x128xf32, #tpu.memory_space<vmem>>)
      %rem3A_358 = arith.constant 3 : i32
      %rem3A_359 = arith.remsi %add3A_328, %rem3A_358 : i32
      %rem3A_360 = arith.constant 4 : i32
      %rem3A_361 = arith.remsi %add3A_328, %rem3A_360 : i32
      %dma_start3A_362 = arith.constant 0 : i32
      %dma_start3A_363 = arith.constant 0 : i32
      %dma_start3A_364 = tpu.memref_slice %arg9[%rem3A_359, %dma_start3A_362, %dma_start3A_363] : memref<3x128x128xf32, #tpu.memory_space<vmem>> -> memref<1x128x128xf32, #tpu.memory_space<vmem>>
      %dma_start3A_365 = tpu.memref_squeeze %dma_start3A_364 : memref<1x128x128xf32, #tpu.memory_space<vmem>> -> memref<128x128xf32, #tpu.memory_space<vmem>>
      %dma_start3A_366 = arith.constant 0 : i32
      %dma_start3A_367 = tpu.memref_slice %arg8[%rem3A_361, %dma_start3A_366] : memref<4x128xi32, #tpu.memory_space<vmem>> -> memref<1x128xi32, #tpu.memory_space<vmem>>
      %dma_start3A_368 = tpu.memref_squeeze %dma_start3A_367 : memref<1x128xi32, #tpu.memory_space<vmem>> -> memref<128xi32, #tpu.memory_space<vmem>>
      %dma_start3A_369 = arith.constant 0 : i32
      %dma_start3A_370 = arith.constant 0 : i32
      %dma_start3A_371 = tpu.memref_slice %arg10[%dma_start3A_369, %dma_start3A_370] : memref<10000x128xf32, #tpu.memory_space<vmem_shared>> -> memref<10000x128xf32, #tpu.memory_space<vmem_shared>>
      tpu.enqueue_indirect_dma source(%dma_start3A_365 : memref<128x128xf32, #tpu.memory_space<vmem>>) target(%dma_start3A_371 : memref<10000x128xf32, #tpu.memory_space<vmem_shared>>) offsets(%dma_start3A_368 : memref<128xi32, #tpu.memory_space<vmem>>) semaphore(%arg13 : memref<!tpu.dma_semaphore, #tpu.memory_space<semaphore_mem>>) {add = true}
    }
    %dma_wait3A_294 = arith.constant 0 : i32
    %dma_wait3A_295 = arith.constant 0 : i32
    %dma_wait3A_296 = arith.constant 0 : i32
    %dma_wait3A_297 = tpu.memref_slice %arg9[%dma_wait3A_294, %dma_wait3A_295, %dma_wait3A_296] : memref<3x128x128xf32, #tpu.memory_space<vmem>> -> memref<1x128x128xf32, #tpu.memory_space<vmem>>
    %dma_wait3A_298 = tpu.memref_squeeze %dma_wait3A_297 : memref<1x128x128xf32, #tpu.memory_space<vmem>> -> memref<128x128xf32, #tpu.memory_space<vmem>>
    %dma_wait3A_299 = arith.constant 0 : i32
    %dma_wait3A_300 = arith.constant 0 : i32
    %dma_wait3A_301 = tpu.memref_slice %arg10[%dma_wait3A_299, %dma_wait3A_300] : memref<10000x128xf32, #tpu.memory_space<vmem_shared>> -> memref<128x128xf32, #tpu.memory_space<vmem_shared>>
    %dma_wait3A_302 = arith.constant 0 : i32
    %dma_wait3A_303 = arith.constant 0 : i32
    %dma_wait3A_304 = tpu.memref_slice %arg10[%dma_wait3A_302, %dma_wait3A_303] : memref<10000x128xf32, #tpu.memory_space<vmem_shared>> -> memref<128x128xf32, #tpu.memory_space<vmem_shared>>
    %dma_wait3A_305 = arith.constant 0 : i32
    %dma_wait3A_306 = arith.constant 0 : i32
    %dma_wait3A_307 = tpu.memref_slice %arg9[%dma_wait3A_294, %dma_wait3A_305, %dma_wait3A_306] : memref<3x128x128xf32, #tpu.memory_space<vmem>> -> memref<1x128x128xf32, #tpu.memory_space<vmem>>
    %dma_wait3A_308 = tpu.memref_squeeze %dma_wait3A_307 : memref<1x128x128xf32, #tpu.memory_space<vmem>> -> memref<128x128xf32, #tpu.memory_space<vmem>>
    tpu.wait_dma2 semaphore(%arg13 : memref<!tpu.dma_semaphore, #tpu.memory_space<semaphore_mem>>) src(%dma_wait3A_308 : memref<128x128xf32, #tpu.memory_space<vmem>>) dst(%dma_wait3A_304 : memref<128x128xf32, #tpu.memory_space<vmem_shared>>)
    %ge3A_309 = arith.constant 2 : i32
    %ge3A_310 = arith.cmpi sge, %select_n3A_165, %ge3A_309 : i32
    %convert_element_type3A_311 = arith.extui %ge3A_310 : i1 to i32
    %cond3A_312 = arith.constant 0 : i32
    %cond3A_313 = arith.cmpi ne, %convert_element_type3A_311, %cond3A_312 : i32
    scf.if %cond3A_313 {
      %dma_wait3A_326 = arith.constant 0 : i32
      %dma_wait3A_327 = arith.constant 0 : i32
      %dma_wait3A_328 = arith.constant 0 : i32
      %dma_wait3A_329 = tpu.memref_slice %arg9[%dma_wait3A_326, %dma_wait3A_327, %dma_wait3A_328] : memref<3x128x128xf32, #tpu.memory_space<vmem>> -> memref<1x128x128xf32, #tpu.memory_space<vmem>>
      %dma_wait3A_330 = tpu.memref_squeeze %dma_wait3A_329 : memref<1x128x128xf32, #tpu.memory_space<vmem>> -> memref<128x128xf32, #tpu.memory_space<vmem>>
      %dma_wait3A_331 = arith.constant 0 : i32
      %dma_wait3A_332 = arith.constant 0 : i32
      %dma_wait3A_333 = tpu.memref_slice %arg10[%dma_wait3A_331, %dma_wait3A_332] : memref<10000x128xf32, #tpu.memory_space<vmem_shared>> -> memref<128x128xf32, #tpu.memory_space<vmem_shared>>
      %dma_wait3A_334 = arith.constant 0 : i32
      %dma_wait3A_335 = arith.constant 0 : i32
      %dma_wait3A_336 = tpu.memref_slice %arg10[%dma_wait3A_334, %dma_wait3A_335] : memref<10000x128xf32, #tpu.memory_space<vmem_shared>> -> memref<128x128xf32, #tpu.memory_space<vmem_shared>>
      %dma_wait3A_337 = arith.constant 0 : i32
      %dma_wait3A_338 = arith.constant 0 : i32
      %dma_wait3A_339 = tpu.memref_slice %arg9[%dma_wait3A_326, %dma_wait3A_337, %dma_wait3A_338] : memref<3x128x128xf32, #tpu.memory_space<vmem>> -> memref<1x128x128xf32, #tpu.memory_space<vmem>>
      %dma_wait3A_340 = tpu.memref_squeeze %dma_wait3A_339 : memref<1x128x128xf32, #tpu.memory_space<vmem>> -> memref<128x128xf32, #tpu.memory_space<vmem>>
      tpu.wait_dma2 semaphore(%arg13 : memref<!tpu.dma_semaphore, #tpu.memory_space<semaphore_mem>>) src(%dma_wait3A_340 : memref<128x128xf32, #tpu.memory_space<vmem>>) dst(%dma_wait3A_336 : memref<128x128xf32, #tpu.memory_space<vmem_shared>>)
    } else {
    }
    %barrier3A_314 = arith.constant 0 : index
    tpu.barrier barrier_id(%barrier3A_314)
    %lt3A_315 = arith.constant 15 : i32
    %lt3A_316 = arith.cmpi slt, %arg1, %lt3A_315 : i32
    %convert_element_type3A_317 = arith.extui %lt3A_316 : i1 to i32
    %cond3A_318 = arith.constant 0 : i32
    %cond3A_319 = arith.cmpi ne, %convert_element_type3A_317, %cond3A_318 : i32
    scf.if %cond3A_319 {
      %mul3A_326 = arith.constant 624 : i32
      %mul3A_327 = arith.muli %arg1, %mul3A_326 : i32
      %mul3A_328 = arith.constant 624 : i32
      %mul3A_329 = arith.muli %arg1, %mul3A_328 : i32
      "tpu.region"() ({
        %run_scoped3A = tpu.sem_alloc : memref<!tpu.dma_semaphore, #tpu.memory_space<semaphore_mem>>
        %dma_start3A_330 = arith.constant 0 : i32
        %dma_start3A_331 = tpu.memref_slice %arg6[%add3A_158, %mul3A_329, %dma_start3A_330] : memref<4x10000x128xf32, #tpu.memory_space<hbm>> -> memref<1x624x128xf32, #tpu.memory_space<hbm>>
        %dma_start3A_332 = tpu.memref_squeeze %dma_start3A_331 : memref<1x624x128xf32, #tpu.memory_space<hbm>> -> memref<624x128xf32, #tpu.memory_space<hbm>>
        %dma_start3A_333 = arith.constant 0 : i32
        %dma_start3A_334 = tpu.memref_slice %arg10[%mul3A_327, %dma_start3A_333] : memref<10000x128xf32, #tpu.memory_space<vmem_shared>> -> memref<624x128xf32, #tpu.memory_space<vmem_shared>>
        tpu.enqueue_dma source(%dma_start3A_334 : memref<624x128xf32, #tpu.memory_space<vmem_shared>>) target(%dma_start3A_332 : memref<624x128xf32, #tpu.memory_space<hbm>>) target_semaphore(%run_scoped3A : memref<!tpu.dma_semaphore, #tpu.memory_space<semaphore_mem>>)
        %dma_wait3A_335 = arith.constant 0 : i32
        %dma_wait3A_336 = tpu.memref_slice %arg6[%add3A_158, %mul3A_329, %dma_wait3A_335] : memref<4x10000x128xf32, #tpu.memory_space<hbm>> -> memref<1x624x128xf32, #tpu.memory_space<hbm>>
        %dma_wait3A_337 = tpu.memref_squeeze %dma_wait3A_336 : memref<1x624x128xf32, #tpu.memory_space<hbm>> -> memref<624x128xf32, #tpu.memory_space<hbm>>
        %dma_wait3A_338 = arith.constant 0 : i32
        %dma_wait3A_339 = tpu.memref_slice %arg10[%mul3A_327, %dma_wait3A_338] : memref<10000x128xf32, #tpu.memory_space<vmem_shared>> -> memref<624x128xf32, #tpu.memory_space<vmem_shared>>
        tpu.wait_dma2 semaphore(%run_scoped3A : memref<!tpu.dma_semaphore, #tpu.memory_space<semaphore_mem>>) src(%dma_wait3A_339 : memref<624x128xf32, #tpu.memory_space<vmem_shared>>) dst(%dma_wait3A_337 : memref<624x128xf32, #tpu.memory_space<hbm>>)
        tpu.yield
      }) : () -> ()
    } else {
    }
    %eq3A_320 = arith.constant 15 : i32
    %eq3A_321 = arith.cmpi eq, %arg1, %eq3A_320 : i32
    %convert_element_type3A_322 = arith.extui %eq3A_321 : i1 to i32
    %cond3A_323 = arith.constant 0 : i32
    %cond3A_324 = arith.cmpi ne, %convert_element_type3A_322, %cond3A_323 : i32
    scf.if %cond3A_324 {
      "tpu.region"() ({
        %run_scoped3A = tpu.sem_alloc : memref<!tpu.dma_semaphore, #tpu.memory_space<semaphore_mem>>
        %dma_start3A_326 = arith.constant 9360 : i32
        %dma_start3A_327 = arith.constant 0 : i32
        %dma_start3A_328 = tpu.memref_slice %arg6[%add3A_158, %dma_start3A_326, %dma_start3A_327] : memref<4x10000x128xf32, #tpu.memory_space<hbm>> -> memref<1x640x128xf32, #tpu.memory_space<hbm>>
        %dma_start3A_329 = tpu.memref_squeeze %dma_start3A_328 : memref<1x640x128xf32, #tpu.memory_space<hbm>> -> memref<640x128xf32, #tpu.memory_space<hbm>>
        %dma_start3A_330 = arith.constant 9360 : i32
        %dma_start3A_331 = arith.constant 0 : i32
        %dma_start3A_332 = tpu.memref_slice %arg10[%dma_start3A_330, %dma_start3A_331] : memref<10000x128xf32, #tpu.memory_space<vmem_shared>> -> memref<640x128xf32, #tpu.memory_space<vmem_shared>>
        tpu.enqueue_dma source(%dma_start3A_332 : memref<640x128xf32, #tpu.memory_space<vmem_shared>>) target(%dma_start3A_329 : memref<640x128xf32, #tpu.memory_space<hbm>>) target_semaphore(%run_scoped3A : memref<!tpu.dma_semaphore, #tpu.memory_space<semaphore_mem>>)
        %dma_wait3A_333 = arith.constant 9360 : i32
        %dma_wait3A_334 = arith.constant 0 : i32
        %dma_wait3A_335 = tpu.memref_slice %arg6[%add3A_158, %dma_wait3A_333, %dma_wait3A_334] : memref<4x10000x128xf32, #tpu.memory_space<hbm>> -> memref<1x640x128xf32, #tpu.memory_space<hbm>>
        %dma_wait3A_336 = tpu.memref_squeeze %dma_wait3A_335 : memref<1x640x128xf32, #tpu.memory_space<hbm>> -> memref<640x128xf32, #tpu.memory_space<hbm>>
        %dma_wait3A_337 = arith.constant 9360 : i32
        %dma_wait3A_338 = arith.constant 0 : i32
        %dma_wait3A_339 = tpu.memref_slice %arg10[%dma_wait3A_337, %dma_wait3A_338] : memref<10000x128xf32, #tpu.memory_space<vmem_shared>> -> memref<640x128xf32, #tpu.memory_space<vmem_shared>>
        tpu.wait_dma2 semaphore(%run_scoped3A : memref<!tpu.dma_semaphore, #tpu.memory_space<semaphore_mem>>) src(%dma_wait3A_339 : memref<640x128xf32, #tpu.memory_space<vmem_shared>>) dst(%dma_wait3A_336 : memref<640x128xf32, #tpu.memory_space<hbm>>)
        tpu.yield
      }) : () -> ()
    } else {
    }
    %barrier3A_325 = arith.constant 0 : index
    tpu.barrier barrier_id(%barrier3A_325)
    return
  }
}

#map = affine_map<(d0, d1) -> (0, 0)>
#map1 = affine_map<(d0, d1) -> (0)>
module attributes {stable_mosaic.version = 14 : i64} {
  func.func @gat(%arg0: i32, %arg1: i32, %arg2: memref<10000x128xf32, #tpu.memory_space<hbm>>, %arg3: memref<32768xi32, #tpu.memory_space<hbm>>, %arg4: memref<32768x128xf32, #tpu.memory_space<hbm>>, %arg5: memref<1024xi32, #tpu.memory_space<vmem>>, %arg6: memref<4x128x128xf32, #tpu.memory_space<vmem>>, %arg7: memref<!tpu.dma_semaphore, #tpu.memory_space<semaphore_mem>>, %arg8: memref<!tpu.dma_semaphore, #tpu.memory_space<semaphore_mem>>) attributes {dimension_semantics = [#tpu.dimension_semantics<core_parallel>, #tpu.dimension_semantics<subcore_parallel>], iteration_bounds = array<i64: 2, 16>, scalar_prefetch = 0 : i64, scratch_operands = 4 : i64, tpu.core_type = #tpu.core_type<sc_vector_subcore>, window_params = [{transform_indices = #map}, {transform_indices = #map1}, {transform_indices = #map}]} {
    %mul3A = arith.constant 2 : i32
    %mul3A_0 = arith.muli %arg1, %mul3A : i32
    %add3A = arith.addi %mul3A_0, %arg0 : i32
    %mul3A_1 = arith.constant 8 : i32
    %mul3A_2 = arith.muli %add3A, %mul3A_1 : i32
    %mul3A_3 = arith.constant 128 : i32
    %mul3A_4 = arith.muli %mul3A_2, %mul3A_3 : i32
    "tpu.region"() ({
      %run_scoped3A = tpu.sem_alloc : memref<!tpu.dma_semaphore, #tpu.memory_space<semaphore_mem>>
      %dma_start3A_419 = tpu.memref_slice %arg3[%mul3A_4] : memref<32768xi32, #tpu.memory_space<hbm>> -> memref<1024xi32, #tpu.memory_space<hbm>>
      %dma_start3A_420 = tpu.memref_slice %arg3[%mul3A_4] : memref<32768xi32, #tpu.memory_space<hbm>> -> memref<1024xi32, #tpu.memory_space<hbm>>
      tpu.enqueue_dma source(%dma_start3A_420 : memref<1024xi32, #tpu.memory_space<hbm>>) target(%arg5 : memref<1024xi32, #tpu.memory_space<vmem>>) target_semaphore(%run_scoped3A : memref<!tpu.dma_semaphore, #tpu.memory_space<semaphore_mem>>)
      %dma_wait3A_421 = tpu.memref_slice %arg3[%mul3A_4] : memref<32768xi32, #tpu.memory_space<hbm>> -> memref<1024xi32, #tpu.memory_space<hbm>>
      %dma_wait3A_422 = tpu.memref_slice %arg3[%mul3A_4] : memref<32768xi32, #tpu.memory_space<hbm>> -> memref<1024xi32, #tpu.memory_space<hbm>>
      tpu.wait_dma2 semaphore(%run_scoped3A : memref<!tpu.dma_semaphore, #tpu.memory_space<semaphore_mem>>) src(%dma_wait3A_422 : memref<1024xi32, #tpu.memory_space<hbm>>) dst(%arg5 : memref<1024xi32, #tpu.memory_space<vmem>>)
      tpu.yield
    }) : () -> ()
    %dma_start3A = arith.constant 0 : i32
    %dma_start3A_5 = arith.constant 0 : i32
    %dma_start3A_6 = arith.constant 0 : i32
    %dma_start3A_7 = tpu.memref_slice %arg6[%dma_start3A, %dma_start3A_5, %dma_start3A_6] : memref<4x128x128xf32, #tpu.memory_space<vmem>> -> memref<1x128x128xf32, #tpu.memory_space<vmem>>
    %dma_start3A_8 = tpu.memref_squeeze %dma_start3A_7 : memref<1x128x128xf32, #tpu.memory_space<vmem>> -> memref<128x128xf32, #tpu.memory_space<vmem>>
    %dma_start3A_9 = arith.constant 0 : i32
    %dma_start3A_10 = tpu.memref_slice %arg5[%dma_start3A_9] : memref<1024xi32, #tpu.memory_space<vmem>> -> memref<128xi32, #tpu.memory_space<vmem>>
    %dma_start3A_11 = arith.constant 0 : i32
    %dma_start3A_12 = arith.constant 0 : i32
    %dma_start3A_13 = tpu.memref_slice %arg2[%dma_start3A_11, %dma_start3A_12] : memref<10000x128xf32, #tpu.memory_space<hbm>> -> memref<10000x128xf32, #tpu.memory_space<hbm>>
    tpu.enqueue_indirect_dma source(%dma_start3A_13 : memref<10000x128xf32, #tpu.memory_space<hbm>>) target(%dma_start3A_8 : memref<128x128xf32, #tpu.memory_space<vmem>>) offsets(%dma_start3A_10 : memref<128xi32, #tpu.memory_space<vmem>>) semaphore(%arg7 : memref<!tpu.dma_semaphore, #tpu.memory_space<semaphore_mem>>)
    %dma_start3A_14 = arith.constant 1 : i32
    %dma_start3A_15 = arith.constant 0 : i32
    %dma_start3A_16 = arith.constant 0 : i32
    %dma_start3A_17 = tpu.memref_slice %arg6[%dma_start3A_14, %dma_start3A_15, %dma_start3A_16] : memref<4x128x128xf32, #tpu.memory_space<vmem>> -> memref<1x128x128xf32, #tpu.memory_space<vmem>>
    %dma_start3A_18 = tpu.memref_squeeze %dma_start3A_17 : memref<1x128x128xf32, #tpu.memory_space<vmem>> -> memref<128x128xf32, #tpu.memory_space<vmem>>
    %dma_start3A_19 = arith.constant 128 : i32
    %dma_start3A_20 = tpu.memref_slice %arg5[%dma_start3A_19] : memref<1024xi32, #tpu.memory_space<vmem>> -> memref<128xi32, #tpu.memory_space<vmem>>
    %dma_start3A_21 = arith.constant 0 : i32
    %dma_start3A_22 = arith.constant 0 : i32
    %dma_start3A_23 = tpu.memref_slice %arg2[%dma_start3A_21, %dma_start3A_22] : memref<10000x128xf32, #tpu.memory_space<hbm>> -> memref<10000x128xf32, #tpu.memory_space<hbm>>
    tpu.enqueue_indirect_dma source(%dma_start3A_23 : memref<10000x128xf32, #tpu.memory_space<hbm>>) target(%dma_start3A_18 : memref<128x128xf32, #tpu.memory_space<vmem>>) offsets(%dma_start3A_20 : memref<128xi32, #tpu.memory_space<vmem>>) semaphore(%arg7 : memref<!tpu.dma_semaphore, #tpu.memory_space<semaphore_mem>>)
    %dma_start3A_24 = arith.constant 2 : i32
    %dma_start3A_25 = arith.constant 0 : i32
    %dma_start3A_26 = arith.constant 0 : i32
    %dma_start3A_27 = tpu.memref_slice %arg6[%dma_start3A_24, %dma_start3A_25, %dma_start3A_26] : memref<4x128x128xf32, #tpu.memory_space<vmem>> -> memref<1x128x128xf32, #tpu.memory_space<vmem>>
    %dma_start3A_28 = tpu.memref_squeeze %dma_start3A_27 : memref<1x128x128xf32, #tpu.memory_space<vmem>> -> memref<128x128xf32, #tpu.memory_space<vmem>>
    %dma_start3A_29 = arith.constant 256 : i32
    %dma_start3A_30 = tpu.memref_slice %arg5[%dma_start3A_29] : memref<1024xi32, #tpu.memory_space<vmem>> -> memref<128xi32, #tpu.memory_space<vmem>>
    %dma_start3A_31 = arith.constant 0 : i32
    %dma_start3A_32 = arith.constant 0 : i32
    %dma_start3A_33 = tpu.memref_slice %arg2[%dma_start3A_31, %dma_start3A_32] : memref<10000x128xf32, #tpu.memory_space<hbm>> -> memref<10000x128xf32, #tpu.memory_space<hbm>>
    tpu.enqueue_indirect_dma source(%dma_start3A_33 : memref<10000x128xf32, #tpu.memory_space<hbm>>) target(%dma_start3A_28 : memref<128x128xf32, #tpu.memory_space<vmem>>) offsets(%dma_start3A_30 : memref<128xi32, #tpu.memory_space<vmem>>) semaphore(%arg7 : memref<!tpu.dma_semaphore, #tpu.memory_space<semaphore_mem>>)
    %dma_wait3A = arith.constant 0 : i32
    %dma_wait3A_34 = arith.constant 0 : i32
    %dma_wait3A_35 = arith.constant 0 : i32
    %dma_wait3A_36 = tpu.memref_slice %arg6[%dma_wait3A, %dma_wait3A_34, %dma_wait3A_35] : memref<4x128x128xf32, #tpu.memory_space<vmem>> -> memref<1x128x128xf32, #tpu.memory_space<vmem>>
    %dma_wait3A_37 = tpu.memref_squeeze %dma_wait3A_36 : memref<1x128x128xf32, #tpu.memory_space<vmem>> -> memref<128x128xf32, #tpu.memory_space<vmem>>
    %dma_wait3A_38 = arith.constant 0 : i32
    %dma_wait3A_39 = tpu.memref_slice %arg5[%dma_wait3A_38] : memref<1024xi32, #tpu.memory_space<vmem>> -> memref<128xi32, #tpu.memory_space<vmem>>
    %dma_wait3A_40 = arith.constant 0 : i32
    %dma_wait3A_41 = arith.constant 0 : i32
    %dma_wait3A_42 = tpu.memref_slice %arg2[%dma_wait3A_40, %dma_wait3A_41] : memref<10000x128xf32, #tpu.memory_space<hbm>> -> memref<10000x128xf32, #tpu.memory_space<hbm>>
    tpu.wait_indirect_dma semaphore(%arg7 : memref<!tpu.dma_semaphore, #tpu.memory_space<semaphore_mem>>) src(%dma_wait3A_42 : memref<10000x128xf32, #tpu.memory_space<hbm>>) dst(%dma_wait3A_37 : memref<128x128xf32, #tpu.memory_space<vmem>>)
    %mul3A_43 = arith.constant 8 : i32
    %mul3A_44 = arith.muli %add3A, %mul3A_43 : i32
    %add3A_45 = arith.constant 0 : i32
    %add3A_46 = arith.addi %mul3A_44, %add3A_45 : i32
    %mul3A_47 = arith.constant 128 : i32
    %mul3A_48 = arith.muli %add3A_46, %mul3A_47 : i32
    %dma_start3A_49 = arith.constant 0 : i32
    %dma_start3A_50 = arith.constant 0 : i32
    %dma_start3A_51 = arith.constant 0 : i32
    %dma_start3A_52 = tpu.memref_slice %arg6[%dma_start3A_49, %dma_start3A_50, %dma_start3A_51] : memref<4x128x128xf32, #tpu.memory_space<vmem>> -> memref<1x128x128xf32, #tpu.memory_space<vmem>>
    %dma_start3A_53 = tpu.memref_squeeze %dma_start3A_52 : memref<1x128x128xf32, #tpu.memory_space<vmem>> -> memref<128x128xf32, #tpu.memory_space<vmem>>
    %dma_start3A_54 = arith.constant 0 : i32
    %dma_start3A_55 = tpu.memref_slice %arg4[%mul3A_48, %dma_start3A_54] : memref<32768x128xf32, #tpu.memory_space<hbm>> -> memref<128x128xf32, #tpu.memory_space<hbm>>
    %dma_start3A_56 = arith.constant 0 : i32
    %dma_start3A_57 = tpu.memref_slice %arg4[%mul3A_48, %dma_start3A_56] : memref<32768x128xf32, #tpu.memory_space<hbm>> -> memref<128x128xf32, #tpu.memory_space<hbm>>
    %dma_start3A_58 = arith.constant 0 : i32
    %dma_start3A_59 = arith.constant 0 : i32
    %dma_start3A_60 = tpu.memref_slice %arg6[%dma_start3A_49, %dma_start3A_58, %dma_start3A_59] : memref<4x128x128xf32, #tpu.memory_space<vmem>> -> memref<1x128x128xf32, #tpu.memory_space<vmem>>
    %dma_start3A_61 = tpu.memref_squeeze %dma_start3A_60 : memref<1x128x128xf32, #tpu.memory_space<vmem>> -> memref<128x128xf32, #tpu.memory_space<vmem>>
    tpu.enqueue_dma source(%dma_start3A_61 : memref<128x128xf32, #tpu.memory_space<vmem>>) target(%dma_start3A_57 : memref<128x128xf32, #tpu.memory_space<hbm>>) target_semaphore(%arg8 : memref<!tpu.dma_semaphore, #tpu.memory_space<semaphore_mem>>)
    %dma_start3A_62 = arith.constant 3 : i32
    %dma_start3A_63 = arith.constant 0 : i32
    %dma_start3A_64 = arith.constant 0 : i32
    %dma_start3A_65 = tpu.memref_slice %arg6[%dma_start3A_62, %dma_start3A_63, %dma_start3A_64] : memref<4x128x128xf32, #tpu.memory_space<vmem>> -> memref<1x128x128xf32, #tpu.memory_space<vmem>>
    %dma_start3A_66 = tpu.memref_squeeze %dma_start3A_65 : memref<1x128x128xf32, #tpu.memory_space<vmem>> -> memref<128x128xf32, #tpu.memory_space<vmem>>
    %dma_start3A_67 = arith.constant 384 : i32
    %dma_start3A_68 = tpu.memref_slice %arg5[%dma_start3A_67] : memref<1024xi32, #tpu.memory_space<vmem>> -> memref<128xi32, #tpu.memory_space<vmem>>
    %dma_start3A_69 = arith.constant 0 : i32
    %dma_start3A_70 = arith.constant 0 : i32
    %dma_start3A_71 = tpu.memref_slice %arg2[%dma_start3A_69, %dma_start3A_70] : memref<10000x128xf32, #tpu.memory_space<hbm>> -> memref<10000x128xf32, #tpu.memory_space<hbm>>
    tpu.enqueue_indirect_dma source(%dma_start3A_71 : memref<10000x128xf32, #tpu.memory_space<hbm>>) target(%dma_start3A_66 : memref<128x128xf32, #tpu.memory_space<vmem>>) offsets(%dma_start3A_68 : memref<128xi32, #tpu.memory_space<vmem>>) semaphore(%arg7 : memref<!tpu.dma_semaphore, #tpu.memory_space<semaphore_mem>>)
    %dma_wait3A_72 = arith.constant 1 : i32
    %dma_wait3A_73 = arith.constant 0 : i32
    %dma_wait3A_74 = arith.constant 0 : i32
    %dma_wait3A_75 = tpu.memref_slice %arg6[%dma_wait3A_72, %dma_wait3A_73, %dma_wait3A_74] : memref<4x128x128xf32, #tpu.memory_space<vmem>> -> memref<1x128x128xf32, #tpu.memory_space<vmem>>
    %dma_wait3A_76 = tpu.memref_squeeze %dma_wait3A_75 : memref<1x128x128xf32, #tpu.memory_space<vmem>> -> memref<128x128xf32, #tpu.memory_space<vmem>>
    %dma_wait3A_77 = arith.constant 128 : i32
    %dma_wait3A_78 = tpu.memref_slice %arg5[%dma_wait3A_77] : memref<1024xi32, #tpu.memory_space<vmem>> -> memref<128xi32, #tpu.memory_space<vmem>>
    %dma_wait3A_79 = arith.constant 0 : i32
    %dma_wait3A_80 = arith.constant 0 : i32
    %dma_wait3A_81 = tpu.memref_slice %arg2[%dma_wait3A_79, %dma_wait3A_80] : memref<10000x128xf32, #tpu.memory_space<hbm>> -> memref<10000x128xf32, #tpu.memory_space<hbm>>
    tpu.wait_indirect_dma semaphore(%arg7 : memref<!tpu.dma_semaphore, #tpu.memory_space<semaphore_mem>>) src(%dma_wait3A_81 : memref<10000x128xf32, #tpu.memory_space<hbm>>) dst(%dma_wait3A_76 : memref<128x128xf32, #tpu.memory_space<vmem>>)
    %mul3A_82 = arith.constant 8 : i32
    %mul3A_83 = arith.muli %add3A, %mul3A_82 : i32
    %add3A_84 = arith.constant 1 : i32
    %add3A_85 = arith.addi %mul3A_83, %add3A_84 : i32
    %mul3A_86 = arith.constant 128 : i32
    %mul3A_87 = arith.muli %add3A_85, %mul3A_86 : i32
    %dma_start3A_88 = arith.constant 1 : i32
    %dma_start3A_89 = arith.constant 0 : i32
    %dma_start3A_90 = arith.constant 0 : i32
    %dma_start3A_91 = tpu.memref_slice %arg6[%dma_start3A_88, %dma_start3A_89, %dma_start3A_90] : memref<4x128x128xf32, #tpu.memory_space<vmem>> -> memref<1x128x128xf32, #tpu.memory_space<vmem>>
    %dma_start3A_92 = tpu.memref_squeeze %dma_start3A_91 : memref<1x128x128xf32, #tpu.memory_space<vmem>> -> memref<128x128xf32, #tpu.memory_space<vmem>>
    %dma_start3A_93 = arith.constant 0 : i32
    %dma_start3A_94 = tpu.memref_slice %arg4[%mul3A_87, %dma_start3A_93] : memref<32768x128xf32, #tpu.memory_space<hbm>> -> memref<128x128xf32, #tpu.memory_space<hbm>>
    %dma_start3A_95 = arith.constant 0 : i32
    %dma_start3A_96 = tpu.memref_slice %arg4[%mul3A_87, %dma_start3A_95] : memref<32768x128xf32, #tpu.memory_space<hbm>> -> memref<128x128xf32, #tpu.memory_space<hbm>>
    %dma_start3A_97 = arith.constant 0 : i32
    %dma_start3A_98 = arith.constant 0 : i32
    %dma_start3A_99 = tpu.memref_slice %arg6[%dma_start3A_88, %dma_start3A_97, %dma_start3A_98] : memref<4x128x128xf32, #tpu.memory_space<vmem>> -> memref<1x128x128xf32, #tpu.memory_space<vmem>>
    %dma_start3A_100 = tpu.memref_squeeze %dma_start3A_99 : memref<1x128x128xf32, #tpu.memory_space<vmem>> -> memref<128x128xf32, #tpu.memory_space<vmem>>
    tpu.enqueue_dma source(%dma_start3A_100 : memref<128x128xf32, #tpu.memory_space<vmem>>) target(%dma_start3A_96 : memref<128x128xf32, #tpu.memory_space<hbm>>) target_semaphore(%arg8 : memref<!tpu.dma_semaphore, #tpu.memory_space<semaphore_mem>>)
    %dma_wait3A_101 = arith.constant 0 : i32
    %dma_wait3A_102 = arith.constant 0 : i32
    %dma_wait3A_103 = arith.constant 0 : i32
    %dma_wait3A_104 = tpu.memref_slice %arg6[%dma_wait3A_101, %dma_wait3A_102, %dma_wait3A_103] : memref<4x128x128xf32, #tpu.memory_space<vmem>> -> memref<1x128x128xf32, #tpu.memory_space<vmem>>
    %dma_wait3A_105 = tpu.memref_squeeze %dma_wait3A_104 : memref<1x128x128xf32, #tpu.memory_space<vmem>> -> memref<128x128xf32, #tpu.memory_space<vmem>>
    %dma_wait3A_106 = arith.constant 0 : i32
    %dma_wait3A_107 = tpu.memref_slice %arg4[%mul3A_48, %dma_wait3A_106] : memref<32768x128xf32, #tpu.memory_space<hbm>> -> memref<128x128xf32, #tpu.memory_space<hbm>>
    %dma_wait3A_108 = arith.constant 0 : i32
    %dma_wait3A_109 = tpu.memref_slice %arg4[%mul3A_48, %dma_wait3A_108] : memref<32768x128xf32, #tpu.memory_space<hbm>> -> memref<128x128xf32, #tpu.memory_space<hbm>>
    %dma_wait3A_110 = arith.constant 0 : i32
    %dma_wait3A_111 = arith.constant 0 : i32
    %dma_wait3A_112 = tpu.memref_slice %arg6[%dma_wait3A_101, %dma_wait3A_110, %dma_wait3A_111] : memref<4x128x128xf32, #tpu.memory_space<vmem>> -> memref<1x128x128xf32, #tpu.memory_space<vmem>>
    %dma_wait3A_113 = tpu.memref_squeeze %dma_wait3A_112 : memref<1x128x128xf32, #tpu.memory_space<vmem>> -> memref<128x128xf32, #tpu.memory_space<vmem>>
    tpu.wait_dma2 semaphore(%arg8 : memref<!tpu.dma_semaphore, #tpu.memory_space<semaphore_mem>>) src(%dma_wait3A_113 : memref<128x128xf32, #tpu.memory_space<vmem>>) dst(%dma_wait3A_109 : memref<128x128xf32, #tpu.memory_space<hbm>>)
    %dma_start3A_114 = arith.constant 0 : i32
    %dma_start3A_115 = arith.constant 0 : i32
    %dma_start3A_116 = arith.constant 0 : i32
    %dma_start3A_117 = tpu.memref_slice %arg6[%dma_start3A_114, %dma_start3A_115, %dma_start3A_116] : memref<4x128x128xf32, #tpu.memory_space<vmem>> -> memref<1x128x128xf32, #tpu.memory_space<vmem>>
    %dma_start3A_118 = tpu.memref_squeeze %dma_start3A_117 : memref<1x128x128xf32, #tpu.memory_space<vmem>> -> memref<128x128xf32, #tpu.memory_space<vmem>>
    %dma_start3A_119 = arith.constant 512 : i32
    %dma_start3A_120 = tpu.memref_slice %arg5[%dma_start3A_119] : memref<1024xi32, #tpu.memory_space<vmem>> -> memref<128xi32, #tpu.memory_space<vmem>>
    %dma_start3A_121 = arith.constant 0 : i32
    %dma_start3A_122 = arith.constant 0 : i32
    %dma_start3A_123 = tpu.memref_slice %arg2[%dma_start3A_121, %dma_start3A_122] : memref<10000x128xf32, #tpu.memory_space<hbm>> -> memref<10000x128xf32, #tpu.memory_space<hbm>>
    tpu.enqueue_indirect_dma source(%dma_start3A_123 : memref<10000x128xf32, #tpu.memory_space<hbm>>) target(%dma_start3A_118 : memref<128x128xf32, #tpu.memory_space<vmem>>) offsets(%dma_start3A_120 : memref<128xi32, #tpu.memory_space<vmem>>) semaphore(%arg7 : memref<!tpu.dma_semaphore, #tpu.memory_space<semaphore_mem>>)
    %dma_wait3A_124 = arith.constant 2 : i32
    %dma_wait3A_125 = arith.constant 0 : i32
    %dma_wait3A_126 = arith.constant 0 : i32
    %dma_wait3A_127 = tpu.memref_slice %arg6[%dma_wait3A_124, %dma_wait3A_125, %dma_wait3A_126] : memref<4x128x128xf32, #tpu.memory_space<vmem>> -> memref<1x128x128xf32, #tpu.memory_space<vmem>>
    %dma_wait3A_128 = tpu.memref_squeeze %dma_wait3A_127 : memref<1x128x128xf32, #tpu.memory_space<vmem>> -> memref<128x128xf32, #tpu.memory_space<vmem>>
    %dma_wait3A_129 = arith.constant 256 : i32
    %dma_wait3A_130 = tpu.memref_slice %arg5[%dma_wait3A_129] : memref<1024xi32, #tpu.memory_space<vmem>> -> memref<128xi32, #tpu.memory_space<vmem>>
    %dma_wait3A_131 = arith.constant 0 : i32
    %dma_wait3A_132 = arith.constant 0 : i32
    %dma_wait3A_133 = tpu.memref_slice %arg2[%dma_wait3A_131, %dma_wait3A_132] : memref<10000x128xf32, #tpu.memory_space<hbm>> -> memref<10000x128xf32, #tpu.memory_space<hbm>>
    tpu.wait_indirect_dma semaphore(%arg7 : memref<!tpu.dma_semaphore, #tpu.memory_space<semaphore_mem>>) src(%dma_wait3A_133 : memref<10000x128xf32, #tpu.memory_space<hbm>>) dst(%dma_wait3A_128 : memref<128x128xf32, #tpu.memory_space<vmem>>)
    %mul3A_134 = arith.constant 8 : i32
    %mul3A_135 = arith.muli %add3A, %mul3A_134 : i32
    %add3A_136 = arith.constant 2 : i32
    %add3A_137 = arith.addi %mul3A_135, %add3A_136 : i32
    %mul3A_138 = arith.constant 128 : i32
    %mul3A_139 = arith.muli %add3A_137, %mul3A_138 : i32
    %dma_start3A_140 = arith.constant 2 : i32
    %dma_start3A_141 = arith.constant 0 : i32
    %dma_start3A_142 = arith.constant 0 : i32
    %dma_start3A_143 = tpu.memref_slice %arg6[%dma_start3A_140, %dma_start3A_141, %dma_start3A_142] : memref<4x128x128xf32, #tpu.memory_space<vmem>> -> memref<1x128x128xf32, #tpu.memory_space<vmem>>
    %dma_start3A_144 = tpu.memref_squeeze %dma_start3A_143 : memref<1x128x128xf32, #tpu.memory_space<vmem>> -> memref<128x128xf32, #tpu.memory_space<vmem>>
    %dma_start3A_145 = arith.constant 0 : i32
    %dma_start3A_146 = tpu.memref_slice %arg4[%mul3A_139, %dma_start3A_145] : memref<32768x128xf32, #tpu.memory_space<hbm>> -> memref<128x128xf32, #tpu.memory_space<hbm>>
    %dma_start3A_147 = arith.constant 0 : i32
    %dma_start3A_148 = tpu.memref_slice %arg4[%mul3A_139, %dma_start3A_147] : memref<32768x128xf32, #tpu.memory_space<hbm>> -> memref<128x128xf32, #tpu.memory_space<hbm>>
    %dma_start3A_149 = arith.constant 0 : i32
    %dma_start3A_150 = arith.constant 0 : i32
    %dma_start3A_151 = tpu.memref_slice %arg6[%dma_start3A_140, %dma_start3A_149, %dma_start3A_150] : memref<4x128x128xf32, #tpu.memory_space<vmem>> -> memref<1x128x128xf32, #tpu.memory_space<vmem>>
    %dma_start3A_152 = tpu.memref_squeeze %dma_start3A_151 : memref<1x128x128xf32, #tpu.memory_space<vmem>> -> memref<128x128xf32, #tpu.memory_space<vmem>>
    tpu.enqueue_dma source(%dma_start3A_152 : memref<128x128xf32, #tpu.memory_space<vmem>>) target(%dma_start3A_148 : memref<128x128xf32, #tpu.memory_space<hbm>>) target_semaphore(%arg8 : memref<!tpu.dma_semaphore, #tpu.memory_space<semaphore_mem>>)
    %dma_wait3A_153 = arith.constant 1 : i32
    %dma_wait3A_154 = arith.constant 0 : i32
    %dma_wait3A_155 = arith.constant 0 : i32
    %dma_wait3A_156 = tpu.memref_slice %arg6[%dma_wait3A_153, %dma_wait3A_154, %dma_wait3A_155] : memref<4x128x128xf32, #tpu.memory_space<vmem>> -> memref<1x128x128xf32, #tpu.memory_space<vmem>>
    %dma_wait3A_157 = tpu.memref_squeeze %dma_wait3A_156 : memref<1x128x128xf32, #tpu.memory_space<vmem>> -> memref<128x128xf32, #tpu.memory_space<vmem>>
    %dma_wait3A_158 = arith.constant 0 : i32
    %dma_wait3A_159 = tpu.memref_slice %arg4[%mul3A_87, %dma_wait3A_158] : memref<32768x128xf32, #tpu.memory_space<hbm>> -> memref<128x128xf32, #tpu.memory_space<hbm>>
    %dma_wait3A_160 = arith.constant 0 : i32
    %dma_wait3A_161 = tpu.memref_slice %arg4[%mul3A_87, %dma_wait3A_160] : memref<32768x128xf32, #tpu.memory_space<hbm>> -> memref<128x128xf32, #tpu.memory_space<hbm>>
    %dma_wait3A_162 = arith.constant 0 : i32
    %dma_wait3A_163 = arith.constant 0 : i32
    %dma_wait3A_164 = tpu.memref_slice %arg6[%dma_wait3A_153, %dma_wait3A_162, %dma_wait3A_163] : memref<4x128x128xf32, #tpu.memory_space<vmem>> -> memref<1x128x128xf32, #tpu.memory_space<vmem>>
    %dma_wait3A_165 = tpu.memref_squeeze %dma_wait3A_164 : memref<1x128x128xf32, #tpu.memory_space<vmem>> -> memref<128x128xf32, #tpu.memory_space<vmem>>
    tpu.wait_dma2 semaphore(%arg8 : memref<!tpu.dma_semaphore, #tpu.memory_space<semaphore_mem>>) src(%dma_wait3A_165 : memref<128x128xf32, #tpu.memory_space<vmem>>) dst(%dma_wait3A_161 : memref<128x128xf32, #tpu.memory_space<hbm>>)
    %dma_start3A_166 = arith.constant 1 : i32
    %dma_start3A_167 = arith.constant 0 : i32
    %dma_start3A_168 = arith.constant 0 : i32
    %dma_start3A_169 = tpu.memref_slice %arg6[%dma_start3A_166, %dma_start3A_167, %dma_start3A_168] : memref<4x128x128xf32, #tpu.memory_space<vmem>> -> memref<1x128x128xf32, #tpu.memory_space<vmem>>
    %dma_start3A_170 = tpu.memref_squeeze %dma_start3A_169 : memref<1x128x128xf32, #tpu.memory_space<vmem>> -> memref<128x128xf32, #tpu.memory_space<vmem>>
    %dma_start3A_171 = arith.constant 640 : i32
    %dma_start3A_172 = tpu.memref_slice %arg5[%dma_start3A_171] : memref<1024xi32, #tpu.memory_space<vmem>> -> memref<128xi32, #tpu.memory_space<vmem>>
    %dma_start3A_173 = arith.constant 0 : i32
    %dma_start3A_174 = arith.constant 0 : i32
    %dma_start3A_175 = tpu.memref_slice %arg2[%dma_start3A_173, %dma_start3A_174] : memref<10000x128xf32, #tpu.memory_space<hbm>> -> memref<10000x128xf32, #tpu.memory_space<hbm>>
    tpu.enqueue_indirect_dma source(%dma_start3A_175 : memref<10000x128xf32, #tpu.memory_space<hbm>>) target(%dma_start3A_170 : memref<128x128xf32, #tpu.memory_space<vmem>>) offsets(%dma_start3A_172 : memref<128xi32, #tpu.memory_space<vmem>>) semaphore(%arg7 : memref<!tpu.dma_semaphore, #tpu.memory_space<semaphore_mem>>)
    %dma_wait3A_176 = arith.constant 3 : i32
    %dma_wait3A_177 = arith.constant 0 : i32
    %dma_wait3A_178 = arith.constant 0 : i32
    %dma_wait3A_179 = tpu.memref_slice %arg6[%dma_wait3A_176, %dma_wait3A_177, %dma_wait3A_178] : memref<4x128x128xf32, #tpu.memory_space<vmem>> -> memref<1x128x128xf32, #tpu.memory_space<vmem>>
    %dma_wait3A_180 = tpu.memref_squeeze %dma_wait3A_179 : memref<1x128x128xf32, #tpu.memory_space<vmem>> -> memref<128x128xf32, #tpu.memory_space<vmem>>
    %dma_wait3A_181 = arith.constant 384 : i32
    %dma_wait3A_182 = tpu.memref_slice %arg5[%dma_wait3A_181] : memref<1024xi32, #tpu.memory_space<vmem>> -> memref<128xi32, #tpu.memory_space<vmem>>
    %dma_wait3A_183 = arith.constant 0 : i32
    %dma_wait3A_184 = arith.constant 0 : i32
    %dma_wait3A_185 = tpu.memref_slice %arg2[%dma_wait3A_183, %dma_wait3A_184] : memref<10000x128xf32, #tpu.memory_space<hbm>> -> memref<10000x128xf32, #tpu.memory_space<hbm>>
    tpu.wait_indirect_dma semaphore(%arg7 : memref<!tpu.dma_semaphore, #tpu.memory_space<semaphore_mem>>) src(%dma_wait3A_185 : memref<10000x128xf32, #tpu.memory_space<hbm>>) dst(%dma_wait3A_180 : memref<128x128xf32, #tpu.memory_space<vmem>>)
    %mul3A_186 = arith.constant 8 : i32
    %mul3A_187 = arith.muli %add3A, %mul3A_186 : i32
    %add3A_188 = arith.constant 3 : i32
    %add3A_189 = arith.addi %mul3A_187, %add3A_188 : i32
    %mul3A_190 = arith.constant 128 : i32
    %mul3A_191 = arith.muli %add3A_189, %mul3A_190 : i32
    %dma_start3A_192 = arith.constant 3 : i32
    %dma_start3A_193 = arith.constant 0 : i32
    %dma_start3A_194 = arith.constant 0 : i32
    %dma_start3A_195 = tpu.memref_slice %arg6[%dma_start3A_192, %dma_start3A_193, %dma_start3A_194] : memref<4x128x128xf32, #tpu.memory_space<vmem>> -> memref<1x128x128xf32, #tpu.memory_space<vmem>>
    %dma_start3A_196 = tpu.memref_squeeze %dma_start3A_195 : memref<1x128x128xf32, #tpu.memory_space<vmem>> -> memref<128x128xf32, #tpu.memory_space<vmem>>
    %dma_start3A_197 = arith.constant 0 : i32
    %dma_start3A_198 = tpu.memref_slice %arg4[%mul3A_191, %dma_start3A_197] : memref<32768x128xf32, #tpu.memory_space<hbm>> -> memref<128x128xf32, #tpu.memory_space<hbm>>
    %dma_start3A_199 = arith.constant 0 : i32
    %dma_start3A_200 = tpu.memref_slice %arg4[%mul3A_191, %dma_start3A_199] : memref<32768x128xf32, #tpu.memory_space<hbm>> -> memref<128x128xf32, #tpu.memory_space<hbm>>
    %dma_start3A_201 = arith.constant 0 : i32
    %dma_start3A_202 = arith.constant 0 : i32
    %dma_start3A_203 = tpu.memref_slice %arg6[%dma_start3A_192, %dma_start3A_201, %dma_start3A_202] : memref<4x128x128xf32, #tpu.memory_space<vmem>> -> memref<1x128x128xf32, #tpu.memory_space<vmem>>
    %dma_start3A_204 = tpu.memref_squeeze %dma_start3A_203 : memref<1x128x128xf32, #tpu.memory_space<vmem>> -> memref<128x128xf32, #tpu.memory_space<vmem>>
    tpu.enqueue_dma source(%dma_start3A_204 : memref<128x128xf32, #tpu.memory_space<vmem>>) target(%dma_start3A_200 : memref<128x128xf32, #tpu.memory_space<hbm>>) target_semaphore(%arg8 : memref<!tpu.dma_semaphore, #tpu.memory_space<semaphore_mem>>)
    %dma_wait3A_205 = arith.constant 2 : i32
    %dma_wait3A_206 = arith.constant 0 : i32
    %dma_wait3A_207 = arith.constant 0 : i32
    %dma_wait3A_208 = tpu.memref_slice %arg6[%dma_wait3A_205, %dma_wait3A_206, %dma_wait3A_207] : memref<4x128x128xf32, #tpu.memory_space<vmem>> -> memref<1x128x128xf32, #tpu.memory_space<vmem>>
    %dma_wait3A_209 = tpu.memref_squeeze %dma_wait3A_208 : memref<1x128x128xf32, #tpu.memory_space<vmem>> -> memref<128x128xf32, #tpu.memory_space<vmem>>
    %dma_wait3A_210 = arith.constant 0 : i32
    %dma_wait3A_211 = tpu.memref_slice %arg4[%mul3A_139, %dma_wait3A_210] : memref<32768x128xf32, #tpu.memory_space<hbm>> -> memref<128x128xf32, #tpu.memory_space<hbm>>
    %dma_wait3A_212 = arith.constant 0 : i32
    %dma_wait3A_213 = tpu.memref_slice %arg4[%mul3A_139, %dma_wait3A_212] : memref<32768x128xf32, #tpu.memory_space<hbm>> -> memref<128x128xf32, #tpu.memory_space<hbm>>
    %dma_wait3A_214 = arith.constant 0 : i32
    %dma_wait3A_215 = arith.constant 0 : i32
    %dma_wait3A_216 = tpu.memref_slice %arg6[%dma_wait3A_205, %dma_wait3A_214, %dma_wait3A_215] : memref<4x128x128xf32, #tpu.memory_space<vmem>> -> memref<1x128x128xf32, #tpu.memory_space<vmem>>
    %dma_wait3A_217 = tpu.memref_squeeze %dma_wait3A_216 : memref<1x128x128xf32, #tpu.memory_space<vmem>> -> memref<128x128xf32, #tpu.memory_space<vmem>>
    tpu.wait_dma2 semaphore(%arg8 : memref<!tpu.dma_semaphore, #tpu.memory_space<semaphore_mem>>) src(%dma_wait3A_217 : memref<128x128xf32, #tpu.memory_space<vmem>>) dst(%dma_wait3A_213 : memref<128x128xf32, #tpu.memory_space<hbm>>)
    %dma_start3A_218 = arith.constant 2 : i32
    %dma_start3A_219 = arith.constant 0 : i32
    %dma_start3A_220 = arith.constant 0 : i32
    %dma_start3A_221 = tpu.memref_slice %arg6[%dma_start3A_218, %dma_start3A_219, %dma_start3A_220] : memref<4x128x128xf32, #tpu.memory_space<vmem>> -> memref<1x128x128xf32, #tpu.memory_space<vmem>>
    %dma_start3A_222 = tpu.memref_squeeze %dma_start3A_221 : memref<1x128x128xf32, #tpu.memory_space<vmem>> -> memref<128x128xf32, #tpu.memory_space<vmem>>
    %dma_start3A_223 = arith.constant 768 : i32
    %dma_start3A_224 = tpu.memref_slice %arg5[%dma_start3A_223] : memref<1024xi32, #tpu.memory_space<vmem>> -> memref<128xi32, #tpu.memory_space<vmem>>
    %dma_start3A_225 = arith.constant 0 : i32
    %dma_start3A_226 = arith.constant 0 : i32
    %dma_start3A_227 = tpu.memref_slice %arg2[%dma_start3A_225, %dma_start3A_226] : memref<10000x128xf32, #tpu.memory_space<hbm>> -> memref<10000x128xf32, #tpu.memory_space<hbm>>
    tpu.enqueue_indirect_dma source(%dma_start3A_227 : memref<10000x128xf32, #tpu.memory_space<hbm>>) target(%dma_start3A_222 : memref<128x128xf32, #tpu.memory_space<vmem>>) offsets(%dma_start3A_224 : memref<128xi32, #tpu.memory_space<vmem>>) semaphore(%arg7 : memref<!tpu.dma_semaphore, #tpu.memory_space<semaphore_mem>>)
    %dma_wait3A_228 = arith.constant 0 : i32
    %dma_wait3A_229 = arith.constant 0 : i32
    %dma_wait3A_230 = arith.constant 0 : i32
    %dma_wait3A_231 = tpu.memref_slice %arg6[%dma_wait3A_228, %dma_wait3A_229, %dma_wait3A_230] : memref<4x128x128xf32, #tpu.memory_space<vmem>> -> memref<1x128x128xf32, #tpu.memory_space<vmem>>
    %dma_wait3A_232 = tpu.memref_squeeze %dma_wait3A_231 : memref<1x128x128xf32, #tpu.memory_space<vmem>> -> memref<128x128xf32, #tpu.memory_space<vmem>>
    %dma_wait3A_233 = arith.constant 512 : i32
    %dma_wait3A_234 = tpu.memref_slice %arg5[%dma_wait3A_233] : memref<1024xi32, #tpu.memory_space<vmem>> -> memref<128xi32, #tpu.memory_space<vmem>>
    %dma_wait3A_235 = arith.constant 0 : i32
    %dma_wait3A_236 = arith.constant 0 : i32
    %dma_wait3A_237 = tpu.memref_slice %arg2[%dma_wait3A_235, %dma_wait3A_236] : memref<10000x128xf32, #tpu.memory_space<hbm>> -> memref<10000x128xf32, #tpu.memory_space<hbm>>
    tpu.wait_indirect_dma semaphore(%arg7 : memref<!tpu.dma_semaphore, #tpu.memory_space<semaphore_mem>>) src(%dma_wait3A_237 : memref<10000x128xf32, #tpu.memory_space<hbm>>) dst(%dma_wait3A_232 : memref<128x128xf32, #tpu.memory_space<vmem>>)
    %mul3A_238 = arith.constant 8 : i32
    %mul3A_239 = arith.muli %add3A, %mul3A_238 : i32
    %add3A_240 = arith.constant 4 : i32
    %add3A_241 = arith.addi %mul3A_239, %add3A_240 : i32
    %mul3A_242 = arith.constant 128 : i32
    %mul3A_243 = arith.muli %add3A_241, %mul3A_242 : i32
    %dma_start3A_244 = arith.constant 0 : i32
    %dma_start3A_245 = arith.constant 0 : i32
    %dma_start3A_246 = arith.constant 0 : i32
    %dma_start3A_247 = tpu.memref_slice %arg6[%dma_start3A_244, %dma_start3A_245, %dma_start3A_246] : memref<4x128x128xf32, #tpu.memory_space<vmem>> -> memref<1x128x128xf32, #tpu.memory_space<vmem>>
    %dma_start3A_248 = tpu.memref_squeeze %dma_start3A_247 : memref<1x128x128xf32, #tpu.memory_space<vmem>> -> memref<128x128xf32, #tpu.memory_space<vmem>>
    %dma_start3A_249 = arith.constant 0 : i32
    %dma_start3A_250 = tpu.memref_slice %arg4[%mul3A_243, %dma_start3A_249] : memref<32768x128xf32, #tpu.memory_space<hbm>> -> memref<128x128xf32, #tpu.memory_space<hbm>>
    %dma_start3A_251 = arith.constant 0 : i32
    %dma_start3A_252 = tpu.memref_slice %arg4[%mul3A_243, %dma_start3A_251] : memref<32768x128xf32, #tpu.memory_space<hbm>> -> memref<128x128xf32, #tpu.memory_space<hbm>>
    %dma_start3A_253 = arith.constant 0 : i32
    %dma_start3A_254 = arith.constant 0 : i32
    %dma_start3A_255 = tpu.memref_slice %arg6[%dma_start3A_244, %dma_start3A_253, %dma_start3A_254] : memref<4x128x128xf32, #tpu.memory_space<vmem>> -> memref<1x128x128xf32, #tpu.memory_space<vmem>>
    %dma_start3A_256 = tpu.memref_squeeze %dma_start3A_255 : memref<1x128x128xf32, #tpu.memory_space<vmem>> -> memref<128x128xf32, #tpu.memory_space<vmem>>
    tpu.enqueue_dma source(%dma_start3A_256 : memref<128x128xf32, #tpu.memory_space<vmem>>) target(%dma_start3A_252 : memref<128x128xf32, #tpu.memory_space<hbm>>) target_semaphore(%arg8 : memref<!tpu.dma_semaphore, #tpu.memory_space<semaphore_mem>>)
    %dma_wait3A_257 = arith.constant 3 : i32
    %dma_wait3A_258 = arith.constant 0 : i32
    %dma_wait3A_259 = arith.constant 0 : i32
    %dma_wait3A_260 = tpu.memref_slice %arg6[%dma_wait3A_257, %dma_wait3A_258, %dma_wait3A_259] : memref<4x128x128xf32, #tpu.memory_space<vmem>> -> memref<1x128x128xf32, #tpu.memory_space<vmem>>
    %dma_wait3A_261 = tpu.memref_squeeze %dma_wait3A_260 : memref<1x128x128xf32, #tpu.memory_space<vmem>> -> memref<128x128xf32, #tpu.memory_space<vmem>>
    %dma_wait3A_262 = arith.constant 0 : i32
    %dma_wait3A_263 = tpu.memref_slice %arg4[%mul3A_191, %dma_wait3A_262] : memref<32768x128xf32, #tpu.memory_space<hbm>> -> memref<128x128xf32, #tpu.memory_space<hbm>>
    %dma_wait3A_264 = arith.constant 0 : i32
    %dma_wait3A_265 = tpu.memref_slice %arg4[%mul3A_191, %dma_wait3A_264] : memref<32768x128xf32, #tpu.memory_space<hbm>> -> memref<128x128xf32, #tpu.memory_space<hbm>>
    %dma_wait3A_266 = arith.constant 0 : i32
    %dma_wait3A_267 = arith.constant 0 : i32
    %dma_wait3A_268 = tpu.memref_slice %arg6[%dma_wait3A_257, %dma_wait3A_266, %dma_wait3A_267] : memref<4x128x128xf32, #tpu.memory_space<vmem>> -> memref<1x128x128xf32, #tpu.memory_space<vmem>>
    %dma_wait3A_269 = tpu.memref_squeeze %dma_wait3A_268 : memref<1x128x128xf32, #tpu.memory_space<vmem>> -> memref<128x128xf32, #tpu.memory_space<vmem>>
    tpu.wait_dma2 semaphore(%arg8 : memref<!tpu.dma_semaphore, #tpu.memory_space<semaphore_mem>>) src(%dma_wait3A_269 : memref<128x128xf32, #tpu.memory_space<vmem>>) dst(%dma_wait3A_265 : memref<128x128xf32, #tpu.memory_space<hbm>>)
    %dma_start3A_270 = arith.constant 3 : i32
    %dma_start3A_271 = arith.constant 0 : i32
    %dma_start3A_272 = arith.constant 0 : i32
    %dma_start3A_273 = tpu.memref_slice %arg6[%dma_start3A_270, %dma_start3A_271, %dma_start3A_272] : memref<4x128x128xf32, #tpu.memory_space<vmem>> -> memref<1x128x128xf32, #tpu.memory_space<vmem>>
    %dma_start3A_274 = tpu.memref_squeeze %dma_start3A_273 : memref<1x128x128xf32, #tpu.memory_space<vmem>> -> memref<128x128xf32, #tpu.memory_space<vmem>>
    %dma_start3A_275 = arith.constant 896 : i32
    %dma_start3A_276 = tpu.memref_slice %arg5[%dma_start3A_275] : memref<1024xi32, #tpu.memory_space<vmem>> -> memref<128xi32, #tpu.memory_space<vmem>>
    %dma_start3A_277 = arith.constant 0 : i32
    %dma_start3A_278 = arith.constant 0 : i32
    %dma_start3A_279 = tpu.memref_slice %arg2[%dma_start3A_277, %dma_start3A_278] : memref<10000x128xf32, #tpu.memory_space<hbm>> -> memref<10000x128xf32, #tpu.memory_space<hbm>>
    tpu.enqueue_indirect_dma source(%dma_start3A_279 : memref<10000x128xf32, #tpu.memory_space<hbm>>) target(%dma_start3A_274 : memref<128x128xf32, #tpu.memory_space<vmem>>) offsets(%dma_start3A_276 : memref<128xi32, #tpu.memory_space<vmem>>) semaphore(%arg7 : memref<!tpu.dma_semaphore, #tpu.memory_space<semaphore_mem>>)
    %dma_wait3A_280 = arith.constant 1 : i32
    %dma_wait3A_281 = arith.constant 0 : i32
    %dma_wait3A_282 = arith.constant 0 : i32
    %dma_wait3A_283 = tpu.memref_slice %arg6[%dma_wait3A_280, %dma_wait3A_281, %dma_wait3A_282] : memref<4x128x128xf32, #tpu.memory_space<vmem>> -> memref<1x128x128xf32, #tpu.memory_space<vmem>>
    %dma_wait3A_284 = tpu.memref_squeeze %dma_wait3A_283 : memref<1x128x128xf32, #tpu.memory_space<vmem>> -> memref<128x128xf32, #tpu.memory_space<vmem>>
    %dma_wait3A_285 = arith.constant 640 : i32
    %dma_wait3A_286 = tpu.memref_slice %arg5[%dma_wait3A_285] : memref<1024xi32, #tpu.memory_space<vmem>> -> memref<128xi32, #tpu.memory_space<vmem>>
    %dma_wait3A_287 = arith.constant 0 : i32
    %dma_wait3A_288 = arith.constant 0 : i32
    %dma_wait3A_289 = tpu.memref_slice %arg2[%dma_wait3A_287, %dma_wait3A_288] : memref<10000x128xf32, #tpu.memory_space<hbm>> -> memref<10000x128xf32, #tpu.memory_space<hbm>>
    tpu.wait_indirect_dma semaphore(%arg7 : memref<!tpu.dma_semaphore, #tpu.memory_space<semaphore_mem>>) src(%dma_wait3A_289 : memref<10000x128xf32, #tpu.memory_space<hbm>>) dst(%dma_wait3A_284 : memref<128x128xf32, #tpu.memory_space<vmem>>)
    %mul3A_290 = arith.constant 8 : i32
    %mul3A_291 = arith.muli %add3A, %mul3A_290 : i32
    %add3A_292 = arith.constant 5 : i32
    %add3A_293 = arith.addi %mul3A_291, %add3A_292 : i32
    %mul3A_294 = arith.constant 128 : i32
    %mul3A_295 = arith.muli %add3A_293, %mul3A_294 : i32
    %dma_start3A_296 = arith.constant 1 : i32
    %dma_start3A_297 = arith.constant 0 : i32
    %dma_start3A_298 = arith.constant 0 : i32
    %dma_start3A_299 = tpu.memref_slice %arg6[%dma_start3A_296, %dma_start3A_297, %dma_start3A_298] : memref<4x128x128xf32, #tpu.memory_space<vmem>> -> memref<1x128x128xf32, #tpu.memory_space<vmem>>
    %dma_start3A_300 = tpu.memref_squeeze %dma_start3A_299 : memref<1x128x128xf32, #tpu.memory_space<vmem>> -> memref<128x128xf32, #tpu.memory_space<vmem>>
    %dma_start3A_301 = arith.constant 0 : i32
    %dma_start3A_302 = tpu.memref_slice %arg4[%mul3A_295, %dma_start3A_301] : memref<32768x128xf32, #tpu.memory_space<hbm>> -> memref<128x128xf32, #tpu.memory_space<hbm>>
    %dma_start3A_303 = arith.constant 0 : i32
    %dma_start3A_304 = tpu.memref_slice %arg4[%mul3A_295, %dma_start3A_303] : memref<32768x128xf32, #tpu.memory_space<hbm>> -> memref<128x128xf32, #tpu.memory_space<hbm>>
    %dma_start3A_305 = arith.constant 0 : i32
    %dma_start3A_306 = arith.constant 0 : i32
    %dma_start3A_307 = tpu.memref_slice %arg6[%dma_start3A_296, %dma_start3A_305, %dma_start3A_306] : memref<4x128x128xf32, #tpu.memory_space<vmem>> -> memref<1x128x128xf32, #tpu.memory_space<vmem>>
    %dma_start3A_308 = tpu.memref_squeeze %dma_start3A_307 : memref<1x128x128xf32, #tpu.memory_space<vmem>> -> memref<128x128xf32, #tpu.memory_space<vmem>>
    tpu.enqueue_dma source(%dma_start3A_308 : memref<128x128xf32, #tpu.memory_space<vmem>>) target(%dma_start3A_304 : memref<128x128xf32, #tpu.memory_space<hbm>>) target_semaphore(%arg8 : memref<!tpu.dma_semaphore, #tpu.memory_space<semaphore_mem>>)
    %dma_wait3A_309 = arith.constant 2 : i32
    %dma_wait3A_310 = arith.constant 0 : i32
    %dma_wait3A_311 = arith.constant 0 : i32
    %dma_wait3A_312 = tpu.memref_slice %arg6[%dma_wait3A_309, %dma_wait3A_310, %dma_wait3A_311] : memref<4x128x128xf32, #tpu.memory_space<vmem>> -> memref<1x128x128xf32, #tpu.memory_space<vmem>>
    %dma_wait3A_313 = tpu.memref_squeeze %dma_wait3A_312 : memref<1x128x128xf32, #tpu.memory_space<vmem>> -> memref<128x128xf32, #tpu.memory_space<vmem>>
    %dma_wait3A_314 = arith.constant 768 : i32
    %dma_wait3A_315 = tpu.memref_slice %arg5[%dma_wait3A_314] : memref<1024xi32, #tpu.memory_space<vmem>> -> memref<128xi32, #tpu.memory_space<vmem>>
    %dma_wait3A_316 = arith.constant 0 : i32
    %dma_wait3A_317 = arith.constant 0 : i32
    %dma_wait3A_318 = tpu.memref_slice %arg2[%dma_wait3A_316, %dma_wait3A_317] : memref<10000x128xf32, #tpu.memory_space<hbm>> -> memref<10000x128xf32, #tpu.memory_space<hbm>>
    tpu.wait_indirect_dma semaphore(%arg7 : memref<!tpu.dma_semaphore, #tpu.memory_space<semaphore_mem>>) src(%dma_wait3A_318 : memref<10000x128xf32, #tpu.memory_space<hbm>>) dst(%dma_wait3A_313 : memref<128x128xf32, #tpu.memory_space<vmem>>)
    %mul3A_319 = arith.constant 8 : i32
    %mul3A_320 = arith.muli %add3A, %mul3A_319 : i32
    %add3A_321 = arith.constant 6 : i32
    %add3A_322 = arith.addi %mul3A_320, %add3A_321 : i32
    %mul3A_323 = arith.constant 128 : i32
    %mul3A_324 = arith.muli %add3A_322, %mul3A_323 : i32
    %dma_start3A_325 = arith.constant 2 : i32
    %dma_start3A_326 = arith.constant 0 : i32
    %dma_start3A_327 = arith.constant 0 : i32
    %dma_start3A_328 = tpu.memref_slice %arg6[%dma_start3A_325, %dma_start3A_326, %dma_start3A_327] : memref<4x128x128xf32, #tpu.memory_space<vmem>> -> memref<1x128x128xf32, #tpu.memory_space<vmem>>
    %dma_start3A_329 = tpu.memref_squeeze %dma_start3A_328 : memref<1x128x128xf32, #tpu.memory_space<vmem>> -> memref<128x128xf32, #tpu.memory_space<vmem>>
    %dma_start3A_330 = arith.constant 0 : i32
    %dma_start3A_331 = tpu.memref_slice %arg4[%mul3A_324, %dma_start3A_330] : memref<32768x128xf32, #tpu.memory_space<hbm>> -> memref<128x128xf32, #tpu.memory_space<hbm>>
    %dma_start3A_332 = arith.constant 0 : i32
    %dma_start3A_333 = tpu.memref_slice %arg4[%mul3A_324, %dma_start3A_332] : memref<32768x128xf32, #tpu.memory_space<hbm>> -> memref<128x128xf32, #tpu.memory_space<hbm>>
    %dma_start3A_334 = arith.constant 0 : i32
    %dma_start3A_335 = arith.constant 0 : i32
    %dma_start3A_336 = tpu.memref_slice %arg6[%dma_start3A_325, %dma_start3A_334, %dma_start3A_335] : memref<4x128x128xf32, #tpu.memory_space<vmem>> -> memref<1x128x128xf32, #tpu.memory_space<vmem>>
    %dma_start3A_337 = tpu.memref_squeeze %dma_start3A_336 : memref<1x128x128xf32, #tpu.memory_space<vmem>> -> memref<128x128xf32, #tpu.memory_space<vmem>>
    tpu.enqueue_dma source(%dma_start3A_337 : memref<128x128xf32, #tpu.memory_space<vmem>>) target(%dma_start3A_333 : memref<128x128xf32, #tpu.memory_space<hbm>>) target_semaphore(%arg8 : memref<!tpu.dma_semaphore, #tpu.memory_space<semaphore_mem>>)
    %dma_wait3A_338 = arith.constant 3 : i32
    %dma_wait3A_339 = arith.constant 0 : i32
    %dma_wait3A_340 = arith.constant 0 : i32
    %dma_wait3A_341 = tpu.memref_slice %arg6[%dma_wait3A_338, %dma_wait3A_339, %dma_wait3A_340] : memref<4x128x128xf32, #tpu.memory_space<vmem>> -> memref<1x128x128xf32, #tpu.memory_space<vmem>>
    %dma_wait3A_342 = tpu.memref_squeeze %dma_wait3A_341 : memref<1x128x128xf32, #tpu.memory_space<vmem>> -> memref<128x128xf32, #tpu.memory_space<vmem>>
    %dma_wait3A_343 = arith.constant 896 : i32
    %dma_wait3A_344 = tpu.memref_slice %arg5[%dma_wait3A_343] : memref<1024xi32, #tpu.memory_space<vmem>> -> memref<128xi32, #tpu.memory_space<vmem>>
    %dma_wait3A_345 = arith.constant 0 : i32
    %dma_wait3A_346 = arith.constant 0 : i32
    %dma_wait3A_347 = tpu.memref_slice %arg2[%dma_wait3A_345, %dma_wait3A_346] : memref<10000x128xf32, #tpu.memory_space<hbm>> -> memref<10000x128xf32, #tpu.memory_space<hbm>>
    tpu.wait_indirect_dma semaphore(%arg7 : memref<!tpu.dma_semaphore, #tpu.memory_space<semaphore_mem>>) src(%dma_wait3A_347 : memref<10000x128xf32, #tpu.memory_space<hbm>>) dst(%dma_wait3A_342 : memref<128x128xf32, #tpu.memory_space<vmem>>)
    %mul3A_348 = arith.constant 8 : i32
    %mul3A_349 = arith.muli %add3A, %mul3A_348 : i32
    %add3A_350 = arith.constant 7 : i32
    %add3A_351 = arith.addi %mul3A_349, %add3A_350 : i32
    %mul3A_352 = arith.constant 128 : i32
    %mul3A_353 = arith.muli %add3A_351, %mul3A_352 : i32
    %dma_start3A_354 = arith.constant 3 : i32
    %dma_start3A_355 = arith.constant 0 : i32
    %dma_start3A_356 = arith.constant 0 : i32
    %dma_start3A_357 = tpu.memref_slice %arg6[%dma_start3A_354, %dma_start3A_355, %dma_start3A_356] : memref<4x128x128xf32, #tpu.memory_space<vmem>> -> memref<1x128x128xf32, #tpu.memory_space<vmem>>
    %dma_start3A_358 = tpu.memref_squeeze %dma_start3A_357 : memref<1x128x128xf32, #tpu.memory_space<vmem>> -> memref<128x128xf32, #tpu.memory_space<vmem>>
    %dma_start3A_359 = arith.constant 0 : i32
    %dma_start3A_360 = tpu.memref_slice %arg4[%mul3A_353, %dma_start3A_359] : memref<32768x128xf32, #tpu.memory_space<hbm>> -> memref<128x128xf32, #tpu.memory_space<hbm>>
    %dma_start3A_361 = arith.constant 0 : i32
    %dma_start3A_362 = tpu.memref_slice %arg4[%mul3A_353, %dma_start3A_361] : memref<32768x128xf32, #tpu.memory_space<hbm>> -> memref<128x128xf32, #tpu.memory_space<hbm>>
    %dma_start3A_363 = arith.constant 0 : i32
    %dma_start3A_364 = arith.constant 0 : i32
    %dma_start3A_365 = tpu.memref_slice %arg6[%dma_start3A_354, %dma_start3A_363, %dma_start3A_364] : memref<4x128x128xf32, #tpu.memory_space<vmem>> -> memref<1x128x128xf32, #tpu.memory_space<vmem>>
    %dma_start3A_366 = tpu.memref_squeeze %dma_start3A_365 : memref<1x128x128xf32, #tpu.memory_space<vmem>> -> memref<128x128xf32, #tpu.memory_space<vmem>>
    tpu.enqueue_dma source(%dma_start3A_366 : memref<128x128xf32, #tpu.memory_space<vmem>>) target(%dma_start3A_362 : memref<128x128xf32, #tpu.memory_space<hbm>>) target_semaphore(%arg8 : memref<!tpu.dma_semaphore, #tpu.memory_space<semaphore_mem>>)
    %dma_wait3A_367 = arith.constant 0 : i32
    %dma_wait3A_368 = arith.constant 0 : i32
    %dma_wait3A_369 = arith.constant 0 : i32
    %dma_wait3A_370 = tpu.memref_slice %arg6[%dma_wait3A_367, %dma_wait3A_368, %dma_wait3A_369] : memref<4x128x128xf32, #tpu.memory_space<vmem>> -> memref<1x128x128xf32, #tpu.memory_space<vmem>>
    %dma_wait3A_371 = tpu.memref_squeeze %dma_wait3A_370 : memref<1x128x128xf32, #tpu.memory_space<vmem>> -> memref<128x128xf32, #tpu.memory_space<vmem>>
    %dma_wait3A_372 = arith.constant 0 : i32
    %dma_wait3A_373 = tpu.memref_slice %arg4[%mul3A_243, %dma_wait3A_372] : memref<32768x128xf32, #tpu.memory_space<hbm>> -> memref<128x128xf32, #tpu.memory_space<hbm>>
    %dma_wait3A_374 = arith.constant 0 : i32
    %dma_wait3A_375 = tpu.memref_slice %arg4[%mul3A_243, %dma_wait3A_374] : memref<32768x128xf32, #tpu.memory_space<hbm>> -> memref<128x128xf32, #tpu.memory_space<hbm>>
    %dma_wait3A_376 = arith.constant 0 : i32
    %dma_wait3A_377 = arith.constant 0 : i32
    %dma_wait3A_378 = tpu.memref_slice %arg6[%dma_wait3A_367, %dma_wait3A_376, %dma_wait3A_377] : memref<4x128x128xf32, #tpu.memory_space<vmem>> -> memref<1x128x128xf32, #tpu.memory_space<vmem>>
    %dma_wait3A_379 = tpu.memref_squeeze %dma_wait3A_378 : memref<1x128x128xf32, #tpu.memory_space<vmem>> -> memref<128x128xf32, #tpu.memory_space<vmem>>
    tpu.wait_dma2 semaphore(%arg8 : memref<!tpu.dma_semaphore, #tpu.memory_space<semaphore_mem>>) src(%dma_wait3A_379 : memref<128x128xf32, #tpu.memory_space<vmem>>) dst(%dma_wait3A_375 : memref<128x128xf32, #tpu.memory_space<hbm>>)
    %dma_wait3A_380 = arith.constant 1 : i32
    %dma_wait3A_381 = arith.constant 0 : i32
    %dma_wait3A_382 = arith.constant 0 : i32
    %dma_wait3A_383 = tpu.memref_slice %arg6[%dma_wait3A_380, %dma_wait3A_381, %dma_wait3A_382] : memref<4x128x128xf32, #tpu.memory_space<vmem>> -> memref<1x128x128xf32, #tpu.memory_space<vmem>>
    %dma_wait3A_384 = tpu.memref_squeeze %dma_wait3A_383 : memref<1x128x128xf32, #tpu.memory_space<vmem>> -> memref<128x128xf32, #tpu.memory_space<vmem>>
    %dma_wait3A_385 = arith.constant 0 : i32
    %dma_wait3A_386 = tpu.memref_slice %arg4[%mul3A_295, %dma_wait3A_385] : memref<32768x128xf32, #tpu.memory_space<hbm>> -> memref<128x128xf32, #tpu.memory_space<hbm>>
    %dma_wait3A_387 = arith.constant 0 : i32
    %dma_wait3A_388 = tpu.memref_slice %arg4[%mul3A_295, %dma_wait3A_387] : memref<32768x128xf32, #tpu.memory_space<hbm>> -> memref<128x128xf32, #tpu.memory_space<hbm>>
    %dma_wait3A_389 = arith.constant 0 : i32
    %dma_wait3A_390 = arith.constant 0 : i32
    %dma_wait3A_391 = tpu.memref_slice %arg6[%dma_wait3A_380, %dma_wait3A_389, %dma_wait3A_390] : memref<4x128x128xf32, #tpu.memory_space<vmem>> -> memref<1x128x128xf32, #tpu.memory_space<vmem>>
    %dma_wait3A_392 = tpu.memref_squeeze %dma_wait3A_391 : memref<1x128x128xf32, #tpu.memory_space<vmem>> -> memref<128x128xf32, #tpu.memory_space<vmem>>
    tpu.wait_dma2 semaphore(%arg8 : memref<!tpu.dma_semaphore, #tpu.memory_space<semaphore_mem>>) src(%dma_wait3A_392 : memref<128x128xf32, #tpu.memory_space<vmem>>) dst(%dma_wait3A_388 : memref<128x128xf32, #tpu.memory_space<hbm>>)
    %dma_wait3A_393 = arith.constant 2 : i32
    %dma_wait3A_394 = arith.constant 0 : i32
    %dma_wait3A_395 = arith.constant 0 : i32
    %dma_wait3A_396 = tpu.memref_slice %arg6[%dma_wait3A_393, %dma_wait3A_394, %dma_wait3A_395] : memref<4x128x128xf32, #tpu.memory_space<vmem>> -> memref<1x128x128xf32, #tpu.memory_space<vmem>>
    %dma_wait3A_397 = tpu.memref_squeeze %dma_wait3A_396 : memref<1x128x128xf32, #tpu.memory_space<vmem>> -> memref<128x128xf32, #tpu.memory_space<vmem>>
    %dma_wait3A_398 = arith.constant 0 : i32
    %dma_wait3A_399 = tpu.memref_slice %arg4[%mul3A_324, %dma_wait3A_398] : memref<32768x128xf32, #tpu.memory_space<hbm>> -> memref<128x128xf32, #tpu.memory_space<hbm>>
    %dma_wait3A_400 = arith.constant 0 : i32
    %dma_wait3A_401 = tpu.memref_slice %arg4[%mul3A_324, %dma_wait3A_400] : memref<32768x128xf32, #tpu.memory_space<hbm>> -> memref<128x128xf32, #tpu.memory_space<hbm>>
    %dma_wait3A_402 = arith.constant 0 : i32
    %dma_wait3A_403 = arith.constant 0 : i32
    %dma_wait3A_404 = tpu.memref_slice %arg6[%dma_wait3A_393, %dma_wait3A_402, %dma_wait3A_403] : memref<4x128x128xf32, #tpu.memory_space<vmem>> -> memref<1x128x128xf32, #tpu.memory_space<vmem>>
    %dma_wait3A_405 = tpu.memref_squeeze %dma_wait3A_404 : memref<1x128x128xf32, #tpu.memory_space<vmem>> -> memref<128x128xf32, #tpu.memory_space<vmem>>
    tpu.wait_dma2 semaphore(%arg8 : memref<!tpu.dma_semaphore, #tpu.memory_space<semaphore_mem>>) src(%dma_wait3A_405 : memref<128x128xf32, #tpu.memory_space<vmem>>) dst(%dma_wait3A_401 : memref<128x128xf32, #tpu.memory_space<hbm>>)
    %dma_wait3A_406 = arith.constant 3 : i32
    %dma_wait3A_407 = arith.constant 0 : i32
    %dma_wait3A_408 = arith.constant 0 : i32
    %dma_wait3A_409 = tpu.memref_slice %arg6[%dma_wait3A_406, %dma_wait3A_407, %dma_wait3A_408] : memref<4x128x128xf32, #tpu.memory_space<vmem>> -> memref<1x128x128xf32, #tpu.memory_space<vmem>>
    %dma_wait3A_410 = tpu.memref_squeeze %dma_wait3A_409 : memref<1x128x128xf32, #tpu.memory_space<vmem>> -> memref<128x128xf32, #tpu.memory_space<vmem>>
    %dma_wait3A_411 = arith.constant 0 : i32
    %dma_wait3A_412 = tpu.memref_slice %arg4[%mul3A_353, %dma_wait3A_411] : memref<32768x128xf32, #tpu.memory_space<hbm>> -> memref<128x128xf32, #tpu.memory_space<hbm>>
    %dma_wait3A_413 = arith.constant 0 : i32
    %dma_wait3A_414 = tpu.memref_slice %arg4[%mul3A_353, %dma_wait3A_413] : memref<32768x128xf32, #tpu.memory_space<hbm>> -> memref<128x128xf32, #tpu.memory_space<hbm>>
    %dma_wait3A_415 = arith.constant 0 : i32
    %dma_wait3A_416 = arith.constant 0 : i32
    %dma_wait3A_417 = tpu.memref_slice %arg6[%dma_wait3A_406, %dma_wait3A_415, %dma_wait3A_416] : memref<4x128x128xf32, #tpu.memory_space<vmem>> -> memref<1x128x128xf32, #tpu.memory_space<vmem>>
    %dma_wait3A_418 = tpu.memref_squeeze %dma_wait3A_417 : memref<1x128x128xf32, #tpu.memory_space<vmem>> -> memref<128x128xf32, #tpu.memory_space<vmem>>
    tpu.wait_dma2 semaphore(%arg8 : memref<!tpu.dma_semaphore, #tpu.memory_space<semaphore_mem>>) src(%dma_wait3A_418 : memref<128x128xf32, #tpu.memory_space<vmem>>) dst(%dma_wait3A_414 : memref<128x128xf32, #tpu.memory_space<hbm>>)
    return
  }
}

module attributes {stable_mosaic.version = 14 : i64} {
  func.func @fin(%arg0: i32, %arg1: memref<2048x128xf32, #tpu.memory_space<vmem>>, %arg2: memref<2048x128xf32, #tpu.memory_space<vmem>>, %arg3: memref<2048x128xf32, #tpu.memory_space<vmem>>, %arg4: memref<2048x128xf32, #tpu.memory_space<vmem>>, %arg5: memref<128x128xf32, #tpu.memory_space<vmem>>, %arg6: memref<2048x128xf32, #tpu.memory_space<vmem>>, %arg7: memref<2048x128xf32, #tpu.memory_space<vmem>>) attributes {dimension_semantics = [#tpu.dimension_semantics<arbitrary>], iteration_bounds = array<i64: 8>, scalar_prefetch = 0 : i64, scratch_operands = 0 : i64, tpu.core_type = #tpu.core_type<tc>, window_params = [{transform_indices = @transform_0, window_bounds = array<i64: 2048, 128>}, {transform_indices = @transform_1, window_bounds = array<i64: 2048, 128>}, {transform_indices = @transform_2, window_bounds = array<i64: 2048, 128>}, {transform_indices = @transform_3, window_bounds = array<i64: 2048, 128>}, {pipeline_mode = #tpu.pipeline_mode<synchronous>, transform_indices = @transform_4, window_bounds = array<i64: 128, 128>}, {transform_indices = @transform_5, window_bounds = array<i64: 2048, 128>}, {transform_indices = @transform_6, window_bounds = array<i64: 2048, 128>}]} {
    %get3A = arith.constant 0 : index
    %get3A_0 = arith.constant 0 : index
    %get3A_1 = vector.load %arg1[%get3A, %get3A_0] : memref<2048x128xf32, #tpu.memory_space<vmem>>, vector<2048x128xf32>
    %get3A_2 = arith.constant 0 : index
    %get3A_3 = arith.constant 0 : index
    %get3A_4 = vector.load %arg5[%get3A_2, %get3A_3] : memref<128x128xf32, #tpu.memory_space<vmem>>, vector<128x128xf32>
    %dot_general3A = arith.constant dense<0.000000e+00> : vector<2048x128xf32>
    %dot_general3A_5 = tpu.matmul %get3A_1, %get3A_4, %dot_general3A {dimension_numbers = #tpu.dot_dimension_numbers<[1], [0], [0], [1], [0, 0, 1, 1], [], []>, transpose_lhs_hint = false} : vector<2048x128xf32>, vector<128x128xf32>, vector<2048x128xf32> -> vector<2048x128xf32>
    %get3A_6 = arith.constant 0 : index
    %get3A_7 = arith.constant 0 : index
    %get3A_8 = vector.load %arg3[%get3A_6, %get3A_7] : memref<2048x128xf32, #tpu.memory_space<vmem>>, vector<2048x128xf32>
    %add3A = arith.addf %dot_general3A_5, %get3A_8 : vector<2048x128xf32>
    %logistic3A = arith.negf %add3A : vector<2048x128xf32>
    %logistic3A_9 = math.exp %logistic3A : vector<2048x128xf32>
    %logistic3A_10 = arith.constant 1.000000e+00 : f32
    %logistic3A_11 = vector.broadcast %logistic3A_10 : f32 to vector<2048x128xf32>
    %logistic3A_12 = arith.addf %logistic3A_11, %logistic3A_9 : vector<2048x128xf32>
    %logistic3A_13 = arith.divf %logistic3A_11, %logistic3A_12 : vector<2048x128xf32>
    %swap3A = arith.constant 0 : index
    %swap3A_14 = arith.constant 0 : index
    %swap3A_15 = vector.load %arg6[%swap3A, %swap3A_14] : memref<2048x128xf32, #tpu.memory_space<vmem>>, vector<2048x128xf32>
    tpu.vector_store %arg6[%swap3A, %swap3A_14], %logistic3A_13 {strides = array<i32>} : memref<2048x128xf32, #tpu.memory_space<vmem>>, vector<2048x128xf32>,
    %get3A_16 = arith.constant 0 : index
    %get3A_17 = arith.constant 0 : index
    %get3A_18 = vector.load %arg2[%get3A_16, %get3A_17] : memref<2048x128xf32, #tpu.memory_space<vmem>>, vector<2048x128xf32>
    %get3A_19 = arith.constant 0 : index
    %get3A_20 = arith.constant 0 : index
    %get3A_21 = vector.load %arg5[%get3A_19, %get3A_20] : memref<128x128xf32, #tpu.memory_space<vmem>>, vector<128x128xf32>
    %dot_general3A_22 = arith.constant dense<0.000000e+00> : vector<2048x128xf32>
    %dot_general3A_23 = tpu.matmul %get3A_18, %get3A_21, %dot_general3A_22 {dimension_numbers = #tpu.dot_dimension_numbers<[1], [0], [0], [1], [0, 0, 1, 1], [], []>, transpose_lhs_hint = false} : vector<2048x128xf32>, vector<128x128xf32>, vector<2048x128xf32> -> vector<2048x128xf32>
    %get3A_24 = arith.constant 0 : index
    %get3A_25 = arith.constant 0 : index
    %get3A_26 = vector.load %arg4[%get3A_24, %get3A_25] : memref<2048x128xf32, #tpu.memory_space<vmem>>, vector<2048x128xf32>
    %add3A_27 = arith.addf %dot_general3A_23, %get3A_26 : vector<2048x128xf32>
    %logistic3A_28 = arith.negf %add3A_27 : vector<2048x128xf32>
    %logistic3A_29 = math.exp %logistic3A_28 : vector<2048x128xf32>
    %logistic3A_30 = arith.constant 1.000000e+00 : f32
    %logistic3A_31 = vector.broadcast %logistic3A_30 : f32 to vector<2048x128xf32>
    %logistic3A_32 = arith.addf %logistic3A_31, %logistic3A_29 : vector<2048x128xf32>
    %logistic3A_33 = arith.divf %logistic3A_31, %logistic3A_32 : vector<2048x128xf32>
    %swap3A_34 = arith.constant 0 : index
    %swap3A_35 = arith.constant 0 : index
    %swap3A_36 = vector.load %arg7[%swap3A_34, %swap3A_35] : memref<2048x128xf32, #tpu.memory_space<vmem>>, vector<2048x128xf32>
    tpu.vector_store %arg7[%swap3A_34, %swap3A_35], %logistic3A_33 {strides = array<i32>} : memref<2048x128xf32, #tpu.memory_space<vmem>>, vector<2048x128xf32>,
    return
  }
  func.func @transform_0(%arg0: i32) -> (i32, i32) {
    %c0_i32 = arith.constant 0 : i32
    %c0_i32_0 = arith.constant 0 : i32
    return %arg0, %c0_i32 : i32, i32
  }
  func.func @transform_1(%arg0: i32) -> (i32, i32) {
    %c0_i32 = arith.constant 0 : i32
    %c0_i32_0 = arith.constant 0 : i32
    return %arg0, %c0_i32 : i32, i32
  }
  func.func @transform_2(%arg0: i32) -> (i32, i32) {
    %c0_i32 = arith.constant 0 : i32
    %c0_i32_0 = arith.constant 0 : i32
    return %arg0, %c0_i32 : i32, i32
  }
  func.func @transform_3(%arg0: i32) -> (i32, i32) {
    %add3A = arith.constant 8 : i32
    %add3A_0 = arith.addi %arg0, %add3A : i32
    %c0_i32 = arith.constant 0 : i32
    %c0_i32_1 = arith.constant 0 : i32
    return %add3A_0, %c0_i32 : i32, i32
  }
  func.func @transform_4(%arg0: i32) -> (i32, i32) {
    %c0_i32 = arith.constant 0 : i32
    %c0_i32_0 = arith.constant 0 : i32
    %c0_i32_1 = arith.constant 0 : i32
    return %c0_i32, %c0_i32_0 : i32, i32
  }
  func.func @transform_5(%arg0: i32) -> (i32, i32) {
    %c0_i32 = arith.constant 0 : i32
    %c0_i32_0 = arith.constant 0 : i32
    return %arg0, %c0_i32 : i32, i32
  }
  func.func @transform_6(%arg0: i32) -> (i32, i32) {
    %c0_i32 = arith.constant 0 : i32
    %c0_i32_0 = arith.constant 0 : i32
    return %arg0, %c0_i32 : i32, i32
  }
}

module attributes {stable_mosaic.version = 14 : i64} {
  func.func @mm(%arg0: i32, %arg1: memref<4x2000x128xf32, #tpu.memory_space<vmem>>, %arg2: memref<4x128x128xf32, #tpu.memory_space<vmem>>, %arg3: memref<2000x128xf32, #tpu.memory_space<vmem>>) attributes {dimension_semantics = [#tpu.dimension_semantics<arbitrary>], iteration_bounds = array<i64: 5>, scalar_prefetch = 0 : i64, scratch_operands = 0 : i64, tpu.core_type = #tpu.core_type<tc>, window_params = [{transform_indices = @transform_0, window_bounds = array<i64: 4, 2000, 128>}, {pipeline_mode = #tpu.pipeline_mode<synchronous>, transform_indices = @transform_1, window_bounds = array<i64: 4, 128, 128>}, {transform_indices = @transform_2, window_bounds = array<i64: 2000, 128>}]} {
    %get3A = arith.constant 0 : index
    %get3A_0 = arith.constant 0 : index
    %get3A_1 = arith.constant 0 : index
    %get3A_2 = vector.load %arg1[%get3A, %get3A_0, %get3A_1] : memref<4x2000x128xf32, #tpu.memory_space<vmem>>, vector<1x2000x128xf32>
    %get3A_3 = vector.shape_cast %get3A_2 : vector<1x2000x128xf32> to vector<2000x128xf32>
    %get3A_4 = arith.constant 0 : index
    %get3A_5 = arith.constant 0 : index
    %get3A_6 = arith.constant 0 : index
    %get3A_7 = vector.load %arg2[%get3A_4, %get3A_5, %get3A_6] : memref<4x128x128xf32, #tpu.memory_space<vmem>>, vector<1x128x128xf32>
    %get3A_8 = vector.shape_cast %get3A_7 : vector<1x128x128xf32> to vector<128x128xf32>
    %dot_general3A = arith.constant dense<0.000000e+00> : vector<2000x128xf32>
    %dot_general3A_9 = tpu.matmul %get3A_3, %get3A_8, %dot_general3A {dimension_numbers = #tpu.dot_dimension_numbers<[1], [0], [0], [1], [0, 0, 1, 1], [], []>, transpose_lhs_hint = false} : vector<2000x128xf32>, vector<128x128xf32>, vector<2000x128xf32> -> vector<2000x128xf32>
    %get3A_10 = arith.constant 1 : index
    %get3A_11 = arith.constant 0 : index
    %get3A_12 = arith.constant 0 : index
    %get3A_13 = vector.load %arg1[%get3A_10, %get3A_11, %get3A_12] : memref<4x2000x128xf32, #tpu.memory_space<vmem>>, vector<1x2000x128xf32>
    %get3A_14 = vector.shape_cast %get3A_13 : vector<1x2000x128xf32> to vector<2000x128xf32>
    %get3A_15 = arith.constant 1 : index
    %get3A_16 = arith.constant 0 : index
    %get3A_17 = arith.constant 0 : index
    %get3A_18 = vector.load %arg2[%get3A_15, %get3A_16, %get3A_17] : memref<4x128x128xf32, #tpu.memory_space<vmem>>, vector<1x128x128xf32>
    %get3A_19 = vector.shape_cast %get3A_18 : vector<1x128x128xf32> to vector<128x128xf32>
    %dot_general3A_20 = arith.constant dense<0.000000e+00> : vector<2000x128xf32>
    %dot_general3A_21 = tpu.matmul %get3A_14, %get3A_19, %dot_general3A_20 {dimension_numbers = #tpu.dot_dimension_numbers<[1], [0], [0], [1], [0, 0, 1, 1], [], []>, transpose_lhs_hint = false} : vector<2000x128xf32>, vector<128x128xf32>, vector<2000x128xf32> -> vector<2000x128xf32>
    %add3A = arith.addf %dot_general3A_9, %dot_general3A_21 : vector<2000x128xf32>
    %get3A_22 = arith.constant 2 : index
    %get3A_23 = arith.constant 0 : index
    %get3A_24 = arith.constant 0 : index
    %get3A_25 = vector.load %arg1[%get3A_22, %get3A_23, %get3A_24] : memref<4x2000x128xf32, #tpu.memory_space<vmem>>, vector<1x2000x128xf32>
    %get3A_26 = vector.shape_cast %get3A_25 : vector<1x2000x128xf32> to vector<2000x128xf32>
    %get3A_27 = arith.constant 2 : index
    %get3A_28 = arith.constant 0 : index
    %get3A_29 = arith.constant 0 : index
    %get3A_30 = vector.load %arg2[%get3A_27, %get3A_28, %get3A_29] : memref<4x128x128xf32, #tpu.memory_space<vmem>>, vector<1x128x128xf32>
    %get3A_31 = vector.shape_cast %get3A_30 : vector<1x128x128xf32> to vector<128x128xf32>
    %dot_general3A_32 = arith.constant dense<0.000000e+00> : vector<2000x128xf32>
    %dot_general3A_33 = tpu.matmul %get3A_26, %get3A_31, %dot_general3A_32 {dimension_numbers = #tpu.dot_dimension_numbers<[1], [0], [0], [1], [0, 0, 1, 1], [], []>, transpose_lhs_hint = false} : vector<2000x128xf32>, vector<128x128xf32>, vector<2000x128xf32> -> vector<2000x128xf32>
    %add3A_34 = arith.addf %add3A, %dot_general3A_33 : vector<2000x128xf32>
    %get3A_35 = arith.constant 3 : index
    %get3A_36 = arith.constant 0 : index
    %get3A_37 = arith.constant 0 : index
    %get3A_38 = vector.load %arg1[%get3A_35, %get3A_36, %get3A_37] : memref<4x2000x128xf32, #tpu.memory_space<vmem>>, vector<1x2000x128xf32>
    %get3A_39 = vector.shape_cast %get3A_38 : vector<1x2000x128xf32> to vector<2000x128xf32>
    %get3A_40 = arith.constant 3 : index
    %get3A_41 = arith.constant 0 : index
    %get3A_42 = arith.constant 0 : index
    %get3A_43 = vector.load %arg2[%get3A_40, %get3A_41, %get3A_42] : memref<4x128x128xf32, #tpu.memory_space<vmem>>, vector<1x128x128xf32>
    %get3A_44 = vector.shape_cast %get3A_43 : vector<1x128x128xf32> to vector<128x128xf32>
    %dot_general3A_45 = arith.constant dense<0.000000e+00> : vector<2000x128xf32>
    %dot_general3A_46 = tpu.matmul %get3A_39, %get3A_44, %dot_general3A_45 {dimension_numbers = #tpu.dot_dimension_numbers<[1], [0], [0], [1], [0, 0, 1, 1], [], []>, transpose_lhs_hint = false} : vector<2000x128xf32>, vector<128x128xf32>, vector<2000x128xf32> -> vector<2000x128xf32>
    %add3A_47 = arith.addf %add3A_34, %dot_general3A_46 : vector<2000x128xf32>
    %swap3A = arith.constant 0 : index
    %swap3A_48 = arith.constant 0 : index
    %swap3A_49 = vector.load %arg3[%swap3A, %swap3A_48] : memref<2000x128xf32, #tpu.memory_space<vmem>>, vector<2000x128xf32>
    tpu.vector_store %arg3[%swap3A, %swap3A_48], %add3A_47 {strides = array<i32>} : memref<2000x128xf32, #tpu.memory_space<vmem>>, vector<2000x128xf32>,
    return
  }
  func.func @transform_0(%arg0: i32) -> (i32, i32, i32) {
    %c0_i32 = arith.constant 0 : i32
    %c0_i32_0 = arith.constant 0 : i32
    %c0_i32_1 = arith.constant 0 : i32
    return %c0_i32, %arg0, %c0_i32_0 : i32, i32, i32
  }
  func.func @transform_1(%arg0: i32) -> (i32, i32, i32) {
    %c0_i32 = arith.constant 0 : i32
    %c0_i32_0 = arith.constant 0 : i32
    %c0_i32_1 = arith.constant 0 : i32
    %c0_i32_2 = arith.constant 0 : i32
    return %c0_i32, %c0_i32_0, %c0_i32_1 : i32, i32, i32
  }
  func.func @transform_2(%arg0: i32) -> (i32, i32) {
    %c0_i32 = arith.constant 0 : i32
    %c0_i32_0 = arith.constant 0 : i32
    return %arg0, %c0_i32 : i32, i32
  }
}

</mosaic_0001>

<sc_bundles>
// kernel: kernel.6.cloned.1.call-start
scs
__scs_entry_jumppad:
0x0: {  	(pc) =	sbr.rel $0x88, $3  }
0x1: {  	(tag) =	ssettag $0x0;
	lr =	simm.s32 $0x1  }
0x2: {  	[smem:$0x3F98] =	sst lr;
	_ =	strace $0xD0000000  }
0x3: {  	_ = 	snop  }
0x4: {  	_ = 	snop  }
0x5: {  	_ = 	snop  }
0x6: {  	_ = 	snop  }
0x7: {  	_ = 	snop  }
__scs_overlays_trampoline_lowered:
0x8: {  	[smem:$0x3FA7] =	sst s0  }
0x9: {  	[smem:$0x3FA8] =	sst s1  }
0xa: {  	[smem:$0x3FA9] =	sst s2  }
0xb: {  	[smem:$0x3FAA] =	sst s3  }
0xc: {  	[smem:$0x3FAB] =	sst s4  }
0xd: {  	[smem:$0x3FAC] =	sst s5  }
0xe: {  	[smem:$0x3FAD] =	sst s6  }
0xf: {  	[smem:$0x3FAE] =	sst s7  }
0x10: {  	[smem:$0x3FAF] =	sst s8  }
0x11: {  	[smem:$0x3FB0] =	sst s9;
	s0 =	simm.s32 @!p0 $0x0  }
0x12: {  	s1 =	sld [smem:$0x3F96];
	s0 =	simm.s32 @p0 $0x1  }
0x13: {  	[smem:$0x3FB1] =	sst s0;
	s0 =	simm.s32 @!p1 $0x0  }
0x14: {  	s2 =	sld [smem:$0x3F95];
	s0 =	simm.s32 @p1 $0x1  }
0x15: {  	[smem:$0x3FB2] =	sst s0;
	s0 =	simm.s32 @!p2 $0x0  }
0x16: {  	s3 =	sld [smem:$0x3FDB];
	s0 =	simm.s32 @p2 $0x1  }
0x17: {  	s4 =	simm.s32 $0x1BF5;
	[smem:$0x3FB4] =	sst s0  }
0x18: {  	s0 =	sld [smem:$0x3F97];
	_ =	swait.ge [sflag:s4], $0x0  }
0x19: {  	s7 =	sld [smem:$0x3F98]  }
0x1a: {  	s8 =	sadd.s32 $0xFFFFE003, lr  }
0x1b: {  	s9 =	sadd.s32 $0xFFFFFEF7, lr;
	s5 =	simm.s32 $0xFFFFFFFF;
	p2 =	slt.u32 s8, $0xFFFFF086  }
0x1c: {  	p1 =	slt.u32 s9, $0xF7A;
	s5 =	simm.s32 @!p2 $0x0  }
0x1d: {  	s5 =	simm.s32 @p1 $0x1;
	p0 =	seq.s32 s7, s2  }
0x1e: {  	s7 =	smul.u32 @!p0 $0xF7A, s2;
	p2 =	seq.s32 @!p0 s5, $0x0  }
0x1f: {  	s9 =	smul.u32 $0xF7A, s1;
	s8 =	simm.s32 @!p0 $0x1BF5;
	p2 =	por !p2, p0  }
0x20: {  	[sflag:s8] =	ssyncset.s32 @!p0 $0xFFFFF086;
	s6 =	sadd.s32 @!p0 s3, s7;
	s7 =	simm.s32 @!p0 $0x108  }
0x21: {  	s3 =	sadd.s32 s3, s9;
	s6 =	sadd.s32 @!p0 $0x88, s6;
	s7 =	simm.s32 @p2 $0x1082  }
0x22: {  	[simem:s7], [sflag:s8] =	dma.local @!p0 [hbm:s6], $0xF7A  }
0x23: {  	s9 =	sor.u32 $0xD0000000, s2;
	s6 =	simm.s32 $0x108;
	_ =	swait.ge @!p0 [sflag:s8], $0x0  }
0x24: {  	s3 =	sadd.s32 $0x88, s3;
	s6 =	simm.s32 @!p1 $0x1082;
	[sflag:s4] =	ssyncset.s32 $0xFFFFF086  }
0x25: {  	[simem:s6], [sflag:s4] =	dma.local [hbm:s3], $0xF7A  }
0x26: {  	[smem:$0x3F98] =	sst s1;
	(tag) =	ssettag s2;
	_ =	strace s9  }
0x27: {  	s1 =	sld [smem:$0x3FA8]  }
0x28: {  	s2 =	sld [smem:$0x3FA9]  }
0x29: {  	s4 =	sld [smem:$0x3FAB]  }
0x2a: {  	p0 =	seq.s32 s5, $0x0;
	s5 =	sld [smem:$0x3FAC]  }
0x2b: {  	s6 =	sld [smem:$0x3FAD]  }
0x2c: {  	s7 =	sld [smem:$0x3FAE]  }
0x2d: {  	s3 =	simm.s32 $0x108;
	s8 =	sld [smem:$0x3FAF]  }
0x2e: {  	s3 =	simm.s32 @!p0 $0x1082;
	s9 =	sld [smem:$0x3FB0]  }
0x2f: {  	lr =	sadd.s32 s0, s3;
	s0 =	sld [smem:$0x3FA7]  }
0x30: {  	s3 =	sld [smem:$0x3FAA]  }
0x31: {  	[smem:$0x3FB3] =	sst s10  }
0x32: {  	s10 =	sld [smem:$0x3FB1];
	_ =	sdelay $0x3  }
0x33: {  	p0 =	seq.s32 s10, $0x1;
	s10 =	sld [smem:$0x3FB3];
	_ =	sdelay $0x3  }
0x34: {  	[smem:$0x3FB3] =	sst s10  }
0x35: {  	s10 =	sld [smem:$0x3FB2];
	_ =	sdelay $0x3  }
0x36: {  	p1 =	seq.s32 s10, $0x1;
	s10 =	sld [smem:$0x3FB3];
	_ =	sdelay $0x3  }
0x37: {  	[smem:$0x3FB3] =	sst s10  }
0x38: {  	s10 =	sld [smem:$0x3FB4]  }
0x39: {  	_ = 	snop;
	(pc) =	sbr.ind lr, $3  }
0x3a: {  	_ = 	snop  }
0x3b: {  	_ = 	snop  }
0x3c: {  	p2 =	seq.s32 s10, $0x1;
	s10 =	sld [smem:$0x3FB3]  }
0x3d: {  	_ =	shalt  }
0x3e: {  	_ =	shalt  }
0x3f: {  	_ =	shalt  }
0x40: {  	_ =	shalt  }
0x41: {  	_ =	shalt  }
0x42: {  	_ =	shalt  }
0x43: {  	_ =	shalt  }
0x44: {  	_ =	shalt  }
0x45: {  	_ =	shalt  }
0x46: {  	_ =	shalt  }
0x47: {  	_ =	shalt  }
0x48: {  	_ =	shalt  }
0x49: {  	_ =	shalt  }
0x4a: {  	_ =	shalt  }
0x4b: {  	_ =	shalt  }
0x4c: {  	_ =	shalt  }
0x4d: {  	_ =	shalt  }
0x4e: {  	_ =	shalt  }
0x4f: {  	_ =	shalt  }
0x50: {  	_ =	shalt  }
0x51: {  	_ =	shalt  }
0x52: {  	_ =	shalt  }
0x53: {  	_ =	shalt  }
0x54: {  	_ =	shalt  }
0x55: {  	_ =	shalt  }
0x56: {  	_ =	shalt  }
0x57: {  	_ =	shalt  }
0x58: {  	_ =	shalt  }
0x59: {  	_ =	shalt  }
0x5a: {  	_ =	shalt  }
0x5b: {  	_ =	shalt  }
0x5c: {  	_ =	shalt  }
0x5d: {  	_ =	shalt  }
0x5e: {  	_ =	shalt  }
0x5f: {  	_ =	shalt  }
0x60: {  	_ =	shalt  }
0x61: {  	_ =	shalt  }
0x62: {  	_ =	shalt  }
0x63: {  	_ =	shalt  }
0x64: {  	_ =	shalt  }
0x65: {  	_ =	shalt  }
0x66: {  	_ =	shalt  }
0x67: {  	_ =	shalt  }
0x68: {  	_ =	shalt  }
0x69: {  	_ =	shalt  }
0x6a: {  	_ =	shalt  }
0x6b: {  	_ =	shalt  }
0x6c: {  	_ =	shalt  }
0x6d: {  	_ =	shalt  }
0x6e: {  	_ =	shalt  }
0x6f: {  	_ =	shalt  }
0x70: {  	_ =	shalt  }
0x71: {  	_ =	shalt  }
0x72: {  	_ =	shalt  }
0x73: {  	_ =	shalt  }
0x74: {  	_ =	shalt  }
0x75: {  	_ =	shalt  }
0x76: {  	_ =	shalt  }
0x77: {  	_ =	shalt  }
0x78: {  	_ =	shalt  }
0x79: {  	_ =	shalt  }
0x7a: {  	_ =	shalt  }
0x7b: {  	_ =	shalt  }
0x7c: {  	_ =	shalt  }
0x7d: {  	_ =	shalt  }
0x7e: {  	_ =	shalt  }
0x7f: {  	_ =	shalt  }
0x80: {  	_ =	shalt  }
0x81: {  	_ =	shalt  }
0x82: {  	_ =	shalt  }
0x83: {  	_ =	shalt  }
0x84: {  	_ =	shalt  }
0x85: {  	_ =	shalt  }
0x86: {  	_ =	shalt  }
0x87: {  	_ =	shalt  }
.Lfunc_end0:
.L_simem_size_0:
called_computation_lowered:
.L_overlay_start_0:
0x88: {  	s2 =	sld [smem:$0x3FD9]  }
0x89: {  	s3 =	sld [smem:$0x3FFE];
	_ =	sdelay $0x1  }
0x8a: {  	s1 =	srdreg.scid  }
0x8b: {  	s0 =	sand.u32 $0x1, s1  }
0x8c: {  	s14 =	sshll.u32 s0, $0xA;
	s2 =	sadd.s32 s3, s2  }
0x8d: {  	s2 =	sadd.s32 s2, s14  }
0x8e: {  	[smem:$0x3FBF] =	sst s2  }
0x8f: {  	_ = 	snop  }
0x90: {  	s2 =	sld [smem:$0x3FD0]  }
0x91: {  	s15 =	sld [smem:$0x3FC9]  }
0x92: {  	s4 =	sld [smem:$0x3FC4]  }
0x93: {  	s6 =	simm.s32 $0xA;
	s7 =	simm.s32 $0x10;
	s5 =	sld [smem:$0x3FC3]  }
0x94: {  	[smem:s7], [sflag:s6] =	dma.local [hbm:s2], $0x1  }
0x95: {  	_ =	swait.eq [sflag:s6], $0x1  }
0x96: {  	[sflag:s6] =	ssyncset.done $0x0  }
0x97: {  	[sflag:s6] =	ssyncadd.s32 $0xFFFFFFFF  }
0x98: {  	s16 =	sld [smem:$0x11];
	(tm) =	ssettm $0x1  }
0x99: {  	s17 =	sld [smem:$0x3FFB];
	_ =	sdelay $0x3  }
0x9a: {  	_ =	strace s17  }
0x9b: {  	s6 =	sld [smem:$0x3FFC];
	_ =	sdelay $0x3  }
0x9c: {  	_ =	strace s6  }
0x9d: {  	s6 =	sld [smem:$0x3FFD];
	_ =	sdelay $0x3  }
0x9e: {  	_ =	strace s6  }
0x9f: {  	_ =	strace $0x8FFFFFFF  }
0xa0: {  	s18 =	sld [smem:$0x3FDB];
	_ =	sdelay $0x1  }
0xa1: {  	s19 =	simm.s32 $_scs_section_size  }
0xa2: {  	s8 =	simm.s32 $_size__tile_overlayer_lowered;
	s9 =	simm.s32 $_tile_overlayer_lowered  }
0xa3: {  	s22 =	simm.s32 $0x1BFF;
	s21 =	sshll.u32 s9, $0x1;
	s6 =	sadd.s32 s19, s18  }
0xa4: {  	s10 =	simm.s32 $0x0;
	s20 =	sshll.u32 s8, $0x1;
	s8 =	sadd.s32 s21, s6  }
0xa5: {  	[timem:s10], [sflag:s22] =	dma.local [hbm:s8], s20  }
0xa6: {  	_ =	swait.ge [sflag:s22], s20  }
0xa7: {  	s7 =	ssub.s32 $0x0, s20;
	[sflag:s22] =	ssyncset.done $0x0  }
0xa8: {  	[sflag:s22] =	ssyncadd.s32 s7;
	_ =	sdelay $0x1  }
0xa9: {  	s23 =	simm.s32 $0x1B8B  }
0xaa: {  	_ =	swait.ge [sflag:s23], $0x1  }
0xab: {  	[sflag:s23] =	ssyncset.done $0x0  }
0xac: {  	s25 =	simm.s32 $0x1B8E;
	s24 =	sld [smem:$0x3FFE];
	[sflag:s23] =	ssyncadd.s32 $0xFFFFFFFF  }
0xad: {  	s26 =	simm.s32 $execute0_lowered;
	[smem:$0x3FD2] =	sst s25  }
0xae: {  	s8 =	sshll.u32 s26, $0x1;
	_ =	strace $0x80000046;
	[dreg:$0x1] =	wrdreg $0xFFFFFFFF  }
0xaf: {  	s28 =	simm.s32 $_size_execute0_lowered;
	s6 =	sadd.s32 s6, s8;
	[dreg:$0x0] =	wrdreg $0x0  }
0xb0: {  	s8 =	sshll.u32 s28, $0x1;
	[dreg:$0x2] =	wrdreg s6  }
0xb1: {  	[dreg:$0x3] =	wrdreg s8  }
0xb2: {  	[dreg:$0x4] =	wrdreg $0xC0  }
0xb3: {  	_ =	task [dreg:s10], $0x5FFFF  }
0xb4: {  	[dreg:$0x1] =	wrdreg $0xFFFFFFFF  }
0xb5: {  	[dreg:$0x0] =	wrdreg $0x60  }
0xb6: {  	[dreg:$0x2] =	wrdreg s15  }
0xb7: {  	[dreg:$0x3] =	wrdreg s4  }
0xb8: {  	[dreg:$0x4] =	wrdreg s5  }
0xb9: {  	[dreg:$0x5] =	wrdreg s16  }
0xba: {  	[dreg:$0x6] =	wrdreg s24  }
0xbb: {  	[dreg:$0x7] =	wrdreg $0xC4000  }
0xbc: {  	[dreg:$0x8] =	wrdreg $0x9  }
0xbd: {  	_ =	task.clear_ibuf [dreg:s10], $0x9FFFF;
	_ =	strace $0x90000046  }
0xbe: {  	s29 =	simm.s32 $0x9;
	_ =	strace $0x80000048  }
0xbf: {  	_ =	swait.ge [sflag:s29], $0x1  }
0xc0: {  	[sflag:s29] =	ssyncadd.s32 $0xFFFFFFFF  }
0xc1: {  	_ =	strace $0x90000048  }
0xc2: {  	_ =	sfence  }
0xc3: {  	s30 =	sld [smem:$0x0];
	_ =	sdelay $0x2  }
0xc4: {  	s31 =	sshll.u32 s1, $0xD;
	s1 =	sshrl.u32 s1, $0x2  }
0xc5: {  	s3 =	sand.u32 $0x4000, s31;
	s1 =	sadd.s32 s1, s30  }
0xc6: {  	s0 =	sor.u32 s3, s0;
	s1 =	sshll.u32 s1, $0x11  }
0xc7: {  	s0 =	sor.u32 s1, s0  }
0xc8: {  	s0 =	sadd.s32 $0x8F2B, s0  }
0xc9: {  	[sflag:s0] =	ssyncadd.remote.s32 $0x1  }
0xca: {  	_ =	sfence.sel $0xFFFF  }
0xcb: {  	[dreg:$0x0] =	wrdreg $0xFFFFFFFF;
	(pc) =	sbr.abs _section_cstart, $3  }
0xcc: {  	[dreg:$0x1] =	wrdreg $0xFFFFFFFF  }
0xcd: {  	_ =	task.clear_ibuf [dreg:s10], $0x2FFFF;
	_ =	strace $0x9FFFFFFF  }
0xce: {  	(tm) =	ssettm $0x7FFFFFFF  }
0xcf: {  	_ =	shalt  }
tec
execute0_lowered:
.L_overlay_start_1:
0x0: {  	(tag) =	ssettag $0x1  }
0x1: {  	s0 =	rddreg [dreg:$0x0]  }
0x2: {  	s1 =	rddreg [dreg:$0x1]  }
0x3: {  	s2 =	rddreg [dreg:$0x2]  }
0x4: {  	s22 =	rddreg [dreg:$0x3]  }
0x5: {  	s5 =	rddreg [dreg:$0x4]  }
0x6: {  	s3 =	rddreg [dreg:$0x5]  }
0x7: {  	s6 =	srdreg.scid;
	s25 =	simm.s32 $0x0;
	s4 =	stileid.u32  }
0x8: {  	s28 =	simm.s32 $0x80;
	s30 =	simm.s32 $0x2;
	s31 =	simm.s32 $0x3  }
0x9: {  	s7 =	sand.u32 $0x1, s6;
	[smem:$0x7FF] =	sst s25;
	s9 =	smul.u32 $0x5000, s4  }
0xa: {  	s5 =	sadd.s32 $0x2200, s5;
	p0 =	seq.s32 s4, $0xF;
	s29 =	smul.u32 $0x4E000, s4  }
0xb: {  	s6 =	ssub.s32 $0x2, s7;
	_ =	strace $0x80000047;
	s10 =	sshll.u32 s7, $0x8  }
0xc: {  	s14 =	smul.u32 $0x271000, s7;
	s7 =	sshllo.u32 s7, $0x1;
	s11 =	sor.u32 s10, s9  }
0xd: {  	s8 =	sshrl.u32 s6, $0x1;
	s12 =	sor.u32 $0x200, s9;
	s13 =	sshrl.u32 s11, $0x3  }
0xe: {  	s10 =	sor.u32 s10, s12;
	s20 =	sshrl.u32 s14, $0x3;
	s15 =	sadd.s32 s1, s13  }
0xf: {  	s10 =	sshrl.u32 s10, $0x3;
	s13 =	sadd.s32 s2, s13;
	[dreg:$0x7] =	wrdreg s15  }
0x10: {  	s15 =	smul.u32 $0x13800, s4;
	[dreg:$0x8] =	wrdreg s13;
	s26 =	sadd.s32 s1, s10  }
0x11: {  	s16 =	sadd.s32 s2, s10;
	s13 =	sshrl.u32 s29, $0x2;
	[dreg:$0x9] =	wrdreg s26  }
0x12: {  	[dreg:$0xa] =	wrdreg s16;
	s16 =	sshll.u32 s7, $0x7;
	s18 =	sadd.s32 s13, s3  }
0x13: {  	s7 =	smul.u32 $0x138800, s7;
	s17 =	sadd.s32 s15, s14;
	[dreg:$0xb] =	wrdreg s18  }
0x14: {  	s9 =	sor.u32 s9, s16;
	s12 =	sor.u32 s12, s16;
	s10 =	sshrl.u32 s17, $0x3  }
0x15: {  	s16 =	sor.u32 $0x400, s11;
	s9 =	sshrl.u32 s9, $0x3;
	s19 =	sadd.s32 s5, s10  }
0x16: {  	s24 =	sshrl.u32 s12, $0x3;
	s21 =	sadd.s32 s1, s9;
	[dreg:$0xc] =	wrdreg s19  }
0x17: {  	s26 =	sadd.s32 s15, s7;
	s23 =	sadd.s32 s2, s9;
	[dreg:$0xd] =	wrdreg s21  }
0x18: {  	s17 =	sshrl.u32 s16, $0x3;
	s29 =	sadd.s32 s1, s24;
	[dreg:$0xe] =	wrdreg s23  }
0x19: {  	s10 =	sadd.s32 s5, s20;
	s13 =	sadd.s32 s2, s24;
	[dreg:$0xf] =	wrdreg s29  }
0x1a: {  	s14 =	sshrl.u32 s26, $0x3;
	s20 =	sadd.s32 s17, s1;
	[dreg:$0x10] =	wrdreg s13  }
0x1b: {  	s8 =	ssub.s32 s6, s8;
	s15 =	sadd.s32 s5, s14;
	[dreg:$0x13] =	wrdreg s20  }
0x1c: {  	s6 =	simm.s32 $0x19;
	s19 =	sadd.s32 s17, s2;
	[dreg:$0x11] =	wrdreg s15  }
0x1d: {  	s6 =	simm.s32 @!p0 $0x28;
	s23 =	sadd.s32 $0x124800, s3;
	[dreg:$0x12] =	wrdreg s19  }
0x1e: {  	s18 =	sor.u32 $0x480, s11;
	s24 =	sadd.s32 $0x24900, s10;
	[dreg:$0x16] =	wrdreg s23  }
0x1f: {  	s21 =	sshrl.u32 s18, $0x3;
	s29 =	smax.u32 s8, $0x1;
	[dreg:$0x17] =	wrdreg s24  }
0x20: {  	s7 =	sshrl.u32 s7, $0x3;
	s2 =	sadd.s32 s21, s2;
	[dreg:$0x19] =	wrdreg s29  }
0x21: {  	s5 =	sadd.s32 s5, s7;
	s1 =	sadd.s32 s21, s1;
	[dreg:$0x14] =	wrdreg s2  }
0x22: {  	s26 =	sadd.s32 $0x24900, s5;
	s24 =	simm.s32 $0x200;
	[dreg:$0x15] =	wrdreg s1  }
0x23: {  	s23 =	simm.s32 $0x280;
	[dreg:$0x18] =	wrdreg s26;
	s1 =	simm.s32 $0x0  }
.LBB2_1:
0x24: {  	s2 =	rddreg [dreg:$0x7]  }
0x25: {  	s9 =	rddreg [dreg:$0x8]  }
0x26: {  	[tilespmem:s25], [sflag:$0x1] =	stream.linear.gather [hbm4b:s2+s25], $0x80, $0x38;
	[tilespmem:$0x1FC80] =	vst v63  }
0x27: {  	s10 =	rddreg [dreg:$0x9]  }
0x28: {  	[tilespmem:s24], [sflag:$0x1] =	stream.linear.gather [hbm4b:s9+s25], $0x80, $0x38;
	[tilespmem:$0x1FC80] =	vst v63  }
0x29: {  	s2 =	rddreg [dreg:$0x16]  }
0x2a: {  	[tilespmem:s28], [sflag:$0x1] =	stream.linear.gather [hbm4b:s10+s25], $0x80, $0x38;
	[tilespmem:$0x1FC80] =	vst v63  }
0x2b: {  	s11 =	rddreg [dreg:$0xa];
	s5 =	sshrl.u32 @p0 s2, $0x3;
	s2 =	simm.s32 @p0 $0x1FC4  }
0x2c: {  	[tilespmem:s23], [sflag:$0x1] =	stream.linear.gather [hbm4b:s11+s25], $0x80, $0x38;
	[tilespmem:$0x1FC80] =	vst v63  }
0x2d: {  	[spmem:s5], [sflag:s2] =	dma.local @p0 [hbm:s22], $0x2800  }
0x2e: {  	s11 =	simm.s32 @p0 $0x4;
	s2 =	stileid.u32  }
0x2f: {  	_ =	swait.ge @p0 [sflag:s11], $0x2800;
	s2 =	sshll.u32 @!p0 s2, $0x6  }
0x30: {  	[sflag:s11] =	ssyncset.done @p0 $0x0;
	s7 =	sor.u32 @!p0 $0x1C04, s2;
	s2 =	rddreg [dreg:$0xb]  }
0x31: {  	s14 =	simm.s32 @!p0 $0x4;
	[sflag:s11] =	ssyncadd.s32 @p0 $0xFFFFD800;
	s8 =	sshrl.u32 @!p0 s2, $0x3  }
0x32: {  	[spmem:s8], [sflag:s7] =	dma.local @!p0 [hbm:s22], $0x2700  }
0x33: {  	_ =	swait.ge @!p0 [sflag:s14], $0x2700  }
0x34: {  	[sflag:s14] =	ssyncset.done @!p0 $0x0  }
0x35: {  	s13 =	simm.s32 $0x1;
	[sflag:s14] =	ssyncadd.s32 @!p0 $0xFFFFD900  }
0x36: {  	_ =	swait.ge [sflag:s13], $0x80  }
0x37: {  	p1 =	por $0x1, $0x1;
	[sflag:s13] =	ssyncset.done $0x0  }
0x38: {  	s12 =	simm.s32 $0x100;
	s17 =	simm.s32 $0x180;
	[sflag:s13] =	ssyncadd.s32 $0xFFFFFF80  }
0x39: {  	p2 =	sle.u32 s6, $0x2;
	s20 =	smulhi.u32 $0xAAAAAAAB, s25;
	_ =	swait.ge [sflag:s13], $0x80  }
0x3a: {  	s15 =	simm.s32 $0x0;
	s16 =	simm.s32 @!p2 $0x0;
	[sflag:s13] =	ssyncset.done $0x0  }
0x3b: {  	s18 =	smulhi.u32 $0xAAAAAAAB, s13;
	s9 =	simm.s32 $0x400;
	[sflag:s13] =	ssyncadd.s32 $0xFFFFFF80  }
0x3c: {  	[tilespmem:s9], [sflag:$0x2] =	stream.indirect.gather [hbm4b:s0+s28], $0x80, s25, s28, $0xb8;
	[tilespmem:$0x1FC80] =	vst v63  }
0x3d: {  	s20 =	sshrl.u32 s20, $0x1;
	s2 =	simm.s32 @!p1 $0x3;
	[bflag:$0x0] =	sbarrier.arrive $0xFFFF  }
0x3e: {  	s21 =	sand.u32 $0x600, s15;
	s20 =	smul.u32 $0xFFFD0000, s20;
	_ =	swait.ge @!p1 [sflag:s2], $0x4000  }
0x3f: {  	s10 =	simm.s32 $0x4400;
	s4 =	rddreg [dreg:$0x13];
	[sflag:s2] =	ssyncset.done @!p1 $0x0  }
0x40: {  	s23 =	simm.s32 $0x1;
	s29 =	sadd.s32 $0x40, s4;
	[sflag:s2] =	ssyncadd.s32 @!p1 $0xFFFFC000  }
0x41: {  	s2 =	sand.u32 @!p2 $0x180, s12;
	p1 =	sle.u32 s6, $0x1;
	s12 =	sshrl.u32 s18, $0x1  }
0x42: {  	[tilespmem:s2], [sflag:$0x1] =	stream.linear.gather @!p2 [hbm4b:s4+s16], $0x80, $0x38;
	[tilespmem:$0x1FC80] =	vst v63  }
0x43: {  	s2 =	sor.u32 @!p2 $0x200, s2;
	s4 =	rddreg [dreg:$0x12];
	s18 =	simm.s32 @!p1 $0x1  }
0x44: {  	[tilespmem:s2], [sflag:$0x1] =	stream.linear.gather @!p2 [hbm4b:s4+s16], $0x80, $0x38;
	[tilespmem:$0x1FC80] =	vst v63  }
0x45: {  	s22 =	simm.s32 $0x4400;
	s25 =	simm.s32 $0x400;
	_ =	swait.ge @!p1 [sflag:s18], $0x80  }
0x46: {  	s26 =	simm.s32 @!p1 $0x80;
	s16 =	sand.u32 @!p1 $0x600, s24;
	[sflag:s18] =	ssyncset.done @!p1 $0x0  }
0x47: {  	s2 =	smul.u32 $0xFFFD0000, s12;
	s24 =	sadd.s32 $0x40, s4;
	[sflag:s18] =	ssyncadd.s32 @!p1 $0xFFFFFF80  }
0x48: {  	p2 =	sne.s32 s6, $0x1;
	s19 =	sshrl.u32 @!p1 s16, $0x2;
	_ =	swait.ge @!p1 [sflag:s18], $0x80  }
.Ltmp0:
0x49: {  	s2 =	sshra.s32 s2, $0x2;
	[sflag:s18] =	ssyncset.done @!p1 $0x0;
	(pc) =	sbr.rel @!p2 .LBB2_3-.Ltmp0, $4  }
0x4a: {  	s16 =	sadd.s32 $0x4400, s2;
	s2 =	simm.s32 $0x400;
	[sflag:s18] =	ssyncadd.s32 @!p1 $0xFFFFFF80  }
0x4b: {  	[tilespmem:s16], [sflag:$0x2] =	stream.indirect.gather @!p1 [hbm4b:s0+s26], $0x80, s19, s26, $0xb8;
	[tilespmem:$0x1FC80] =	vst v63  }
0x4c: {  	s18 =	simm.s32 $0x4400;
	s26 =	sshrl.u32 s21, $0x2;
	_ =	swait.ge [sflag:s30], $0x4000  }
0x4d: {  	s19 =	sor.u32 $0x200, s26;
	s26 =	simm.s32 $0x2;
	[sflag:s30] =	ssyncset.done $0x0  }
.LBB2_2:
0x4e: {  	s20 =	sshra.s32 s20, $0x2  }
0x4f: {  	[sflag:s30] =	ssyncadd.s32 $0xFFFFC000;
	s18 =	sadd.s32 $0x4000, s18;
	s21 =	smov.u32 s17  }
0x50: {  	p1 =	slt.u32 s23, $0x2;
	s20 =	sadd.s32 s20, s2;
	s2 =	smov.u32 s22  }
0x51: {  	[spmem:s3] =	stream.indirect.scatter.add.f32 [tilespmem:s20], [sflag:$0x3], $0x80, s19, s28, $0xb8;
	[tilespmem:$0x1FC80] =	vst v63  }
0x52: {  	s17 =	sadd.s32 $0x80, s17;
	s19 =	smov.u32 s29;
	s20 =	smov.u32 s23  }
0x53: {  	s12 =	sadd.s32 $0xFFFFFE00, s25;
	s15 =	simm.s32 @!p1 $0x3;
	s22 =	sadd.s32 $0x4000, s22  }
0x54: {  	s23 =	sadd.s32 $0x2, s23;
	s29 =	sadd.s32 $0x40, s29;
	_ =	swait.ge @!p1 [sflag:s15], $0x4000  }
0x55: {  	p2 =	sge.u32 s23, s6;
	s23 =	sadd.s32 $0xFFFFFFFF, s23;
	[sflag:s15] =	ssyncset.done @!p1 $0x0  }
0x56: {  	[sflag:s15] =	ssyncadd.s32 @!p1 $0xFFFFC000;
	s15 =	sand.u32 @!p2 $0x180, s21;
	s21 =	simm.s32 @!p2 $0x0  }
0x57: {  	[tilespmem:s15], [sflag:$0x1] =	stream.linear.gather @!p2 [hbm4b:s19+s21], $0x80, $0x38;
	[tilespmem:$0x1FC80] =	vst v63  }
0x58: {  	p1 =	sge.u32 s23, s6;
	s19 =	smulhi.u32 $0xAAAAAAAB, s26;
	s15 =	sor.u32 @!p2 $0x200, s15  }
0x59: {  	[tilespmem:s15], [sflag:$0x1] =	stream.linear.gather @!p2 [hbm4b:s24+s21], $0x80, $0x38;
	[tilespmem:$0x1FC80] =	vst v63  }
0x5a: {  	s15 =	sshrl.u32 s19, $0x1;
	s19 =	simm.s32 @!p1 $0x1;
	s21 =	sand.u32 @!p1 $0x600, s25  }
0x5b: {  	s15 =	smul.u32 $0xFFFD0000, s15;
	s21 =	sshrl.u32 @!p1 s21, $0x2;
	_ =	swait.ge @!p1 [sflag:s19], $0x80  }
0x5c: {  	s24 =	sadd.s32 $0x40, s24;
	p2 =	sne.s32 s23, s6;
	[sflag:s19] =	ssyncset.done @!p1 $0x0  }
0x5d: {  	s20 =	smulhi.u32 $0xAAAAAAAB, s20;
	s15 =	sshra.s32 s15, $0x2;
	[sflag:s19] =	ssyncadd.s32 @!p1 $0xFFFFFF80  }
0x5e: {  	s12 =	sand.u32 $0x600, s12;
	s25 =	sadd.s32 $0x200, s25;
	_ =	swait.ge @!p1 [sflag:s19], $0x80  }
.Ltmp1:
0x5f: {  	s4 =	simm.s32 @!p1 $0x80;
	[sflag:s19] =	ssyncset.done @!p1 $0x0;
	(pc) =	sbr.rel @p2 .LBB2_2-.Ltmp1, $4  }
0x60: {  	s20 =	sshrl.u32 s20, $0x1;
	s15 =	sadd.s32 s15, s18;
	[sflag:s19] =	ssyncadd.s32 @!p1 $0xFFFFFF80  }
0x61: {  	[tilespmem:s15], [sflag:$0x2] =	stream.indirect.gather @!p1 [hbm4b:s0+s4], $0x80, s21, s4, $0xb8;
	[tilespmem:$0x1FC80] =	vst v63  }
0x62: {  	s20 =	smul.u32 $0xFFFD0000, s20;
	s4 =	sshrl.u32 s12, $0x2;
	_ =	swait.ge [sflag:s30], $0x4000  }
0x63: {  	s26 =	sadd.s32 $0x1, s26;
	s19 =	sor.u32 $0x200, s4;
	[sflag:s30] =	ssyncset.done $0x0  }
.LBB2_3:
0x64: {  	s4 =	sshra.s32 s20, $0x2  }
0x65: {  	[sflag:s30] =	ssyncadd.s32 $0xFFFFC000;
	s2 =	sadd.s32 s4, s2  }
0x66: {  	[spmem:s3] =	stream.indirect.scatter.add.f32 [tilespmem:s2], [sflag:$0x3], $0x80, s19, s28, $0xb8;
	[tilespmem:$0x1FC80] =	vst v63  }
0x67: {  	_ =	swait.ge [sflag:s31], $0x4000  }
0x68: {  	[sflag:s31] =	ssyncset.done $0x0  }
0x69: {  	[sflag:s31] =	ssyncadd.s32 $0xFFFFC000  }
0x6a: {  	_ =	swait.ge [sflag:s31], $0x4000  }
0x6b: {  	[sflag:s31] =	ssyncset.done $0x0  }
0x6c: {  	[sflag:s31] =	ssyncadd.s32 $0xFFFFC000  }
0x6d: {  	[bflag:$0x0] =	sbarrier.arrive $0xFFFF  }
0x6e: {  	s4 =	simm.s32 @p0 $0x1FC4;
	s2 =	rddreg [dreg:$0x17]  }
0x6f: {  	[hbm:s2], [sflag:s4] =	dma.local @p0 [spmem:s5], $0x2800  }
0x70: {  	_ =	swait.ge @p0 [sflag:s11], $0x2800  }
0x71: {  	[sflag:s11] =	ssyncset.done @p0 $0x0  }
0x72: {  	s2 =	rddreg [dreg:$0xc];
	[sflag:s11] =	ssyncadd.s32 @p0 $0xFFFFD800  }
0x73: {  	[hbm:s2], [sflag:s7] =	dma.local @!p0 [spmem:s8], $0x2700  }
0x74: {  	_ =	swait.ge @!p0 [sflag:s14], $0x2700  }
0x75: {  	[sflag:s14] =	ssyncset.done @!p0 $0x0  }
0x76: {  	[sflag:s14] =	ssyncadd.s32 @!p0 $0xFFFFD900  }
0x77: {  	[bflag:$0x0] =	sbarrier.arrive $0xFFFF  }
0x78: {  	s17 =	rddreg [dreg:$0xd]  }
0x79: {  	s25 =	simm.s32 $0x0;
	s18 =	rddreg [dreg:$0xe]  }
0x7a: {  	[tilespmem:s25], [sflag:$0x1] =	stream.linear.gather [hbm4b:s17+s25], $0x80, $0x38;
	[tilespmem:$0x1FC80] =	vst v63  }
0x7b: {  	s24 =	simm.s32 $0x200;
	s19 =	rddreg [dreg:$0xf]  }
0x7c: {  	[tilespmem:s24], [sflag:$0x1] =	stream.linear.gather [hbm4b:s18+s25], $0x80, $0x38;
	[tilespmem:$0x1FC80] =	vst v63  }
0x7d: {  	s20 =	rddreg [dreg:$0x10]  }
0x7e: {  	[tilespmem:s28], [sflag:$0x1] =	stream.linear.gather [hbm4b:s19+s25], $0x80, $0x38;
	[tilespmem:$0x1FC80] =	vst v63  }
0x7f: {  	s23 =	simm.s32 $0x280;
	s22 =	rddreg [dreg:$0x3]  }
0x80: {  	[tilespmem:s23], [sflag:$0x1] =	stream.linear.gather [hbm4b:s20+s25], $0x80, $0x38;
	[tilespmem:$0x1FC80] =	vst v63  }
0x81: {  	[spmem:s5], [sflag:s4] =	dma.local @p0 [hbm:s22], $0x2800  }
0x82: {  	_ =	swait.ge @p0 [sflag:s11], $0x2800  }
0x83: {  	[sflag:s11] =	ssyncset.done @p0 $0x0  }
0x84: {  	[sflag:s11] =	ssyncadd.s32 @p0 $0xFFFFD800  }
0x85: {  	[spmem:s8], [sflag:s7] =	dma.local @!p0 [hbm:s22], $0x2700  }
0x86: {  	_ =	swait.ge @!p0 [sflag:s14], $0x2700  }
0x87: {  	[sflag:s14] =	ssyncset.done @!p0 $0x0  }
0x88: {  	[sflag:s14] =	ssyncadd.s32 @!p0 $0xFFFFD900  }
0x89: {  	_ =	swait.ge [sflag:s13], $0x80  }
0x8a: {  	[sflag:s13] =	ssyncset.done $0x0  }
0x8b: {  	[sflag:s13] =	ssyncadd.s32 $0xFFFFFF80  }
0x8c: {  	_ =	swait.ge [sflag:s13], $0x80  }
0x8d: {  	[sflag:s13] =	ssyncset.done $0x0  }
0x8e: {  	s21 =	simm.s32 $0x0;
	p1 =	por $0x1, $0x1;
	[sflag:s13] =	ssyncadd.s32 $0xFFFFFF80  }
0x8f: {  	[tilespmem:s9], [sflag:$0x2] =	stream.indirect.gather [hbm4b:s0+s28], $0x80, s21, s28, $0xb8;
	[tilespmem:$0x1FC80] =	vst v63  }
0x90: {  	s4 =	simm.s32 @!p1 $0x3;
	[bflag:$0x0] =	sbarrier.arrive $0xFFFF  }
0x91: {  	_ =	swait.ge @!p1 [sflag:s4], $0x4000  }
0x92: {  	[sflag:s4] =	ssyncset.done @!p1 $0x0  }
0x93: {  	p2 =	sle.u32 s6, $0x2;
	[sflag:s4] =	ssyncadd.s32 @!p1 $0xFFFFC000;
	s4 =	simm.s32 $0x100  }
0x94: {  	s11 =	simm.s32 @!p2 $0x0;
	s13 =	rddreg [dreg:$0x15];
	s4 =	sand.u32 @!p2 $0x180, s4  }
0x95: {  	[tilespmem:s4], [sflag:$0x1] =	stream.linear.gather @!p2 [hbm4b:s13+s11], $0x80, $0x38;
	[tilespmem:$0x1FC80] =	vst v63  }
0x96: {  	s18 =	rddreg [dreg:$0x14];
	p1 =	sle.u32 s6, $0x1;
	s4 =	sor.u32 @!p2 $0x200, s4  }
0x97: {  	[tilespmem:s4], [sflag:$0x1] =	stream.linear.gather @!p2 [hbm4b:s18+s11], $0x80, $0x38;
	[tilespmem:$0x1FC80] =	vst v63  }
0x98: {  	s4 =	simm.s32 @!p1 $0x1  }
0x99: {  	_ =	swait.ge @!p1 [sflag:s4], $0x80  }
0x9a: {  	[sflag:s4] =	ssyncset.done @!p1 $0x0  }
0x9b: {  	[sflag:s4] =	ssyncadd.s32 @!p1 $0xFFFFFF80  }
0x9c: {  	s14 =	simm.s32 $0x200;
	_ =	swait.ge @!p1 [sflag:s4], $0x80  }
0x9d: {  	s2 =	smulhi.u32 $0xAAAAAAAB, s21;
	s15 =	sand.u32 @!p1 $0x600, s14;
	[sflag:s4] =	ssyncset.done @!p1 $0x0  }
0x9e: {  	s17 =	simm.s32 @!p1 $0x80;
	s15 =	sshrl.u32 @!p1 s15, $0x2;
	[sflag:s4] =	ssyncadd.s32 @!p1 $0xFFFFFF80  }
0x9f: {  	[tilespmem:s16], [sflag:$0x2] =	stream.indirect.gather @!p1 [hbm4b:s0+s17], $0x80, s15, s17, $0xb8;
	[tilespmem:$0x1FC80] =	vst v63  }
0xa0: {  	s12 =	simm.s32 $0x4400;
	p1 =	sne.s32 s6, $0x1  }
.Ltmp2:
0xa1: {  	s26 =	simm.s32 $0x0;
	s2 =	sshrl.u32 s2, $0x1;
	(pc) =	sbr.rel @!p1 .LBB2_5-.Ltmp2, $4  }
0xa2: {  	s14 =	simm.s32 $0x1;
	s13 =	sadd.s32 $0x40, s13;
	s11 =	simm.s32 $0x180  }
0xa3: {  	s4 =	sand.u32 $0x600, s26;
	s15 =	sadd.s32 $0x40, s18;
	s16 =	simm.s32 $0x400  }
0xa4: {  	s18 =	smul.u32 $0xFFFD0000, s2;
	s29 =	sshrl.u32 s4, $0x2;
	_ =	swait.ge [sflag:s30], $0x4000  }
0xa5: {  	s2 =	simm.s32 $0x2;
	s17 =	sor.u32 $0x200, s29;
	[sflag:s30] =	ssyncset.done $0x0  }
.LBB2_4:
0xa6: {  	s4 =	sshra.s32 s18, $0x2  }
0xa7: {  	[sflag:s30] =	ssyncadd.s32 $0xFFFFC000;
	s10 =	sadd.s32 $0x4000, s10;
	s18 =	smov.u32 s11  }
0xa8: {  	p1 =	slt.u32 s14, $0x2;
	s4 =	sadd.s32 s4, s9;
	s9 =	smov.u32 s12  }
0xa9: {  	[spmem:s3] =	stream.indirect.scatter.add.f32 [tilespmem:s4], [sflag:$0x3], $0x80, s17, s28, $0xb8;
	[tilespmem:$0x1FC80] =	vst v63  }
0xaa: {  	s11 =	sadd.s32 $0x80, s11;
	s4 =	smov.u32 s13;
	s17 =	smov.u32 s14  }
0xab: {  	s20 =	sadd.s32 $0xFFFFFE00, s16;
	s19 =	simm.s32 @!p1 $0x3;
	s12 =	sadd.s32 $0x4000, s12  }
0xac: {  	s14 =	sadd.s32 $0x2, s14;
	s13 =	sadd.s32 $0x40, s13;
	_ =	swait.ge @!p1 [sflag:s19], $0x4000  }
0xad: {  	p2 =	sge.u32 s14, s6;
	s14 =	sadd.s32 $0xFFFFFFFF, s14;
	[sflag:s19] =	ssyncset.done @!p1 $0x0  }
0xae: {  	s18 =	sand.u32 @!p2 $0x180, s18;
	[sflag:s19] =	ssyncadd.s32 @!p1 $0xFFFFC000;
	s19 =	simm.s32 @!p2 $0x0  }
0xaf: {  	[tilespmem:s18], [sflag:$0x1] =	stream.linear.gather @!p2 [hbm4b:s4+s19], $0x80, $0x38;
	[tilespmem:$0x1FC80] =	vst v63  }
0xb0: {  	p1 =	sge.u32 s14, s6;
	s4 =	smulhi.u32 $0xAAAAAAAB, s2;
	s18 =	sor.u32 @!p2 $0x200, s18  }
0xb1: {  	[tilespmem:s18], [sflag:$0x1] =	stream.linear.gather @!p2 [hbm4b:s15+s19], $0x80, $0x38;
	[tilespmem:$0x1FC80] =	vst v63  }
0xb2: {  	s4 =	sshrl.u32 s4, $0x1;
	s18 =	simm.s32 @!p1 $0x1;
	s19 =	sand.u32 @!p1 $0x600, s16  }
0xb3: {  	s4 =	smul.u32 $0xFFFD0000, s4;
	s19 =	sshrl.u32 @!p1 s19, $0x2;
	_ =	swait.ge @!p1 [sflag:s18], $0x80  }
0xb4: {  	s15 =	sadd.s32 $0x40, s15;
	p2 =	sne.s32 s14, s6;
	[sflag:s18] =	ssyncset.done @!p1 $0x0  }
0xb5: {  	s17 =	smulhi.u32 $0xAAAAAAAB, s17;
	s4 =	sshra.s32 s4, $0x2;
	[sflag:s18] =	ssyncadd.s32 @!p1 $0xFFFFFF80  }
0xb6: {  	s20 =	sand.u32 $0x600, s20;
	s16 =	sadd.s32 $0x200, s16;
	_ =	swait.ge @!p1 [sflag:s18], $0x80  }
.Ltmp3:
0xb7: {  	s21 =	simm.s32 @!p1 $0x80;
	[sflag:s18] =	ssyncset.done @!p1 $0x0;
	(pc) =	sbr.rel @p2 .LBB2_4-.Ltmp3, $4  }
0xb8: {  	s17 =	sshrl.u32 s17, $0x1;
	s4 =	sadd.s32 s4, s10;
	[sflag:s18] =	ssyncadd.s32 @!p1 $0xFFFFFF80  }
0xb9: {  	[tilespmem:s4], [sflag:$0x2] =	stream.indirect.gather @!p1 [hbm4b:s0+s21], $0x80, s19, s21, $0xb8;
	[tilespmem:$0x1FC80] =	vst v63  }
0xba: {  	s18 =	smul.u32 $0xFFFD0000, s17;
	s4 =	sshrl.u32 s20, $0x2;
	_ =	swait.ge [sflag:s30], $0x4000  }
0xbb: {  	s2 =	sadd.s32 $0x1, s2;
	s17 =	sor.u32 $0x200, s4;
	[sflag:s30] =	ssyncset.done $0x0  }
.LBB2_5:
0xbc: {  	s2 =	sshra.s32 s18, $0x2  }
0xbd: {  	[sflag:s30] =	ssyncadd.s32 $0xFFFFC000;
	s2 =	sadd.s32 s2, s9  }
0xbe: {  	[spmem:s3] =	stream.indirect.scatter.add.f32 [tilespmem:s2], [sflag:$0x3], $0x80, s17, s28, $0xb8;
	[tilespmem:$0x1FC80] =	vst v63  }
0xbf: {  	_ =	swait.ge [sflag:s31], $0x4000  }
0xc0: {  	[sflag:s31] =	ssyncset.done $0x0  }
0xc1: {  	[sflag:s31] =	ssyncadd.s32 $0xFFFFC000  }
0xc2: {  	_ =	swait.ge [sflag:s31], $0x4000  }
0xc3: {  	[sflag:s31] =	ssyncset.done $0x0  }
0xc4: {  	[sflag:s31] =	ssyncadd.s32 $0xFFFFC000  }
0xc5: {  	[bflag:$0x0] =	sbarrier.arrive $0xFFFF  }
0xc6: {  	s2 =	simm.s32 @p0 $0x1FC4;
	s4 =	rddreg [dreg:$0x18]  }
0xc7: {  	[hbm:s4], [sflag:s2] =	dma.local @p0 [spmem:s5], $0x2800  }
0xc8: {  	s2 =	simm.s32 @p0 $0x4  }
0xc9: {  	_ =	swait.ge @p0 [sflag:s2], $0x2800  }
0xca: {  	[sflag:s2] =	ssyncset.done @p0 $0x0  }
0xcb: {  	[sflag:s2] =	ssyncadd.s32 @p0 $0xFFFFD800;
	s2 =	rddreg [dreg:$0x11]  }
0xcc: {  	[hbm:s2], [sflag:s7] =	dma.local @!p0 [spmem:s8], $0x2700  }
0xcd: {  	s2 =	simm.s32 @!p0 $0x4  }
0xce: {  	_ =	swait.ge @!p0 [sflag:s2], $0x2700  }
0xcf: {  	s1 =	sadd.s32 $0x1, s1;
	s29 =	rddreg [dreg:$0x19]  }
0xd0: {  	p1 =	sne.s32 s1, s29  }
.Ltmp4:
0xd1: {  	_ = 	snop;
	(pc) =	sbr.rel @p1 .LBB2_1-.Ltmp4, $3  }
0xd2: {  	[sflag:s2] =	ssyncset.done @!p0 $0x0  }
0xd3: {  	[sflag:s2] =	ssyncadd.s32 @!p0 $0xFFFFD900  }
0xd4: {  	[bflag:$0x0] =	sbarrier.arrive $0xFFFF;
	_ =	sdelay $0x1  }
0xd5: {  	_ =	sfence.sel $0x180000  }
0xd6: {  	[bflag:$0x0] =	sbarrier.arrive $0xFFFF  }
0xd7: {  	_ =	strace $0x90000047  }
0xd8: {  	s0 =	stileid.u32;
	[bflag:$0x2] =	sbarrier.arrive $0xFFFF  }
0xd9: {  	p0 =	sne.s32 s0, $0x0;
	s0 =	rddreg [dreg:$0x6]  }
0xda: {  	s0 =	sadd.s32 @!p0 $0x100000, s0  }
0xdb: {  	[sflag:s0] =	ssyncadd.tile.s32 @!p0 $0x1;
	_ =	shalt  }
.Lfunc_end2:
_tile_overlayer_lowered:
.L_overlay_start_2:
0xdc: {  	(tag) =	ssettag $0x2  }
0xdd: {  	s0 =	rddreg [dreg:$0x0];
	s2 =	stileid.u32  }
0xde: {  	s1 =	rddreg [dreg:$0x1];
	p0 =	sne.s32 s2, $0x0  }
0xdf: {  	s3 =	rddreg [dreg:$0x2];
	[bflag:$0x3] =	sbarrier.arrive $0xFFFF;
	s2 =	simm.s32 @!p0 $0x1C04  }
0xe0: {  	[timem:s3], [sflag:s2] =	dma.local @!p0 [hbm:s0], s1  }
0xe1: {  	s0 =	simm.s32 @!p0 $0x4  }
0xe2: {  	_ =	swait.ge @!p0 [sflag:s0], s1  }
0xe3: {  	s1 =	ssub.s32 @!p0 $0x0, s1;
	[sflag:s0] =	ssyncset.done @!p0 $0x0  }
0xe4: {  	[sflag:s0] =	ssyncadd.s32 @!p0 s1  }
0xe5: {  	[bflag:$0x3] =	sbarrier.arrive $0xFFFF  }
0xe6: {  	_ =	shalt  }

// kernel: kernel.9.cloned.1.call-start
scs
__scs_entry_jumppad:
0x0: {  	(pc) =	sbr.rel $0x88, $3  }
0x1: {  	(tag) =	ssettag $0x0;
	lr =	simm.s32 $0x1  }
0x2: {  	[smem:$0x3F98] =	sst lr;
	_ =	strace $0xD0000000  }
0x3: {  	_ = 	snop  }
0x4: {  	_ = 	snop  }
0x5: {  	_ = 	snop  }
0x6: {  	_ = 	snop  }
0x7: {  	_ = 	snop  }
__scs_overlays_trampoline_lowered:
0x8: {  	[smem:$0x3FA7] =	sst s0  }
0x9: {  	[smem:$0x3FA8] =	sst s1  }
0xa: {  	[smem:$0x3FA9] =	sst s2  }
0xb: {  	[smem:$0x3FAA] =	sst s3  }
0xc: {  	[smem:$0x3FAB] =	sst s4  }
0xd: {  	[smem:$0x3FAC] =	sst s5  }
0xe: {  	[smem:$0x3FAD] =	sst s6  }
0xf: {  	[smem:$0x3FAE] =	sst s7  }
0x10: {  	[smem:$0x3FAF] =	sst s8  }
0x11: {  	[smem:$0x3FB0] =	sst s9;
	s0 =	simm.s32 @!p0 $0x0  }
0x12: {  	s1 =	sld [smem:$0x3F96];
	s0 =	simm.s32 @p0 $0x1  }
0x13: {  	[smem:$0x3FB1] =	sst s0;
	s0 =	simm.s32 @!p1 $0x0  }
0x14: {  	s2 =	sld [smem:$0x3F95];
	s0 =	simm.s32 @p1 $0x1  }
0x15: {  	[smem:$0x3FB2] =	sst s0;
	s0 =	simm.s32 @!p2 $0x0  }
0x16: {  	s3 =	sld [smem:$0x3FDB];
	s0 =	simm.s32 @p2 $0x1  }
0x17: {  	s4 =	simm.s32 $0x1BF5;
	[smem:$0x3FB4] =	sst s0  }
0x18: {  	s0 =	sld [smem:$0x3F97];
	_ =	swait.ge [sflag:s4], $0x0  }
0x19: {  	s7 =	sld [smem:$0x3F98]  }
0x1a: {  	s8 =	sadd.s32 $0xFFFFE003, lr  }
0x1b: {  	s9 =	sadd.s32 $0xFFFFFEF7, lr;
	s5 =	simm.s32 $0xFFFFFFFF;
	p2 =	slt.u32 s8, $0xFFFFF086  }
0x1c: {  	p1 =	slt.u32 s9, $0xF7A;
	s5 =	simm.s32 @!p2 $0x0  }
0x1d: {  	s5 =	simm.s32 @p1 $0x1;
	p0 =	seq.s32 s7, s2  }
0x1e: {  	s7 =	smul.u32 @!p0 $0xF7A, s2;
	p2 =	seq.s32 @!p0 s5, $0x0  }
0x1f: {  	s9 =	smul.u32 $0xF7A, s1;
	s8 =	simm.s32 @!p0 $0x1BF5;
	p2 =	por !p2, p0  }
0x20: {  	[sflag:s8] =	ssyncset.s32 @!p0 $0xFFFFF086;
	s6 =	sadd.s32 @!p0 s3, s7;
	s7 =	simm.s32 @!p0 $0x108  }
0x21: {  	s3 =	sadd.s32 s3, s9;
	s6 =	sadd.s32 @!p0 $0x88, s6;
	s7 =	simm.s32 @p2 $0x1082  }
0x22: {  	[simem:s7], [sflag:s8] =	dma.local @!p0 [hbm:s6], $0xF7A  }
0x23: {  	s9 =	sor.u32 $0xD0000000, s2;
	s6 =	simm.s32 $0x108;
	_ =	swait.ge @!p0 [sflag:s8], $0x0  }
0x24: {  	s3 =	sadd.s32 $0x88, s3;
	s6 =	simm.s32 @!p1 $0x1082;
	[sflag:s4] =	ssyncset.s32 $0xFFFFF086  }
0x25: {  	[simem:s6], [sflag:s4] =	dma.local [hbm:s3], $0xF7A  }
0x26: {  	[smem:$0x3F98] =	sst s1;
	(tag) =	ssettag s2;
	_ =	strace s9  }
0x27: {  	s1 =	sld [smem:$0x3FA8]  }
0x28: {  	s2 =	sld [smem:$0x3FA9]  }
0x29: {  	s4 =	sld [smem:$0x3FAB]  }
0x2a: {  	p0 =	seq.s32 s5, $0x0;
	s5 =	sld [smem:$0x3FAC]  }
0x2b: {  	s6 =	sld [smem:$0x3FAD]  }
0x2c: {  	s7 =	sld [smem:$0x3FAE]  }
0x2d: {  	s3 =	simm.s32 $0x108;
	s8 =	sld [smem:$0x3FAF]  }
0x2e: {  	s3 =	simm.s32 @!p0 $0x1082;
	s9 =	sld [smem:$0x3FB0]  }
0x2f: {  	lr =	sadd.s32 s0, s3;
	s0 =	sld [smem:$0x3FA7]  }
0x30: {  	s3 =	sld [smem:$0x3FAA]  }
0x31: {  	[smem:$0x3FB3] =	sst s10  }
0x32: {  	s10 =	sld [smem:$0x3FB1];
	_ =	sdelay $0x3  }
0x33: {  	p0 =	seq.s32 s10, $0x1;
	s10 =	sld [smem:$0x3FB3];
	_ =	sdelay $0x3  }
0x34: {  	[smem:$0x3FB3] =	sst s10  }
0x35: {  	s10 =	sld [smem:$0x3FB2];
	_ =	sdelay $0x3  }
0x36: {  	p1 =	seq.s32 s10, $0x1;
	s10 =	sld [smem:$0x3FB3];
	_ =	sdelay $0x3  }
0x37: {  	[smem:$0x3FB3] =	sst s10  }
0x38: {  	s10 =	sld [smem:$0x3FB4]  }
0x39: {  	_ = 	snop;
	(pc) =	sbr.ind lr, $3  }
0x3a: {  	_ = 	snop  }
0x3b: {  	_ = 	snop  }
0x3c: {  	p2 =	seq.s32 s10, $0x1;
	s10 =	sld [smem:$0x3FB3]  }
0x3d: {  	_ =	shalt  }
0x3e: {  	_ =	shalt  }
0x3f: {  	_ =	shalt  }
0x40: {  	_ =	shalt  }
0x41: {  	_ =	shalt  }
0x42: {  	_ =	shalt  }
0x43: {  	_ =	shalt  }
0x44: {  	_ =	shalt  }
0x45: {  	_ =	shalt  }
0x46: {  	_ =	shalt  }
0x47: {  	_ =	shalt  }
0x48: {  	_ =	shalt  }
0x49: {  	_ =	shalt  }
0x4a: {  	_ =	shalt  }
0x4b: {  	_ =	shalt  }
0x4c: {  	_ =	shalt  }
0x4d: {  	_ =	shalt  }
0x4e: {  	_ =	shalt  }
0x4f: {  	_ =	shalt  }
0x50: {  	_ =	shalt  }
0x51: {  	_ =	shalt  }
0x52: {  	_ =	shalt  }
0x53: {  	_ =	shalt  }
0x54: {  	_ =	shalt  }
0x55: {  	_ =	shalt  }
0x56: {  	_ =	shalt  }
0x57: {  	_ =	shalt  }
0x58: {  	_ =	shalt  }
0x59: {  	_ =	shalt  }
0x5a: {  	_ =	shalt  }
0x5b: {  	_ =	shalt  }
0x5c: {  	_ =	shalt  }
0x5d: {  	_ =	shalt  }
0x5e: {  	_ =	shalt  }
0x5f: {  	_ =	shalt  }
0x60: {  	_ =	shalt  }
0x61: {  	_ =	shalt  }
0x62: {  	_ =	shalt  }
0x63: {  	_ =	shalt  }
0x64: {  	_ =	shalt  }
0x65: {  	_ =	shalt  }
0x66: {  	_ =	shalt  }
0x67: {  	_ =	shalt  }
0x68: {  	_ =	shalt  }
0x69: {  	_ =	shalt  }
0x6a: {  	_ =	shalt  }
0x6b: {  	_ =	shalt  }
0x6c: {  	_ =	shalt  }
0x6d: {  	_ =	shalt  }
0x6e: {  	_ =	shalt  }
0x6f: {  	_ =	shalt  }
0x70: {  	_ =	shalt  }
0x71: {  	_ =	shalt  }
0x72: {  	_ =	shalt  }
0x73: {  	_ =	shalt  }
0x74: {  	_ =	shalt  }
0x75: {  	_ =	shalt  }
0x76: {  	_ =	shalt  }
0x77: {  	_ =	shalt  }
0x78: {  	_ =	shalt  }
0x79: {  	_ =	shalt  }
0x7a: {  	_ =	shalt  }
0x7b: {  	_ =	shalt  }
0x7c: {  	_ =	shalt  }
0x7d: {  	_ =	shalt  }
0x7e: {  	_ =	shalt  }
0x7f: {  	_ =	shalt  }
0x80: {  	_ =	shalt  }
0x81: {  	_ =	shalt  }
0x82: {  	_ =	shalt  }
0x83: {  	_ =	shalt  }
0x84: {  	_ =	shalt  }
0x85: {  	_ =	shalt  }
0x86: {  	_ =	shalt  }
0x87: {  	_ =	shalt  }
.Lfunc_end0:
.L_simem_size_0:
called_computation.1_lowered:
.L_overlay_start_0:
0x88: {  	s2 =	sld [smem:$0x3FD9]  }
0x89: {  	s3 =	sld [smem:$0x3FFE];
	_ =	sdelay $0x1  }
0x8a: {  	s1 =	srdreg.scid  }
0x8b: {  	s0 =	sand.u32 $0x1, s1  }
0x8c: {  	s14 =	sshll.u32 s0, $0xA;
	s2 =	sadd.s32 s3, s2  }
0x8d: {  	s2 =	sadd.s32 s2, s14  }
0x8e: {  	[smem:$0x3FBF] =	sst s2  }
0x8f: {  	_ = 	snop  }
0x90: {  	s2 =	sld [smem:$0x3FD0];
	_ =	sdelay $0x2  }
0x91: {  	s15 =	simm.s32 $0xA;
	s4 =	simm.s32 $0x10  }
0x92: {  	[smem:s4], [sflag:s15] =	dma.local [hbm:s2], $0x1  }
0x93: {  	_ =	swait.eq [sflag:s15], $0x1  }
0x94: {  	[sflag:s15] =	ssyncset.done $0x0  }
0x95: {  	s16 =	sld [smem:$0x10];
	[sflag:s15] =	ssyncadd.s32 $0xFFFFFFFF  }
0x96: {  	s17 =	sld [smem:$0x11];
	(tm) =	ssettm $0x1  }
0x97: {  	s18 =	sld [smem:$0x3FFB];
	_ =	sdelay $0x3  }
0x98: {  	_ =	strace s18  }
0x99: {  	s4 =	sld [smem:$0x3FFC];
	_ =	sdelay $0x3  }
0x9a: {  	_ =	strace s4  }
0x9b: {  	s4 =	sld [smem:$0x3FFD];
	_ =	sdelay $0x3  }
0x9c: {  	_ =	strace s4  }
0x9d: {  	_ =	strace $0x8FFFFFFF  }
0x9e: {  	s19 =	sld [smem:$0x3FDB];
	_ =	sdelay $0x1  }
0x9f: {  	s5 =	simm.s32 $_scs_section_size  }
0xa0: {  	s6 =	simm.s32 $_size__tile_overlayer_lowered;
	s7 =	simm.s32 $_tile_overlayer_lowered  }
0xa1: {  	s22 =	simm.s32 $0x1BFF;
	s21 =	sshll.u32 s7, $0x1;
	s4 =	sadd.s32 s5, s19  }
0xa2: {  	s8 =	simm.s32 $0x0;
	s20 =	sshll.u32 s6, $0x1;
	s6 =	sadd.s32 s21, s4  }
0xa3: {  	[timem:s8], [sflag:s22] =	dma.local [hbm:s6], s20  }
0xa4: {  	_ =	swait.ge [sflag:s22], s20  }
0xa5: {  	s5 =	ssub.s32 $0x0, s20;
	[sflag:s22] =	ssyncset.done $0x0  }
0xa6: {  	[sflag:s22] =	ssyncadd.s32 s5;
	_ =	sdelay $0x1  }
0xa7: {  	s23 =	simm.s32 $0x1B8B  }
0xa8: {  	_ =	swait.ge [sflag:s23], $0x1  }
0xa9: {  	[sflag:s23] =	ssyncset.done $0x0  }
0xaa: {  	s25 =	simm.s32 $0x1B8E;
	s24 =	sld [smem:$0x3FFE];
	[sflag:s23] =	ssyncadd.s32 $0xFFFFFFFF  }
0xab: {  	s26 =	simm.s32 $execute0_lowered;
	[smem:$0x3FD2] =	sst s25  }
0xac: {  	s6 =	sshll.u32 s26, $0x1;
	_ =	strace $0x80000049;
	[dreg:$0x1] =	wrdreg $0xFFFFFFFF  }
0xad: {  	s28 =	simm.s32 $_size_execute0_lowered;
	s4 =	sadd.s32 s4, s6;
	[dreg:$0x0] =	wrdreg $0x0  }
0xae: {  	s6 =	sshll.u32 s28, $0x1;
	[dreg:$0x2] =	wrdreg s4  }
0xaf: {  	[dreg:$0x3] =	wrdreg s6  }
0xb0: {  	[dreg:$0x4] =	wrdreg $0xC0  }
0xb1: {  	_ =	task [dreg:s8], $0x5FFFF  }
0xb2: {  	[dreg:$0x1] =	wrdreg $0xFFFFFFFF  }
0xb3: {  	[dreg:$0x0] =	wrdreg $0x60  }
0xb4: {  	[dreg:$0x2] =	wrdreg s17  }
0xb5: {  	[dreg:$0x3] =	wrdreg s16  }
0xb6: {  	[dreg:$0x4] =	wrdreg s24  }
0xb7: {  	[dreg:$0x5] =	wrdreg $0x9  }
0xb8: {  	_ =	task.clear_ibuf [dreg:s8], $0x6FFFF;
	_ =	strace $0x90000049  }
0xb9: {  	s29 =	simm.s32 $0x9;
	_ =	strace $0x8000004B  }
0xba: {  	_ =	swait.ge [sflag:s29], $0x1  }
0xbb: {  	[sflag:s29] =	ssyncadd.s32 $0xFFFFFFFF  }
0xbc: {  	_ =	strace $0x9000004B  }
0xbd: {  	_ =	sfence  }
0xbe: {  	s30 =	sld [smem:$0x0];
	_ =	sdelay $0x2  }
0xbf: {  	s31 =	sshll.u32 s1, $0xD;
	s1 =	sshrl.u32 s1, $0x2  }
0xc0: {  	s3 =	sand.u32 $0x4000, s31;
	s1 =	sadd.s32 s1, s30  }
0xc1: {  	s0 =	sor.u32 s3, s0;
	s1 =	sshll.u32 s1, $0x11  }
0xc2: {  	s0 =	sor.u32 s1, s0  }
0xc3: {  	s0 =	sadd.s32 $0x8F2B, s0  }
0xc4: {  	[sflag:s0] =	ssyncadd.remote.s32 $0x1  }
0xc5: {  	_ =	sfence.sel $0xFFFF  }
0xc6: {  	[dreg:$0x0] =	wrdreg $0xFFFFFFFF;
	(pc) =	sbr.abs _section_cstart, $3  }
0xc7: {  	[dreg:$0x1] =	wrdreg $0xFFFFFFFF  }
0xc8: {  	_ =	task.clear_ibuf [dreg:s8], $0x2FFFF;
	_ =	strace $0x9FFFFFFF  }
0xc9: {  	(tm) =	ssettm $0x7FFFFFFF  }
tec
execute0_lowered:
.L_overlay_start_1:
0x0: {  	(tag) =	ssettag $0x1  }
0x1: {  	s2 =	rddreg [dreg:$0x0]  }
0x2: {  	s4 =	rddreg [dreg:$0x1]  }
0x3: {  	s1 =	srdreg.scid;
	s0 =	stileid.u32  }
0x4: {  	s12 =	rddreg [dreg:$0x2];
	s28 =	sand.u32 $0x1, s1;
	s5 =	sshll.u32 s0, $0x1  }
0x5: {  	s3 =	simm.s32 $0x0;
	s1 =	rddreg [dreg:$0x3];
	s13 =	sor.u32 s28, s5  }
0x6: {  	[smem:$0x7FF] =	sst s3;
	s5 =	sshll.u32 s13, $0x7  }
0x7: {  	_ =	strace $0x8000004A;
	s4 =	sadd.s32 s4, s5;
	s5 =	simm.s32 $0x3  }
0x8: {  	[tilespmem:s3], [sflag:$0x3] =	stream.linear.gather [hbm4b:s4+s3], $0x400, $0x38;
	[tilespmem:$0x10400] =	vst v63  }
0x9: {  	_ =	swait.ge [sflag:s5], $0x400  }
0xa: {  	[sflag:s5] =	ssyncset.done $0x0  }
0xb: {  	s6 =	simm.s32 $0x80;
	s7 =	simm.s32 $0x400;
	[sflag:s5] =	ssyncadd.s32 $0xFFFFFC00  }
0xc: {  	[tilespmem:s7], [sflag:$0x1] =	stream.indirect.gather [hbm4b:s2+s6], $0x80, s3, s6, $0xb8;
	[tilespmem:$0x10400] =	vst v63  }
0xd: {  	s8 =	simm.s32 $0x4400  }
0xe: {  	[tilespmem:s8], [sflag:$0x1] =	stream.indirect.gather [hbm4b:s2+s6], $0x80, s6, s6, $0xb8;
	[tilespmem:$0x10400] =	vst v63  }
0xf: {  	s9 =	simm.s32 $0x100;
	s10 =	simm.s32 $0x8400;
	s11 =	simm.s32 $0x1  }
0x10: {  	[tilespmem:s10], [sflag:$0x1] =	stream.indirect.gather [hbm4b:s2+s6], $0x80, s9, s6, $0xb8;
	[tilespmem:$0x10400] =	vst v63  }
0x11: {  	s13 =	sshll.u32 s13, $0xE;
	_ =	swait.ge [sflag:s11], $0x4000  }
0x12: {  	s26 =	sadd.s32 s13, s12;
	[sflag:s11] =	ssyncset.done $0x0  }
0x13: {  	s12 =	sadd.s32 $0x2200, s26;
	[sflag:s11] =	ssyncadd.s32 $0xFFFFC000  }
0x14: {  	[hbm4b:s12+s3] =	stream.linear.scatter [tilespmem:s7], [sflag:$0x2], $0x4000, $0x38;
	[tilespmem:$0x10400] =	vst v63  }
0x15: {  	s14 =	simm.s32 $0xC400;
	s13 =	simm.s32 $0x180  }
0x16: {  	[tilespmem:s14], [sflag:$0x1] =	stream.indirect.gather [hbm4b:s2+s6], $0x80, s13, s6, $0xb8;
	[tilespmem:$0x10400] =	vst v63  }
0x17: {  	_ =	swait.ge [sflag:s11], $0x4000  }
0x18: {  	[sflag:s11] =	ssyncset.done $0x0  }
0x19: {  	s15 =	simm.s32 $0x2;
	s16 =	sadd.s32 $0x2A00, s26;
	[sflag:s11] =	ssyncadd.s32 $0xFFFFC000  }
0x1a: {  	[hbm4b:s16+s3] =	stream.linear.scatter [tilespmem:s8], [sflag:$0x2], $0x4000, $0x38;
	[tilespmem:$0x10400] =	vst v63  }
0x1b: {  	_ =	swait.ge [sflag:s15], $0x4000  }
0x1c: {  	[sflag:s15] =	ssyncset.done $0x0  }
0x1d: {  	s17 =	simm.s32 $0x200;
	[sflag:s15] =	ssyncadd.s32 $0xFFFFC000  }
0x1e: {  	[tilespmem:s7], [sflag:$0x1] =	stream.indirect.gather [hbm4b:s2+s6], $0x80, s17, s6, $0xb8;
	[tilespmem:$0x10400] =	vst v63  }
0x1f: {  	_ =	swait.ge [sflag:s11], $0x4000  }
0x20: {  	[sflag:s11] =	ssyncset.done $0x0  }
0x21: {  	s18 =	sadd.s32 $0x3200, s26;
	[sflag:s11] =	ssyncadd.s32 $0xFFFFC000  }
0x22: {  	[hbm4b:s18+s3] =	stream.linear.scatter [tilespmem:s10], [sflag:$0x2], $0x4000, $0x38;
	[tilespmem:$0x10400] =	vst v63  }
0x23: {  	_ =	swait.ge [sflag:s15], $0x4000  }
0x24: {  	[sflag:s15] =	ssyncset.done $0x0  }
0x25: {  	s19 =	simm.s32 $0x280;
	[sflag:s15] =	ssyncadd.s32 $0xFFFFC000  }
0x26: {  	[tilespmem:s8], [sflag:$0x1] =	stream.indirect.gather [hbm4b:s2+s6], $0x80, s19, s6, $0xb8;
	[tilespmem:$0x10400] =	vst v63  }
0x27: {  	_ =	swait.ge [sflag:s11], $0x4000  }
0x28: {  	[sflag:s11] =	ssyncset.done $0x0  }
0x29: {  	s20 =	sadd.s32 $0x3A00, s26;
	[sflag:s11] =	ssyncadd.s32 $0xFFFFC000  }
0x2a: {  	[hbm4b:s20+s3] =	stream.linear.scatter [tilespmem:s14], [sflag:$0x2], $0x4000, $0x38;
	[tilespmem:$0x10400] =	vst v63  }
0x2b: {  	_ =	swait.ge [sflag:s15], $0x4000  }
0x2c: {  	[sflag:s15] =	ssyncset.done $0x0  }
0x2d: {  	s21 =	simm.s32 $0x300;
	[sflag:s15] =	ssyncadd.s32 $0xFFFFC000  }
0x2e: {  	[tilespmem:s10], [sflag:$0x1] =	stream.indirect.gather [hbm4b:s2+s6], $0x80, s21, s6, $0xb8;
	[tilespmem:$0x10400] =	vst v63  }
0x2f: {  	_ =	swait.ge [sflag:s11], $0x4000  }
0x30: {  	[sflag:s11] =	ssyncset.done $0x0  }
0x31: {  	s22 =	sadd.s32 $0x4200, s26;
	[sflag:s11] =	ssyncadd.s32 $0xFFFFC000  }
0x32: {  	[hbm4b:s22+s3] =	stream.linear.scatter [tilespmem:s7], [sflag:$0x2], $0x4000, $0x38;
	[tilespmem:$0x10400] =	vst v63  }
0x33: {  	_ =	swait.ge [sflag:s15], $0x4000  }
0x34: {  	[sflag:s15] =	ssyncset.done $0x0  }
0x35: {  	s23 =	simm.s32 $0x380;
	[sflag:s15] =	ssyncadd.s32 $0xFFFFC000  }
0x36: {  	[tilespmem:s14], [sflag:$0x1] =	stream.indirect.gather [hbm4b:s2+s6], $0x80, s23, s6, $0xb8;
	[tilespmem:$0x10400] =	vst v63  }
0x37: {  	_ =	swait.ge [sflag:s11], $0x4000  }
0x38: {  	[sflag:s11] =	ssyncset.done $0x0  }
0x39: {  	s24 =	sadd.s32 $0x4A00, s26;
	[sflag:s11] =	ssyncadd.s32 $0xFFFFC000  }
0x3a: {  	[hbm4b:s24+s3] =	stream.linear.scatter [tilespmem:s8], [sflag:$0x2], $0x4000, $0x38;
	[tilespmem:$0x10400] =	vst v63  }
0x3b: {  	_ =	swait.ge [sflag:s11], $0x4000  }
0x3c: {  	[sflag:s11] =	ssyncset.done $0x0  }
0x3d: {  	s25 =	sadd.s32 $0x5200, s26;
	[sflag:s11] =	ssyncadd.s32 $0xFFFFC000  }
0x3e: {  	[hbm4b:s25+s3] =	stream.linear.scatter [tilespmem:s10], [sflag:$0x2], $0x4000, $0x38;
	[tilespmem:$0x10400] =	vst v63  }
0x3f: {  	_ =	swait.ge [sflag:s11], $0x4000  }
0x40: {  	[sflag:s11] =	ssyncset.done $0x0  }
0x41: {  	s26 =	sadd.s32 $0x5A00, s26;
	[sflag:s11] =	ssyncadd.s32 $0xFFFFC000  }
0x42: {  	[hbm4b:s26+s3] =	stream.linear.scatter [tilespmem:s14], [sflag:$0x2], $0x4000, $0x38;
	[tilespmem:$0x10400] =	vst v63  }
0x43: {  	_ =	swait.ge [sflag:s15], $0x4000  }
0x44: {  	s28 =	ssub.s32 $0x2, s28;
	[sflag:s15] =	ssyncset.done $0x0  }
0x45: {  	s29 =	sshrl.u32 s28, $0x1;
	[sflag:s15] =	ssyncadd.s32 $0xFFFFC000  }
0x46: {  	s28 =	ssub.s32 s28, s29;
	_ =	swait.ge [sflag:s15], $0x4000  }
0x47: {  	s28 =	smax.u32 s28, $0x1;
	[sflag:s15] =	ssyncset.done $0x0  }
0x48: {  	p0 =	sne.s32 s28, $0x1;
	[sflag:s15] =	ssyncadd.s32 $0xFFFFC000  }
.Ltmp0:
0x49: {  	_ =	swait.ge [sflag:s15], $0x4000;
	(pc) =	sbr.rel @!p0 .LBB2_2-.Ltmp0, $4  }
0x4a: {  	[sflag:s15] =	ssyncset.done $0x0  }
0x4b: {  	[sflag:s15] =	ssyncadd.s32 $0xFFFFC000  }
0x4c: {  	_ =	swait.ge [sflag:s15], $0x4000  }
0x4d: {  	s28 =	sadd.s32 $0xFFFFFFFF, s28;
	[sflag:s15] =	ssyncset.done $0x0  }
.LBB2_1:
0x4e: {  	p0 =	sne.s32 s28, $0x1;
	s28 =	sadd.s32 $0xFFFFFFFF, s28;
	[sflag:s15] =	ssyncadd.s32 $0xFFFFC000  }
0x4f: {  	[tilespmem:s3], [sflag:$0x3] =	stream.linear.gather [hbm4b:s4+s3], $0x400, $0x38;
	[tilespmem:$0x10400] =	vst v63  }
0x50: {  	_ =	swait.ge [sflag:s5], $0x400  }
0x51: {  	[sflag:s5] =	ssyncset.done $0x0  }
0x52: {  	[sflag:s5] =	ssyncadd.s32 $0xFFFFFC00  }
0x53: {  	[tilespmem:s7], [sflag:$0x1] =	stream.indirect.gather [hbm4b:s2+s6], $0x80, s3, s6, $0xb8;
	[tilespmem:$0x10400] =	vst v63  }
0x54: {  	_ = 	snop  }
0x55: {  	[tilespmem:s8], [sflag:$0x1] =	stream.indirect.gather [hbm4b:s2+s6], $0x80, s6, s6, $0xb8;
	[tilespmem:$0x10400] =	vst v63  }
0x56: {  	_ = 	snop  }
0x57: {  	[tilespmem:s10], [sflag:$0x1] =	stream.indirect.gather [hbm4b:s2+s6], $0x80, s9, s6, $0xb8;
	[tilespmem:$0x10400] =	vst v63  }
0x58: {  	_ =	swait.ge [sflag:s11], $0x4000  }
0x59: {  	[sflag:s11] =	ssyncset.done $0x0  }
0x5a: {  	[sflag:s11] =	ssyncadd.s32 $0xFFFFC000  }
0x5b: {  	[hbm4b:s12+s3] =	stream.linear.scatter [tilespmem:s7], [sflag:$0x2], $0x4000, $0x38;
	[tilespmem:$0x10400] =	vst v63  }
0x5c: {  	_ = 	snop  }
0x5d: {  	[tilespmem:s14], [sflag:$0x1] =	stream.indirect.gather [hbm4b:s2+s6], $0x80, s13, s6, $0xb8;
	[tilespmem:$0x10400] =	vst v63  }
0x5e: {  	_ =	swait.ge [sflag:s11], $0x4000  }
0x5f: {  	[sflag:s11] =	ssyncset.done $0x0  }
0x60: {  	[sflag:s11] =	ssyncadd.s32 $0xFFFFC000  }
0x61: {  	[hbm4b:s16+s3] =	stream.linear.scatter [tilespmem:s8], [sflag:$0x2], $0x4000, $0x38;
	[tilespmem:$0x10400] =	vst v63  }
0x62: {  	_ =	swait.ge [sflag:s15], $0x4000  }
0x63: {  	[sflag:s15] =	ssyncset.done $0x0  }
0x64: {  	[sflag:s15] =	ssyncadd.s32 $0xFFFFC000  }
0x65: {  	[tilespmem:s7], [sflag:$0x1] =	stream.indirect.gather [hbm4b:s2+s6], $0x80, s17, s6, $0xb8;
	[tilespmem:$0x10400] =	vst v63  }
0x66: {  	_ =	swait.ge [sflag:s11], $0x4000  }
0x67: {  	[sflag:s11] =	ssyncset.done $0x0  }
0x68: {  	[sflag:s11] =	ssyncadd.s32 $0xFFFFC000  }
0x69: {  	[hbm4b:s18+s3] =	stream.linear.scatter [tilespmem:s10], [sflag:$0x2], $0x4000, $0x38;
	[tilespmem:$0x10400] =	vst v63  }
0x6a: {  	_ =	swait.ge [sflag:s15], $0x4000  }
0x6b: {  	[sflag:s15] =	ssyncset.done $0x0  }
0x6c: {  	[sflag:s15] =	ssyncadd.s32 $0xFFFFC000  }
0x6d: {  	[tilespmem:s8], [sflag:$0x1] =	stream.indirect.gather [hbm4b:s2+s6], $0x80, s19, s6, $0xb8;
	[tilespmem:$0x10400] =	vst v63  }
0x6e: {  	_ =	swait.ge [sflag:s11], $0x4000  }
0x6f: {  	[sflag:s11] =	ssyncset.done $0x0  }
0x70: {  	[sflag:s11] =	ssyncadd.s32 $0xFFFFC000  }
0x71: {  	[hbm4b:s20+s3] =	stream.linear.scatter [tilespmem:s14], [sflag:$0x2], $0x4000, $0x38;
	[tilespmem:$0x10400] =	vst v63  }
0x72: {  	_ =	swait.ge [sflag:s15], $0x4000  }
0x73: {  	[sflag:s15] =	ssyncset.done $0x0  }
0x74: {  	[sflag:s15] =	ssyncadd.s32 $0xFFFFC000  }
0x75: {  	[tilespmem:s10], [sflag:$0x1] =	stream.indirect.gather [hbm4b:s2+s6], $0x80, s21, s6, $0xb8;
	[tilespmem:$0x10400] =	vst v63  }
0x76: {  	_ =	swait.ge [sflag:s11], $0x4000  }
0x77: {  	[sflag:s11] =	ssyncset.done $0x0  }
0x78: {  	[sflag:s11] =	ssyncadd.s32 $0xFFFFC000  }
0x79: {  	[hbm4b:s22+s3] =	stream.linear.scatter [tilespmem:s7], [sflag:$0x2], $0x4000, $0x38;
	[tilespmem:$0x10400] =	vst v63  }
0x7a: {  	_ =	swait.ge [sflag:s15], $0x4000  }
0x7b: {  	[sflag:s15] =	ssyncset.done $0x0  }
0x7c: {  	[sflag:s15] =	ssyncadd.s32 $0xFFFFC000  }
0x7d: {  	[tilespmem:s14], [sflag:$0x1] =	stream.indirect.gather [hbm4b:s2+s6], $0x80, s23, s6, $0xb8;
	[tilespmem:$0x10400] =	vst v63  }
0x7e: {  	_ =	swait.ge [sflag:s11], $0x4000  }
0x7f: {  	[sflag:s11] =	ssyncset.done $0x0  }
0x80: {  	[sflag:s11] =	ssyncadd.s32 $0xFFFFC000  }
0x81: {  	[hbm4b:s24+s3] =	stream.linear.scatter [tilespmem:s8], [sflag:$0x2], $0x4000, $0x38;
	[tilespmem:$0x10400] =	vst v63  }
0x82: {  	_ =	swait.ge [sflag:s11], $0x4000  }
0x83: {  	[sflag:s11] =	ssyncset.done $0x0  }
0x84: {  	[sflag:s11] =	ssyncadd.s32 $0xFFFFC000  }
0x85: {  	[hbm4b:s25+s3] =	stream.linear.scatter [tilespmem:s10], [sflag:$0x2], $0x4000, $0x38;
	[tilespmem:$0x10400] =	vst v63  }
0x86: {  	_ =	swait.ge [sflag:s11], $0x4000  }
0x87: {  	[sflag:s11] =	ssyncset.done $0x0  }
0x88: {  	[sflag:s11] =	ssyncadd.s32 $0xFFFFC000  }
0x89: {  	[hbm4b:s26+s3] =	stream.linear.scatter [tilespmem:s14], [sflag:$0x2], $0x4000, $0x38;
	[tilespmem:$0x10400] =	vst v63  }
0x8a: {  	_ =	swait.ge [sflag:s15], $0x4000  }
0x8b: {  	[sflag:s15] =	ssyncset.done $0x0  }
0x8c: {  	[sflag:s15] =	ssyncadd.s32 $0xFFFFC000  }
0x8d: {  	_ =	swait.ge [sflag:s15], $0x4000  }
0x8e: {  	[sflag:s15] =	ssyncset.done $0x0  }
0x8f: {  	[sflag:s15] =	ssyncadd.s32 $0xFFFFC000  }
.Ltmp1:
0x90: {  	_ =	swait.ge [sflag:s15], $0x4000;
	(pc) =	sbr.rel @p0 .LBB2_1-.Ltmp1, $4  }
0x91: {  	[sflag:s15] =	ssyncset.done $0x0  }
0x92: {  	[sflag:s15] =	ssyncadd.s32 $0xFFFFC000  }
0x93: {  	_ =	swait.ge [sflag:s15], $0x4000  }
0x94: {  	[sflag:s15] =	ssyncset.done $0x0  }
.LBB2_2:
0x95: {  	[sflag:s15] =	ssyncadd.s32 $0xFFFFC000  }
0x96: {  	_ =	sfence.sel $0x180000  }
0x97: {  	[bflag:$0x0] =	sbarrier.arrive $0xFFFF  }
0x98: {  	p0 =	sne.s32 s0, $0x0;
	_ =	strace $0x9000004A  }
0x99: {  	s0 =	sadd.s32 @!p0 $0x100000, s1;
	[bflag:$0x2] =	sbarrier.arrive $0xFFFF  }
0x9a: {  	[sflag:s0] =	ssyncadd.tile.s32 @!p0 $0x1;
	_ =	shalt  }
.Lfunc_end2:
_tile_overlayer_lowered:
.L_overlay_start_2:
0x9b: {  	(tag) =	ssettag $0x2  }
0x9c: {  	s0 =	rddreg [dreg:$0x0];
	s2 =	stileid.u32  }
0x9d: {  	s1 =	rddreg [dreg:$0x1];
	p0 =	sne.s32 s2, $0x0  }
0x9e: {  	s3 =	rddreg [dreg:$0x2];
	[bflag:$0x3] =	sbarrier.arrive $0xFFFF;
	s2 =	simm.s32 @!p0 $0x1C03  }
0x9f: {  	[timem:s3], [sflag:s2] =	dma.local @!p0 [hbm:s0], s1  }
0xa0: {  	s0 =	simm.s32 @!p0 $0x3  }
0xa1: {  	_ =	swait.ge @!p0 [sflag:s0], s1  }
0xa2: {  	s1 =	ssub.s32 @!p0 $0x0, s1;
	[sflag:s0] =	ssyncset.done @!p0 $0x0  }
0xa3: {  	[sflag:s0] =	ssyncadd.s32 @!p0 s1  }
0xa4: {  	[bflag:$0x3] =	sbarrier.arrive $0xFFFF  }
0xa5: {  	_ =	shalt  }

</sc_bundles>
